<compile_context>
chip_gen: v7x
topology: tpu7x:2x2x1
jax: 0.10.2.dev20260603
libtpu: 0.0.44.dev20260713+nightly
codegen_flags: <defaults>
</compile_context>

<pallas_src>
import dataclasses
import functools

import jax
import jax.numpy as jnp
from jax import lax
from jax.experimental import pallas as pl
from jax.experimental.pallas import tpu as pltpu
from jax.experimental.pallas import tpu_sc as plsc

N = 10000
D = 128
HALF_D = D // 2
E = 320000
HOPS = 3

NC = 2
NS = 16
LANES = 16

GCHUNK = 32
NCHAIN = 4
SUPER = 512
GPS = SUPER // GCHUNK
NSUPER = E // SUPER
SUPER_PER_TILE = -(-NSUPER // NS)
IDX_ROWS = E // GCHUNK
TRASH = HOPS * N
ACC_ROWS = TRASH + 80
WB_ROWS = ACC_ROWS // NS


def _sc_body(xs_hbm, src_hbm, tgt_hbm, out_hbm,
             gidx2, sidx2, rows0, rows1, rows2, rows3,
             sem_i0, sem_i1, sem_g0, sem_g1, sem_g2, sem_g3,
             sem_s0, sem_s1, sem_s2, sem_s3, acc):
    c = lax.axis_index("c")
    tid = lax.axis_index("s")
    rows = (rows0, rows1, rows2, rows3)
    sem_i = (sem_i0, sem_i1)
    sem_g = (sem_g0, sem_g1, sem_g2, sem_g3)
    sem_s = (sem_s0, sem_s1, sem_s2, sem_s3)

    @pl.loop(0, GCHUNK)
    def _(i):
        @pl.loop(0, HALF_D, step=LANES)
        def _(j):
            rows0[i, pl.ds(j, LANES)] = jnp.zeros((LANES,), jnp.float32)

    zbase = tid * WB_ROWS
    NZ = WB_ROWS // GCHUNK

    @pl.loop(0, NZ)
    def _(i):
        pltpu.sync_copy(rows0, acc.at[pl.ds(zbase + i * GCHUNK, GCHUNK), :])

    pltpu.sync_copy(rows0.at[pl.ds(0, WB_ROWS - NZ * GCHUNK), :],
                    acc.at[pl.ds(zbase + NZ * GCHUNK, WB_ROWS - NZ * GCHUNK), :])

    plsc.subcore_barrier()

    def idx_base(s):
        sup = tid + s * NS
        return jnp.where(sup < NSUPER, sup * GPS, 0)

    def start_idx_load(s, p):
        b = idx_base(s)
        pltpu.async_copy(src_hbm.at[pl.ds(b, GPS), :], gidx2.at[p], sem_i[p])
        pltpu.async_copy(tgt_hbm.at[pl.ds(b, GPS), :], sidx2.at[p], sem_i[p])

    def wait_idx_load(s, p):
        b = idx_base(s)
        pltpu.make_async_copy(src_hbm.at[pl.ds(b, GPS), :], gidx2.at[p],
                              sem_i[p]).wait()
        pltpu.make_async_copy(tgt_hbm.at[pl.ds(b, GPS), :], sidx2.at[p],
                              sem_i[p]).wait()

    def run_super(s, p):
        valid = (tid + s * NS) < NSUPER
        wait_idx_load(s, p)

        @pl.when(s + 1 < SUPER_PER_TILE)
        def _():
            start_idx_load(s + 1, 1 - p)

        @pl.loop(0, GPS)
        def _(r):
            @pl.loop(0, GCHUNK, step=LANES)
            def _(j):
                sv = gidx2[p, r, pl.ds(j, LANES)]
                sv = jnp.where(sv >= N, sv - N, sv)
                sv = jnp.where(sv >= N, sv - N, sv)
                gidx2[p, r, pl.ds(j, LANES)] = sv
                tv = sidx2[p, r, pl.ds(j, LANES)]
                sidx2[p, r, pl.ds(j, LANES)] = jnp.where(valid, tv, TRASH)

        xsrc = xs_hbm.at[c]
        h_g = [pltpu.async_copy(xsrc.at[gidx2.at[p, b]], rows[b], sem_g[b])
               for b in range(NCHAIN)]
        h_s = [None] * NCHAIN
        for r in range(GPS):
            b = r % NCHAIN
            h_g[b].wait()
            h_s[b] = pltpu.async_copy(rows[b], acc.at[sidx2.at[p, r]],
                                      sem_s[b], add=True)
            if r + NCHAIN < GPS:
                h_s[b].wait()
                h_g[b] = pltpu.async_copy(
                    xsrc.at[gidx2.at[p, r + NCHAIN]], rows[b], sem_g[b])
        for b in range(NCHAIN):
            h_s[b].wait()

    start_idx_load(0, 0)

    @pl.loop(0, SUPER_PER_TILE, step=2)
    def _(s):
        run_super(s, 0)
        run_super(s + 1, 1)

    plsc.subcore_barrier()

    pltpu.sync_copy(acc.at[pl.ds(zbase, WB_ROWS), :],
                    out_hbm.at[c, pl.ds(zbase, WB_ROWS), :])


def _sc_compiler_params():
    cp = pltpu.CompilerParams()
    fields = pltpu.CompilerParams.__dataclass_fields__
    if "needs_layout_passes" in fields:
        cp = dataclasses.replace(cp, needs_layout_passes=False)
    if "use_tc_tiling_on_sc" in fields:
        cp = dataclasses.replace(cp, use_tc_tiling_on_sc=False)
    return cp


@jax.jit
def _sc_scatter(xs, src, tgt):
    mesh = plsc.VectorSubcoreMesh(core_axis_name="c", subcore_axis_name="s")
    kfn = pl.kernel(
        _sc_body,
        out_type=jax.ShapeDtypeStruct((NC, ACC_ROWS, HALF_D), jnp.float32),
        mesh=mesh,
        scratch_types=[
            pltpu.VMEM((2, GPS, GCHUNK), jnp.int32),
            pltpu.VMEM((2, GPS, GCHUNK), jnp.int32),
            pltpu.VMEM((GCHUNK, HALF_D), jnp.float32),
            pltpu.VMEM((GCHUNK, HALF_D), jnp.float32),
            pltpu.VMEM((GCHUNK, HALF_D), jnp.float32),
            pltpu.VMEM((GCHUNK, HALF_D), jnp.float32),
            pltpu.SemaphoreType.DMA,
            pltpu.SemaphoreType.DMA,
            pltpu.SemaphoreType.DMA,
            pltpu.SemaphoreType.DMA,
            pltpu.SemaphoreType.DMA,
            pltpu.SemaphoreType.DMA,
            pltpu.SemaphoreType.DMA,
            pltpu.SemaphoreType.DMA,
            pltpu.SemaphoreType.DMA,
            pltpu.SemaphoreType.DMA,
            pltpu.VMEM_SHARED((ACC_ROWS, HALF_D), jnp.float32),
        ],
        compiler_params=_sc_compiler_params(),
    )
    return kfn(xs, src.reshape(IDX_ROWS, GCHUNK), tgt.reshape(IDX_ROWS, GCHUNK))


def _silu(v):
    return v / (1.0 + jnp.exp(-v))


def _mlp_body(x_ref, a0l_ref, a0r_ref, a1l_ref, a1r_ref, a2l_ref, a2r_ref,
              win_ref, bin_ref, wgs_ref, bgs_ref,
              w1a_ref, b1a_ref, w2a_ref, b2a_ref,
              w1b_ref, b1b_ref, w2b_ref, b2b_ref, out_ref):
    feats = jnp.concatenate(
        [x_ref[...], a0l_ref[0], a0r_ref[0], a1l_ref[0], a1r_ref[0],
         a2l_ref[0], a2r_ref[0]], axis=-1)
    h = _silu(jnp.dot(feats, win_ref[...],
                      preferred_element_type=jnp.float32) + bin_ref[...])
    gs = jnp.dot(feats, wgs_ref[...],
                 preferred_element_type=jnp.float32) + bgs_ref[...]
    for w1, b1, w2, b2 in ((w1a_ref, b1a_ref, w2a_ref, b2a_ref),
                           (w1b_ref, b1b_ref, w2b_ref, b2b_ref)):
        skip = h
        h = _silu(jnp.dot(h, w1[...],
                          preferred_element_type=jnp.float32) + b1[...])
        h = jnp.dot(h, w2[...], preferred_element_type=jnp.float32) + b2[...]
        h = h + skip
    out_ref[...] = h + gs


BLK = 1000
NBLK = N // BLK
HOP_STRIDE = N // BLK


def _hop_spec(h, half):
    return pl.BlockSpec((1, BLK, HALF_D),
                        lambda i, h=h, half=half: (half, HOP_STRIDE * h + i, 0))


def _full(shape):
    return pl.BlockSpec(shape, lambda i: (0,) * len(shape))


@jax.jit
def _mlp(x, acc, W_in, b_in, W_gs, b_gs, W1a, b1a, W2a, b2a, W1b, b1b, W2b, b2b):
    specs = [
        pl.BlockSpec((BLK, D), lambda i: (i, 0)),
        _hop_spec(0, 0), _hop_spec(0, 1),
        _hop_spec(1, 0), _hop_spec(1, 1),
        _hop_spec(2, 0), _hop_spec(2, 1),
        _full((HOPS * D + D, D)), _full((1, D)),
        _full((HOPS * D + D, D)), _full((1, D)),
        _full((D, D)), _full((1, D)), _full((D, D)), _full((1, D)),
        _full((D, D)), _full((1, D)), _full((D, D)), _full((1, D)),
    ]
    return pl.pallas_call(
        _mlp_body,
        grid=(NBLK,),
        in_specs=specs,
        out_specs=pl.BlockSpec((BLK, D), lambda i: (i, 0)),
        out_shape=jax.ShapeDtypeStruct((N, D), jnp.float32),
    )(x, acc, acc, acc, acc, acc, acc,
      W_in, b_in.reshape(1, D), W_gs, b_gs.reshape(1, D),
      W1a, b1a.reshape(1, D), W2a, b2a.reshape(1, D),
      W1b, b1b.reshape(1, D), W2b, b2b.reshape(1, D))


def kernel(x, target, src, W_in, b_in, W_gs, b_gs,
           W1a, b1a, W2a, b2a, W1b, b1b, W2b, b2b):
    xs = jnp.stack([x[:, :HALF_D], x[:, HALF_D:]])
    acc = _sc_scatter(xs, src, target)
    return _mlp(x, acc, W_in, b_in, W_gs, b_gs,
                W1a, b1a, W2a, b2a, W1b, b1b, W2b, b2b)

# --- scband reference (transcript-rebuilt; emitter-appended) ---
"""Pipeline reference for scband-shell-convolution-layer-66022237274250 (READ-ONLY COPY).

The authoritative reference and input builder live on the scoring server;
editing this copy changes nothing except your own understanding.
"""

import jax, jax.numpy as jnp
import numpy as np

N = 10000
D = 128
E = 320000
HOPS = 3
OUT = 128
IN = D * (HOPS + 1)


def setup_inputs(seed: int = 0) -> dict:
    key = jax.random.key(seed)
    ks = jax.random.split(key, 16)
    x = jax.random.normal(ks[0], (N, D), dtype=jnp.float32)
    target = jax.random.randint(ks[1], (E,), 0, HOPS * N, dtype=jnp.int32)
    src = jax.random.randint(ks[2], (E,), 0, HOPS * N, dtype=jnp.int32)
    s_in = 1.0 / np.sqrt(IN)
    s_out = 1.0 / np.sqrt(OUT)
    W_in = jax.random.uniform(ks[3], (IN, OUT), dtype=jnp.float32, minval=-s_in, maxval=s_in)
    b_in = jax.random.uniform(ks[4], (OUT,), dtype=jnp.float32, minval=-s_in, maxval=s_in)
    W_gs = jax.random.uniform(ks[5], (IN, OUT), dtype=jnp.float32, minval=-s_in, maxval=s_in)
    b_gs = jax.random.uniform(ks[6], (OUT,), dtype=jnp.float32, minval=-s_in, maxval=s_in)
    W1a = jax.random.uniform(ks[7], (OUT, OUT), dtype=jnp.float32, minval=-s_out, maxval=s_out)
    b1a = jax.random.uniform(ks[8], (OUT,), dtype=jnp.float32, minval=-s_out, maxval=s_out)
    W2a = jax.random.uniform(ks[9], (OUT, OUT), dtype=jnp.float32, minval=-s_out, maxval=s_out)
    b2a = jax.random.uniform(ks[10], (OUT,), dtype=jnp.float32, minval=-s_out, maxval=s_out)
    W1b = jax.random.uniform(ks[11], (OUT, OUT), dtype=jnp.float32, minval=-s_out, maxval=s_out)
    b1b = jax.random.uniform(ks[12], (OUT,), dtype=jnp.float32, minval=-s_out, maxval=s_out)
    W2b = jax.random.uniform(ks[13], (OUT, OUT), dtype=jnp.float32, minval=-s_out, maxval=s_out)
    b2b = jax.random.uniform(ks[14], (OUT,), dtype=jnp.float32, minval=-s_out, maxval=s_out)
    return {"x": x, "target": target, "src": src,
            "W_in": W_in, "b_in": b_in, "W_gs": W_gs, "b_gs": b_gs,
            "W1a": W1a, "b1a": b1a, "W2a": W2a, "b2a": b2a,
            "W1b": W1b, "b1b": b1b, "W2b": W2b, "b2b": b2b}


def reference(x, target, src, W_in, b_in, W_gs, b_gs, W1a, b1a, W2a, b2a, W1b, b1b, W2b, b2b):
    # message passing: repeat features num_hops times, gather by src, scatter-add into target
    expanded = jnp.tile(x, (HOPS, 1))
    source_features = jnp.take(expanded, src, axis=0)
    aggregated = jnp.zeros_like(expanded).at[target].add(source_features)
    chunks = jnp.split(aggregated, HOPS, axis=0)
    input_features = jnp.concatenate([x] + list(chunks), axis=-1)
    h = jax.nn.silu(input_features @ W_in + b_in)
    global_skip = input_features @ W_gs + b_gs
    for (W1, b1, W2, b2) in ((W1a, b1a, W2a, b2a), (W1b, b1b, W2b, b2b)):
        layer_skip = h
        h = jax.nn.silu(h @ W1 + b1)
        h = h @ W2 + b2
        h = h + layer_skip
    return h + global_skip

if __name__ == "__main__":
    import jax
    _d = setup_inputs()
    print(jax.jit(kernel)(*tuple(_d.values())))

</pallas_src>

<mosaic_0001>
#map = affine_map<(d0, d1) -> (0, 0, 0)>
#map1 = affine_map<(d0, d1) -> (0, 0)>
module attributes {stable_mosaic.version = 14 : i64} {
  func.func @_sc_body(%arg0: i32, %arg1: i32, %arg2: memref<2x10000x64xf32, #tpu.memory_space<hbm>>, %arg3: memref<10000x32xi32, #tpu.memory_space<hbm>>, %arg4: memref<10000x32xi32, #tpu.memory_space<hbm>>, %arg5: memref<2x30080x64xf32, #tpu.memory_space<hbm>>, %arg6: memref<2x16x32xi32, #tpu.memory_space<vmem>>, %arg7: memref<2x16x32xi32, #tpu.memory_space<vmem>>, %arg8: memref<32x64xf32, #tpu.memory_space<vmem>>, %arg9: memref<32x64xf32, #tpu.memory_space<vmem>>, %arg10: memref<32x64xf32, #tpu.memory_space<vmem>>, %arg11: memref<32x64xf32, #tpu.memory_space<vmem>>, %arg12: memref<!tpu.dma_semaphore, #tpu.memory_space<semaphore_mem>>, %arg13: memref<!tpu.dma_semaphore, #tpu.memory_space<semaphore_mem>>, %arg14: memref<!tpu.dma_semaphore, #tpu.memory_space<semaphore_mem>>, %arg15: memref<!tpu.dma_semaphore, #tpu.memory_space<semaphore_mem>>, %arg16: memref<!tpu.dma_semaphore, #tpu.memory_space<semaphore_mem>>, %arg17: memref<!tpu.dma_semaphore, #tpu.memory_space<semaphore_mem>>, %arg18: memref<!tpu.dma_semaphore, #tpu.memory_space<semaphore_mem>>, %arg19: memref<!tpu.dma_semaphore, #tpu.memory_space<semaphore_mem>>, %arg20: memref<!tpu.dma_semaphore, #tpu.memory_space<semaphore_mem>>, %arg21: memref<!tpu.dma_semaphore, #tpu.memory_space<semaphore_mem>>, %arg22: memref<30080x64xf32, #tpu.memory_space<vmem_shared>>) attributes {dimension_semantics = [#tpu.dimension_semantics<core_parallel>, #tpu.dimension_semantics<subcore_parallel>], iteration_bounds = array<i64: 2, 16>, scalar_prefetch = 0 : i64, scratch_operands = 17 : i64, tpu.core_type = #tpu.core_type<sc_vector_subcore>, window_params = [{transform_indices = #map}, {transform_indices = #map1}, {transform_indices = #map1}, {transform_indices = #map}]} {
    %scan3A = arith.constant 0 : i32
    %scan3A_0 = arith.constant 32 : i32
    %scan3A_1 = arith.addi %scan3A, %scan3A_0 : i32
    %scan3A_2 = arith.constant 1 : i32
    scf.for %scan3A_47 = %scan3A to %scan3A_1 step %scan3A_2  : i32 {
      %mul3A_48 = arith.constant 1 : i32
      %mul3A_49 = arith.muli %scan3A_47, %mul3A_48 : i32
      %add3A_50 = arith.constant 0 : i32
      %add3A_51 = arith.addi %add3A_50, %mul3A_49 : i32
      %scan3A_52 = arith.constant 0 : i32
      %scan3A_53 = arith.constant 4 : i32
      %scan3A_54 = arith.addi %scan3A_52, %scan3A_53 : i32
      %scan3A_55 = arith.constant 1 : i32
      scf.for %scan3A_57 = %scan3A_52 to %scan3A_54 step %scan3A_55  : i32 {
        %mul3A_58 = arith.constant 16 : i32
        %mul3A_59 = arith.muli %scan3A_57, %mul3A_58 : i32
        %add3A_60 = arith.constant 0 : i32
        %add3A_61 = arith.addi %add3A_60, %mul3A_59 : i32
        %broadcast_in_dim3A = arith.constant 0.000000e+00 : f32
        %broadcast_in_dim3A_62 = vector.broadcast %broadcast_in_dim3A : f32 to vector<16xf32>
        %swap3A = arith.index_cast %add3A_51 : i32 to index
        %swap3A_63 = arith.index_cast %add3A_61 : i32 to index
        %swap3A_64 = tpu.vector_load %arg8[%swap3A, %swap3A_63] {strides = array<i32>} : memref<32x64xf32, #tpu.memory_space<vmem>>, vector<16xf32>,
        tpu.vector_store %arg8[%swap3A, %swap3A_63], %broadcast_in_dim3A_62 {strides = array<i32>} : memref<32x64xf32, #tpu.memory_space<vmem>>, vector<16xf32>,
      }
      %scan3A_56 = arith.constant 4 : i32
    }
    %scan3A_3 = arith.constant 32 : i32
    %mul3A = arith.constant 1880 : i32
    %mul3A_4 = arith.muli %arg1, %mul3A : i32
    %scan3A_5 = arith.constant 0 : i32
    %scan3A_6 = arith.constant 58 : i32
    %scan3A_7 = arith.addi %scan3A_5, %scan3A_6 : i32
    %scan3A_8 = arith.constant 1 : i32
    scf.for %scan3A_47 = %scan3A_5 to %scan3A_7 step %scan3A_8  : i32 {
      %mul3A_48 = arith.constant 1 : i32
      %mul3A_49 = arith.muli %scan3A_47, %mul3A_48 : i32
      %add3A_50 = arith.constant 0 : i32
      %add3A_51 = arith.addi %add3A_50, %mul3A_49 : i32
      %mul3A_52 = arith.constant 32 : i32
      %mul3A_53 = arith.muli %add3A_51, %mul3A_52 : i32
      %add3A_54 = arith.addi %mul3A_4, %mul3A_53 : i32
      "tpu.region"() ({
        %run_scoped3A = tpu.sem_alloc : memref<!tpu.dma_semaphore, #tpu.memory_space<semaphore_mem>>
        %dma_start3A_55 = arith.constant 0 : i32
        %dma_start3A_56 = tpu.memref_slice %arg22[%add3A_54, %dma_start3A_55] : memref<30080x64xf32, #tpu.memory_space<vmem_shared>> -> memref<32x64xf32, #tpu.memory_space<vmem_shared>>
        %dma_start3A_57 = arith.constant 0 : i32
        %dma_start3A_58 = tpu.memref_slice %arg22[%add3A_54, %dma_start3A_57] : memref<30080x64xf32, #tpu.memory_space<vmem_shared>> -> memref<32x64xf32, #tpu.memory_space<vmem_shared>>
        tpu.enqueue_dma source(%arg8 : memref<32x64xf32, #tpu.memory_space<vmem>>) target(%dma_start3A_58 : memref<32x64xf32, #tpu.memory_space<vmem_shared>>) target_semaphore(%run_scoped3A : memref<!tpu.dma_semaphore, #tpu.memory_space<semaphore_mem>>)
        %dma_wait3A = arith.constant 0 : i32
        %dma_wait3A_59 = tpu.memref_slice %arg22[%add3A_54, %dma_wait3A] : memref<30080x64xf32, #tpu.memory_space<vmem_shared>> -> memref<32x64xf32, #tpu.memory_space<vmem_shared>>
        %dma_wait3A_60 = arith.constant 0 : i32
        %dma_wait3A_61 = tpu.memref_slice %arg22[%add3A_54, %dma_wait3A_60] : memref<30080x64xf32, #tpu.memory_space<vmem_shared>> -> memref<32x64xf32, #tpu.memory_space<vmem_shared>>
        tpu.wait_dma2 semaphore(%run_scoped3A : memref<!tpu.dma_semaphore, #tpu.memory_space<semaphore_mem>>) src(%arg8 : memref<32x64xf32, #tpu.memory_space<vmem>>) dst(%dma_wait3A_61 : memref<32x64xf32, #tpu.memory_space<vmem_shared>>)
        tpu.yield
      }) : () -> ()
    }
    %scan3A_9 = arith.constant 58 : i32
    %add3A = arith.constant 1856 : i32
    %add3A_10 = arith.addi %mul3A_4, %add3A : i32
    "tpu.region"() ({
      %run_scoped3A = tpu.sem_alloc : memref<!tpu.dma_semaphore, #tpu.memory_space<semaphore_mem>>
      %dma_start3A_47 = arith.constant 0 : i32
      %dma_start3A_48 = arith.constant 0 : i32
      %dma_start3A_49 = tpu.memref_slice %arg8[%dma_start3A_47, %dma_start3A_48] : memref<32x64xf32, #tpu.memory_space<vmem>> -> memref<24x64xf32, #tpu.memory_space<vmem>>
      %dma_start3A_50 = arith.constant 0 : i32
      %dma_start3A_51 = tpu.memref_slice %arg22[%add3A_10, %dma_start3A_50] : memref<30080x64xf32, #tpu.memory_space<vmem_shared>> -> memref<24x64xf32, #tpu.memory_space<vmem_shared>>
      %dma_start3A_52 = arith.constant 0 : i32
      %dma_start3A_53 = tpu.memref_slice %arg22[%add3A_10, %dma_start3A_52] : memref<30080x64xf32, #tpu.memory_space<vmem_shared>> -> memref<24x64xf32, #tpu.memory_space<vmem_shared>>
      %dma_start3A_54 = arith.constant 0 : i32
      %dma_start3A_55 = arith.constant 0 : i32
      %dma_start3A_56 = tpu.memref_slice %arg8[%dma_start3A_54, %dma_start3A_55] : memref<32x64xf32, #tpu.memory_space<vmem>> -> memref<24x64xf32, #tpu.memory_space<vmem>>
      tpu.enqueue_dma source(%dma_start3A_56 : memref<24x64xf32, #tpu.memory_space<vmem>>) target(%dma_start3A_53 : memref<24x64xf32, #tpu.memory_space<vmem_shared>>) target_semaphore(%run_scoped3A : memref<!tpu.dma_semaphore, #tpu.memory_space<semaphore_mem>>)
      %dma_wait3A = arith.constant 0 : i32
      %dma_wait3A_57 = arith.constant 0 : i32
      %dma_wait3A_58 = tpu.memref_slice %arg8[%dma_wait3A, %dma_wait3A_57] : memref<32x64xf32, #tpu.memory_space<vmem>> -> memref<24x64xf32, #tpu.memory_space<vmem>>
      %dma_wait3A_59 = arith.constant 0 : i32
      %dma_wait3A_60 = tpu.memref_slice %arg22[%add3A_10, %dma_wait3A_59] : memref<30080x64xf32, #tpu.memory_space<vmem_shared>> -> memref<24x64xf32, #tpu.memory_space<vmem_shared>>
      %dma_wait3A_61 = arith.constant 0 : i32
      %dma_wait3A_62 = tpu.memref_slice %arg22[%add3A_10, %dma_wait3A_61] : memref<30080x64xf32, #tpu.memory_space<vmem_shared>> -> memref<24x64xf32, #tpu.memory_space<vmem_shared>>
      %dma_wait3A_63 = arith.constant 0 : i32
      %dma_wait3A_64 = arith.constant 0 : i32
      %dma_wait3A_65 = tpu.memref_slice %arg8[%dma_wait3A_63, %dma_wait3A_64] : memref<32x64xf32, #tpu.memory_space<vmem>> -> memref<24x64xf32, #tpu.memory_space<vmem>>
      tpu.wait_dma2 semaphore(%run_scoped3A : memref<!tpu.dma_semaphore, #tpu.memory_space<semaphore_mem>>) src(%dma_wait3A_65 : memref<24x64xf32, #tpu.memory_space<vmem>>) dst(%dma_wait3A_62 : memref<24x64xf32, #tpu.memory_space<vmem_shared>>)
      tpu.yield
    }) : () -> ()
    %barrier3A = arith.constant 0 : index
    tpu.barrier barrier_id(%barrier3A)
    %add3A_11 = arith.constant 0 : i32
    %add3A_12 = arith.addi %arg1, %add3A_11 : i32
    %lt3A = arith.constant 625 : i32
    %lt3A_13 = arith.cmpi slt, %add3A_12, %lt3A : i32
    %mul3A_14 = arith.constant 16 : i32
    %mul3A_15 = arith.muli %add3A_12, %mul3A_14 : i32
    %jit3A = arith.constant 0 : i32
    %select_n3A = arith.select %lt3A_13, %mul3A_15, %jit3A : i32
    %dma_start3A = arith.constant 0 : i32
    %dma_start3A_16 = arith.constant 0 : i32
    %dma_start3A_17 = arith.constant 0 : i32
    %dma_start3A_18 = tpu.memref_slice %arg6[%dma_start3A, %dma_start3A_16, %dma_start3A_17] : memref<2x16x32xi32, #tpu.memory_space<vmem>> -> memref<1x16x32xi32, #tpu.memory_space<vmem>>
    %dma_start3A_19 = tpu.memref_squeeze %dma_start3A_18 : memref<1x16x32xi32, #tpu.memory_space<vmem>> -> memref<16x32xi32, #tpu.memory_space<vmem>>
    %dma_start3A_20 = arith.constant 0 : i32
    %dma_start3A_21 = tpu.memref_slice %arg3[%select_n3A, %dma_start3A_20] : memref<10000x32xi32, #tpu.memory_space<hbm>> -> memref<16x32xi32, #tpu.memory_space<hbm>>
    %dma_start3A_22 = arith.constant 0 : i32
    %dma_start3A_23 = arith.constant 0 : i32
    %dma_start3A_24 = tpu.memref_slice %arg6[%dma_start3A, %dma_start3A_22, %dma_start3A_23] : memref<2x16x32xi32, #tpu.memory_space<vmem>> -> memref<1x16x32xi32, #tpu.memory_space<vmem>>
    %dma_start3A_25 = tpu.memref_squeeze %dma_start3A_24 : memref<1x16x32xi32, #tpu.memory_space<vmem>> -> memref<16x32xi32, #tpu.memory_space<vmem>>
    %dma_start3A_26 = arith.constant 0 : i32
    %dma_start3A_27 = tpu.memref_slice %arg3[%select_n3A, %dma_start3A_26] : memref<10000x32xi32, #tpu.memory_space<hbm>> -> memref<16x32xi32, #tpu.memory_space<hbm>>
    tpu.enqueue_dma source(%dma_start3A_27 : memref<16x32xi32, #tpu.memory_space<hbm>>) target(%dma_start3A_25 : memref<16x32xi32, #tpu.memory_space<vmem>>) target_semaphore(%arg12 : memref<!tpu.dma_semaphore, #tpu.memory_space<semaphore_mem>>)
    %dma_start3A_28 = arith.constant 0 : i32
    %dma_start3A_29 = arith.constant 0 : i32
    %dma_start3A_30 = arith.constant 0 : i32
    %dma_start3A_31 = tpu.memref_slice %arg7[%dma_start3A_28, %dma_start3A_29, %dma_start3A_30] : memref<2x16x32xi32, #tpu.memory_space<vmem>> -> memref<1x16x32xi32, #tpu.memory_space<vmem>>
    %dma_start3A_32 = tpu.memref_squeeze %dma_start3A_31 : memref<1x16x32xi32, #tpu.memory_space<vmem>> -> memref<16x32xi32, #tpu.memory_space<vmem>>
    %dma_start3A_33 = arith.constant 0 : i32
    %dma_start3A_34 = tpu.memref_slice %arg4[%select_n3A, %dma_start3A_33] : memref<10000x32xi32, #tpu.memory_space<hbm>> -> memref<16x32xi32, #tpu.memory_space<hbm>>
    %dma_start3A_35 = arith.constant 0 : i32
    %dma_start3A_36 = arith.constant 0 : i32
    %dma_start3A_37 = tpu.memref_slice %arg7[%dma_start3A_28, %dma_start3A_35, %dma_start3A_36] : memref<2x16x32xi32, #tpu.memory_space<vmem>> -> memref<1x16x32xi32, #tpu.memory_space<vmem>>
    %dma_start3A_38 = tpu.memref_squeeze %dma_start3A_37 : memref<1x16x32xi32, #tpu.memory_space<vmem>> -> memref<16x32xi32, #tpu.memory_space<vmem>>
    %dma_start3A_39 = arith.constant 0 : i32
    %dma_start3A_40 = tpu.memref_slice %arg4[%select_n3A, %dma_start3A_39] : memref<10000x32xi32, #tpu.memory_space<hbm>> -> memref<16x32xi32, #tpu.memory_space<hbm>>
    tpu.enqueue_dma source(%dma_start3A_40 : memref<16x32xi32, #tpu.memory_space<hbm>>) target(%dma_start3A_38 : memref<16x32xi32, #tpu.memory_space<vmem>>) target_semaphore(%arg12 : memref<!tpu.dma_semaphore, #tpu.memory_space<semaphore_mem>>)
    %scan3A_41 = arith.constant 0 : i32
    %scan3A_42 = arith.constant 20 : i32
    %scan3A_43 = arith.addi %scan3A_41, %scan3A_42 : i32
    %scan3A_44 = arith.constant 1 : i32
    scf.for %scan3A_47 = %scan3A_41 to %scan3A_43 step %scan3A_44  : i32 {
      %mul3A_48 = arith.constant 2 : i32
      %mul3A_49 = arith.muli %scan3A_47, %mul3A_48 : i32
      %add3A_50 = arith.constant 0 : i32
      %add3A_51 = arith.addi %add3A_50, %mul3A_49 : i32
      %mul3A_52 = arith.constant 16 : i32
      %mul3A_53 = arith.muli %add3A_51, %mul3A_52 : i32
      %add3A_54 = arith.addi %arg1, %mul3A_53 : i32
      %lt3A_55 = arith.constant 625 : i32
      %lt3A_56 = arith.cmpi slt, %add3A_54, %lt3A_55 : i32
      %mul3A_57 = arith.constant 16 : i32
      %mul3A_58 = arith.muli %add3A_51, %mul3A_57 : i32
      %add3A_59 = arith.addi %arg1, %mul3A_58 : i32
      %lt3A_60 = arith.constant 625 : i32
      %lt3A_61 = arith.cmpi slt, %add3A_59, %lt3A_60 : i32
      %mul3A_62 = arith.constant 16 : i32
      %mul3A_63 = arith.muli %add3A_59, %mul3A_62 : i32
      %jit3A_64 = arith.constant 0 : i32
      %select_n3A_65 = arith.select %lt3A_61, %mul3A_63, %jit3A_64 : i32
      %dma_wait3A = arith.constant 0 : i32
      %dma_wait3A_66 = arith.constant 0 : i32
      %dma_wait3A_67 = arith.constant 0 : i32
      %dma_wait3A_68 = tpu.memref_slice %arg6[%dma_wait3A, %dma_wait3A_66, %dma_wait3A_67] : memref<2x16x32xi32, #tpu.memory_space<vmem>> -> memref<1x16x32xi32, #tpu.memory_space<vmem>>
      %dma_wait3A_69 = tpu.memref_squeeze %dma_wait3A_68 : memref<1x16x32xi32, #tpu.memory_space<vmem>> -> memref<16x32xi32, #tpu.memory_space<vmem>>
      %dma_wait3A_70 = arith.constant 0 : i32
      %dma_wait3A_71 = tpu.memref_slice %arg3[%select_n3A_65, %dma_wait3A_70] : memref<10000x32xi32, #tpu.memory_space<hbm>> -> memref<16x32xi32, #tpu.memory_space<hbm>>
      %dma_wait3A_72 = arith.constant 0 : i32
      %dma_wait3A_73 = arith.constant 0 : i32
      %dma_wait3A_74 = tpu.memref_slice %arg6[%dma_wait3A, %dma_wait3A_72, %dma_wait3A_73] : memref<2x16x32xi32, #tpu.memory_space<vmem>> -> memref<1x16x32xi32, #tpu.memory_space<vmem>>
      %dma_wait3A_75 = tpu.memref_squeeze %dma_wait3A_74 : memref<1x16x32xi32, #tpu.memory_space<vmem>> -> memref<16x32xi32, #tpu.memory_space<vmem>>
      %dma_wait3A_76 = arith.constant 0 : i32
      %dma_wait3A_77 = tpu.memref_slice %arg3[%select_n3A_65, %dma_wait3A_76] : memref<10000x32xi32, #tpu.memory_space<hbm>> -> memref<16x32xi32, #tpu.memory_space<hbm>>
      tpu.wait_dma2 semaphore(%arg12 : memref<!tpu.dma_semaphore, #tpu.memory_space<semaphore_mem>>) src(%dma_wait3A_77 : memref<16x32xi32, #tpu.memory_space<hbm>>) dst(%dma_wait3A_75 : memref<16x32xi32, #tpu.memory_space<vmem>>)
      %dma_wait3A_78 = arith.constant 0 : i32
      %dma_wait3A_79 = arith.constant 0 : i32
      %dma_wait3A_80 = arith.constant 0 : i32
      %dma_wait3A_81 = tpu.memref_slice %arg7[%dma_wait3A_78, %dma_wait3A_79, %dma_wait3A_80] : memref<2x16x32xi32, #tpu.memory_space<vmem>> -> memref<1x16x32xi32, #tpu.memory_space<vmem>>
      %dma_wait3A_82 = tpu.memref_squeeze %dma_wait3A_81 : memref<1x16x32xi32, #tpu.memory_space<vmem>> -> memref<16x32xi32, #tpu.memory_space<vmem>>
      %dma_wait3A_83 = arith.constant 0 : i32
      %dma_wait3A_84 = tpu.memref_slice %arg4[%select_n3A_65, %dma_wait3A_83] : memref<10000x32xi32, #tpu.memory_space<hbm>> -> memref<16x32xi32, #tpu.memory_space<hbm>>
      %dma_wait3A_85 = arith.constant 0 : i32
      %dma_wait3A_86 = arith.constant 0 : i32
      %dma_wait3A_87 = tpu.memref_slice %arg7[%dma_wait3A_78, %dma_wait3A_85, %dma_wait3A_86] : memref<2x16x32xi32, #tpu.memory_space<vmem>> -> memref<1x16x32xi32, #tpu.memory_space<vmem>>
      %dma_wait3A_88 = tpu.memref_squeeze %dma_wait3A_87 : memref<1x16x32xi32, #tpu.memory_space<vmem>> -> memref<16x32xi32, #tpu.memory_space<vmem>>
      %dma_wait3A_89 = arith.constant 0 : i32
      %dma_wait3A_90 = tpu.memref_slice %arg4[%select_n3A_65, %dma_wait3A_89] : memref<10000x32xi32, #tpu.memory_space<hbm>> -> memref<16x32xi32, #tpu.memory_space<hbm>>
      tpu.wait_dma2 semaphore(%arg12 : memref<!tpu.dma_semaphore, #tpu.memory_space<semaphore_mem>>) src(%dma_wait3A_90 : memref<16x32xi32, #tpu.memory_space<hbm>>) dst(%dma_wait3A_88 : memref<16x32xi32, #tpu.memory_space<vmem>>)
      %add3A_91 = arith.constant 1 : i32
      %add3A_92 = arith.addi %add3A_51, %add3A_91 : i32
      %lt3A_93 = arith.constant 40 : i32
      %lt3A_94 = arith.cmpi slt, %add3A_92, %lt3A_93 : i32
      %convert_element_type3A = arith.extui %lt3A_94 : i1 to i32
      %cond3A = arith.constant 0 : i32
      %cond3A_95 = arith.cmpi ne, %convert_element_type3A, %cond3A : i32
      scf.if %cond3A_95 {
        %add3A_1435 = arith.constant 1 : i32
        %add3A_1436 = arith.addi %add3A_51, %add3A_1435 : i32
        %mul3A_1437 = arith.constant 16 : i32
        %mul3A_1438 = arith.muli %add3A_1436, %mul3A_1437 : i32
        %add3A_1439 = arith.addi %arg1, %mul3A_1438 : i32
        %lt3A_1440 = arith.constant 625 : i32
        %lt3A_1441 = arith.cmpi slt, %add3A_1439, %lt3A_1440 : i32
        %mul3A_1442 = arith.constant 16 : i32
        %mul3A_1443 = arith.muli %add3A_1439, %mul3A_1442 : i32
        %jit3A_1444 = arith.constant 0 : i32
        %select_n3A_1445 = arith.select %lt3A_1441, %mul3A_1443, %jit3A_1444 : i32
        %dma_start3A_1446 = arith.constant 1 : i32
        %dma_start3A_1447 = arith.constant 0 : i32
        %dma_start3A_1448 = arith.constant 0 : i32
        %dma_start3A_1449 = tpu.memref_slice %arg6[%dma_start3A_1446, %dma_start3A_1447, %dma_start3A_1448] : memref<2x16x32xi32, #tpu.memory_space<vmem>> -> memref<1x16x32xi32, #tpu.memory_space<vmem>>
        %dma_start3A_1450 = tpu.memref_squeeze %dma_start3A_1449 : memref<1x16x32xi32, #tpu.memory_space<vmem>> -> memref<16x32xi32, #tpu.memory_space<vmem>>
        %dma_start3A_1451 = arith.constant 0 : i32
        %dma_start3A_1452 = tpu.memref_slice %arg3[%select_n3A_1445, %dma_start3A_1451] : memref<10000x32xi32, #tpu.memory_space<hbm>> -> memref<16x32xi32, #tpu.memory_space<hbm>>
        %dma_start3A_1453 = arith.constant 0 : i32
        %dma_start3A_1454 = arith.constant 0 : i32
        %dma_start3A_1455 = tpu.memref_slice %arg6[%dma_start3A_1446, %dma_start3A_1453, %dma_start3A_1454] : memref<2x16x32xi32, #tpu.memory_space<vmem>> -> memref<1x16x32xi32, #tpu.memory_space<vmem>>
        %dma_start3A_1456 = tpu.memref_squeeze %dma_start3A_1455 : memref<1x16x32xi32, #tpu.memory_space<vmem>> -> memref<16x32xi32, #tpu.memory_space<vmem>>
        %dma_start3A_1457 = arith.constant 0 : i32
        %dma_start3A_1458 = tpu.memref_slice %arg3[%select_n3A_1445, %dma_start3A_1457] : memref<10000x32xi32, #tpu.memory_space<hbm>> -> memref<16x32xi32, #tpu.memory_space<hbm>>
        tpu.enqueue_dma source(%dma_start3A_1458 : memref<16x32xi32, #tpu.memory_space<hbm>>) target(%dma_start3A_1456 : memref<16x32xi32, #tpu.memory_space<vmem>>) target_semaphore(%arg13 : memref<!tpu.dma_semaphore, #tpu.memory_space<semaphore_mem>>)
        %dma_start3A_1459 = arith.constant 1 : i32
        %dma_start3A_1460 = arith.constant 0 : i32
        %dma_start3A_1461 = arith.constant 0 : i32
        %dma_start3A_1462 = tpu.memref_slice %arg7[%dma_start3A_1459, %dma_start3A_1460, %dma_start3A_1461] : memref<2x16x32xi32, #tpu.memory_space<vmem>> -> memref<1x16x32xi32, #tpu.memory_space<vmem>>
        %dma_start3A_1463 = tpu.memref_squeeze %dma_start3A_1462 : memref<1x16x32xi32, #tpu.memory_space<vmem>> -> memref<16x32xi32, #tpu.memory_space<vmem>>
        %dma_start3A_1464 = arith.constant 0 : i32
        %dma_start3A_1465 = tpu.memref_slice %arg4[%select_n3A_1445, %dma_start3A_1464] : memref<10000x32xi32, #tpu.memory_space<hbm>> -> memref<16x32xi32, #tpu.memory_space<hbm>>
        %dma_start3A_1466 = arith.constant 0 : i32
        %dma_start3A_1467 = arith.constant 0 : i32
        %dma_start3A_1468 = tpu.memref_slice %arg7[%dma_start3A_1459, %dma_start3A_1466, %dma_start3A_1467] : memref<2x16x32xi32, #tpu.memory_space<vmem>> -> memref<1x16x32xi32, #tpu.memory_space<vmem>>
        %dma_start3A_1469 = tpu.memref_squeeze %dma_start3A_1468 : memref<1x16x32xi32, #tpu.memory_space<vmem>> -> memref<16x32xi32, #tpu.memory_space<vmem>>
        %dma_start3A_1470 = arith.constant 0 : i32
        %dma_start3A_1471 = tpu.memref_slice %arg4[%select_n3A_1445, %dma_start3A_1470] : memref<10000x32xi32, #tpu.memory_space<hbm>> -> memref<16x32xi32, #tpu.memory_space<hbm>>
        tpu.enqueue_dma source(%dma_start3A_1471 : memref<16x32xi32, #tpu.memory_space<hbm>>) target(%dma_start3A_1469 : memref<16x32xi32, #tpu.memory_space<vmem>>) target_semaphore(%arg13 : memref<!tpu.dma_semaphore, #tpu.memory_space<semaphore_mem>>)
      } else {
      }
      %scan3A_96 = arith.constant 0 : i32
      %scan3A_97 = arith.constant 16 : i32
      %scan3A_98 = arith.addi %scan3A_96, %scan3A_97 : i32
      %scan3A_99 = arith.constant 1 : i32
      scf.for %scan3A_1435 = %scan3A_96 to %scan3A_98 step %scan3A_99  : i32 {
        %mul3A_1436 = arith.constant 1 : i32
        %mul3A_1437 = arith.muli %scan3A_1435, %mul3A_1436 : i32
        %add3A_1438 = arith.constant 0 : i32
        %add3A_1439 = arith.addi %add3A_1438, %mul3A_1437 : i32
        %scan3A_1440 = arith.constant 0 : i32
        %scan3A_1441 = arith.constant 2 : i32
        %scan3A_1442 = arith.addi %scan3A_1440, %scan3A_1441 : i32
        %scan3A_1443 = arith.constant 1 : i32
        scf.for %scan3A_1445 = %scan3A_1440 to %scan3A_1442 step %scan3A_1443  : i32 {
          %mul3A_1446 = arith.constant 16 : i32
          %mul3A_1447 = arith.muli %scan3A_1445, %mul3A_1446 : i32
          %add3A_1448 = arith.constant 0 : i32
          %add3A_1449 = arith.addi %add3A_1448, %mul3A_1447 : i32
          %get3A = arith.constant 0 : i32
          %get3A_1450 = arith.index_cast %get3A : i32 to index
          %get3A_1451 = arith.index_cast %add3A_1439 : i32 to index
          %get3A_1452 = arith.index_cast %add3A_1449 : i32 to index
          %get3A_1453 = tpu.vector_load %arg6[%get3A_1450, %get3A_1451, %get3A_1452] {strides = array<i32>} : memref<2x16x32xi32, #tpu.memory_space<vmem>>, vector<16xi32>,
          %ge3A = arith.constant 10000 : i32
          %ge3A_1454 = vector.broadcast %ge3A : i32 to vector<16xi32>
          %ge3A_1455 = arith.cmpi sge, %get3A_1453, %ge3A_1454 : vector<16xi32>
          %sub3A = arith.constant 10000 : i32
          %sub3A_1456 = vector.broadcast %sub3A : i32 to vector<16xi32>
          %sub3A_1457 = arith.subi %get3A_1453, %sub3A_1456 : vector<16xi32>
          %select_n3A_1458 = arith.select %ge3A_1455, %sub3A_1457, %get3A_1453 : vector<16xi1>, vector<16xi32>
          %ge3A_1459 = arith.constant 10000 : i32
          %ge3A_1460 = vector.broadcast %ge3A_1459 : i32 to vector<16xi32>
          %ge3A_1461 = arith.cmpi sge, %select_n3A_1458, %ge3A_1460 : vector<16xi32>
          %sub3A_1462 = arith.constant 10000 : i32
          %sub3A_1463 = vector.broadcast %sub3A_1462 : i32 to vector<16xi32>
          %sub3A_1464 = arith.subi %select_n3A_1458, %sub3A_1463 : vector<16xi32>
          %select_n3A_1465 = arith.select %ge3A_1461, %sub3A_1464, %select_n3A_1458 : vector<16xi1>, vector<16xi32>
          %swap3A = arith.constant 0 : i32
          %swap3A_1466 = arith.index_cast %swap3A : i32 to index
          %swap3A_1467 = arith.index_cast %add3A_1439 : i32 to index
          %swap3A_1468 = arith.index_cast %add3A_1449 : i32 to index
          %swap3A_1469 = tpu.vector_load %arg6[%swap3A_1466, %swap3A_1467, %swap3A_1468] {strides = array<i32>} : memref<2x16x32xi32, #tpu.memory_space<vmem>>, vector<16xi32>,
          tpu.vector_store %arg6[%swap3A_1466, %swap3A_1467, %swap3A_1468], %select_n3A_1465 {strides = array<i32>} : memref<2x16x32xi32, #tpu.memory_space<vmem>>, vector<16xi32>,
          %get3A_1470 = arith.constant 0 : i32
          %get3A_1471 = arith.index_cast %get3A_1470 : i32 to index
          %get3A_1472 = arith.index_cast %add3A_1439 : i32 to index
          %get3A_1473 = arith.index_cast %add3A_1449 : i32 to index
          %get3A_1474 = tpu.vector_load %arg7[%get3A_1471, %get3A_1472, %get3A_1473] {strides = array<i32>} : memref<2x16x32xi32, #tpu.memory_space<vmem>>, vector<16xi32>,
          %jit3A_1475 = arith.constant 30000 : i32
          %broadcast_in_dim3A = vector.broadcast %jit3A_1475 : i32 to vector<16xi32>
          %select_n3A_1476 = arith.select %lt3A_56, %get3A_1474, %broadcast_in_dim3A : vector<16xi32>
          %swap3A_1477 = arith.constant 0 : i32
          %swap3A_1478 = arith.index_cast %swap3A_1477 : i32 to index
          %swap3A_1479 = arith.index_cast %add3A_1439 : i32 to index
          %swap3A_1480 = arith.index_cast %add3A_1449 : i32 to index
          %swap3A_1481 = tpu.vector_load %arg7[%swap3A_1478, %swap3A_1479, %swap3A_1480] {strides = array<i32>} : memref<2x16x32xi32, #tpu.memory_space<vmem>>, vector<16xi32>,
          tpu.vector_store %arg7[%swap3A_1478, %swap3A_1479, %swap3A_1480], %select_n3A_1476 {strides = array<i32>} : memref<2x16x32xi32, #tpu.memory_space<vmem>>, vector<16xi32>,
        }
        %scan3A_1444 = arith.constant 2 : i32
      }
      %scan3A_100 = arith.constant 16 : i32
      %dma_start3A_101 = arith.constant 0 : i32
      %dma_start3A_102 = arith.constant 0 : i32
      %dma_start3A_103 = arith.constant 0 : i32
      %dma_start3A_104 = tpu.memref_slice %arg6[%dma_start3A_101, %dma_start3A_102, %dma_start3A_103] : memref<2x16x32xi32, #tpu.memory_space<vmem>> -> memref<1x1x32xi32, #tpu.memory_space<vmem>>
      %dma_start3A_105 = tpu.memref_squeeze %dma_start3A_104 : memref<1x1x32xi32, #tpu.memory_space<vmem>> -> memref<32xi32, #tpu.memory_space<vmem>>
      %dma_start3A_106 = arith.constant 0 : i32
      %dma_start3A_107 = arith.constant 0 : i32
      %dma_start3A_108 = tpu.memref_slice %arg2[%arg0, %dma_start3A_106, %dma_start3A_107] : memref<2x10000x64xf32, #tpu.memory_space<hbm>> -> memref<1x10000x64xf32, #tpu.memory_space<hbm>>
      %dma_start3A_109 = tpu.memref_squeeze %dma_start3A_108 : memref<1x10000x64xf32, #tpu.memory_space<hbm>> -> memref<10000x64xf32, #tpu.memory_space<hbm>>
      %dma_start3A_110 = arith.constant 0 : i32
      %dma_start3A_111 = arith.constant 0 : i32
      %dma_start3A_112 = tpu.memref_slice %dma_start3A_109[%dma_start3A_110, %dma_start3A_111] : memref<10000x64xf32, #tpu.memory_space<hbm>> -> memref<10000x64xf32, #tpu.memory_space<hbm>>
      tpu.enqueue_indirect_dma source(%dma_start3A_112 : memref<10000x64xf32, #tpu.memory_space<hbm>>) target(%arg8 : memref<32x64xf32, #tpu.memory_space<vmem>>) offsets(%dma_start3A_105 : memref<32xi32, #tpu.memory_space<vmem>>) semaphore(%arg14 : memref<!tpu.dma_semaphore, #tpu.memory_space<semaphore_mem>>)
      %dma_start3A_113 = arith.constant 0 : i32
      %dma_start3A_114 = arith.constant 1 : i32
      %dma_start3A_115 = arith.constant 0 : i32
      %dma_start3A_116 = tpu.memref_slice %arg6[%dma_start3A_113, %dma_start3A_114, %dma_start3A_115] : memref<2x16x32xi32, #tpu.memory_space<vmem>> -> memref<1x1x32xi32, #tpu.memory_space<vmem>>
      %dma_start3A_117 = tpu.memref_squeeze %dma_start3A_116 : memref<1x1x32xi32, #tpu.memory_space<vmem>> -> memref<32xi32, #tpu.memory_space<vmem>>
      %dma_start3A_118 = arith.constant 0 : i32
      %dma_start3A_119 = arith.constant 0 : i32
      %dma_start3A_120 = tpu.memref_slice %arg2[%arg0, %dma_start3A_118, %dma_start3A_119] : memref<2x10000x64xf32, #tpu.memory_space<hbm>> -> memref<1x10000x64xf32, #tpu.memory_space<hbm>>
      %dma_start3A_121 = tpu.memref_squeeze %dma_start3A_120 : memref<1x10000x64xf32, #tpu.memory_space<hbm>> -> memref<10000x64xf32, #tpu.memory_space<hbm>>
      %dma_start3A_122 = arith.constant 0 : i32
      %dma_start3A_123 = arith.constant 0 : i32
      %dma_start3A_124 = tpu.memref_slice %dma_start3A_121[%dma_start3A_122, %dma_start3A_123] : memref<10000x64xf32, #tpu.memory_space<hbm>> -> memref<10000x64xf32, #tpu.memory_space<hbm>>
      tpu.enqueue_indirect_dma source(%dma_start3A_124 : memref<10000x64xf32, #tpu.memory_space<hbm>>) target(%arg9 : memref<32x64xf32, #tpu.memory_space<vmem>>) offsets(%dma_start3A_117 : memref<32xi32, #tpu.memory_space<vmem>>) semaphore(%arg15 : memref<!tpu.dma_semaphore, #tpu.memory_space<semaphore_mem>>)
      %dma_start3A_125 = arith.constant 0 : i32
      %dma_start3A_126 = arith.constant 2 : i32
      %dma_start3A_127 = arith.constant 0 : i32
      %dma_start3A_128 = tpu.memref_slice %arg6[%dma_start3A_125, %dma_start3A_126, %dma_start3A_127] : memref<2x16x32xi32, #tpu.memory_space<vmem>> -> memref<1x1x32xi32, #tpu.memory_space<vmem>>
      %dma_start3A_129 = tpu.memref_squeeze %dma_start3A_128 : memref<1x1x32xi32, #tpu.memory_space<vmem>> -> memref<32xi32, #tpu.memory_space<vmem>>
      %dma_start3A_130 = arith.constant 0 : i32
      %dma_start3A_131 = arith.constant 0 : i32
      %dma_start3A_132 = tpu.memref_slice %arg2[%arg0, %dma_start3A_130, %dma_start3A_131] : memref<2x10000x64xf32, #tpu.memory_space<hbm>> -> memref<1x10000x64xf32, #tpu.memory_space<hbm>>
      %dma_start3A_133 = tpu.memref_squeeze %dma_start3A_132 : memref<1x10000x64xf32, #tpu.memory_space<hbm>> -> memref<10000x64xf32, #tpu.memory_space<hbm>>
      %dma_start3A_134 = arith.constant 0 : i32
      %dma_start3A_135 = arith.constant 0 : i32
      %dma_start3A_136 = tpu.memref_slice %dma_start3A_133[%dma_start3A_134, %dma_start3A_135] : memref<10000x64xf32, #tpu.memory_space<hbm>> -> memref<10000x64xf32, #tpu.memory_space<hbm>>
      tpu.enqueue_indirect_dma source(%dma_start3A_136 : memref<10000x64xf32, #tpu.memory_space<hbm>>) target(%arg10 : memref<32x64xf32, #tpu.memory_space<vmem>>) offsets(%dma_start3A_129 : memref<32xi32, #tpu.memory_space<vmem>>) semaphore(%arg16 : memref<!tpu.dma_semaphore, #tpu.memory_space<semaphore_mem>>)
      %dma_start3A_137 = arith.constant 0 : i32
      %dma_start3A_138 = arith.constant 3 : i32
      %dma_start3A_139 = arith.constant 0 : i32
      %dma_start3A_140 = tpu.memref_slice %arg6[%dma_start3A_137, %dma_start3A_138, %dma_start3A_139] : memref<2x16x32xi32, #tpu.memory_space<vmem>> -> memref<1x1x32xi32, #tpu.memory_space<vmem>>
      %dma_start3A_141 = tpu.memref_squeeze %dma_start3A_140 : memref<1x1x32xi32, #tpu.memory_space<vmem>> -> memref<32xi32, #tpu.memory_space<vmem>>
      %dma_start3A_142 = arith.constant 0 : i32
      %dma_start3A_143 = arith.constant 0 : i32
      %dma_start3A_144 = tpu.memref_slice %arg2[%arg0, %dma_start3A_142, %dma_start3A_143] : memref<2x10000x64xf32, #tpu.memory_space<hbm>> -> memref<1x10000x64xf32, #tpu.memory_space<hbm>>
      %dma_start3A_145 = tpu.memref_squeeze %dma_start3A_144 : memref<1x10000x64xf32, #tpu.memory_space<hbm>> -> memref<10000x64xf32, #tpu.memory_space<hbm>>
      %dma_start3A_146 = arith.constant 0 : i32
      %dma_start3A_147 = arith.constant 0 : i32
      %dma_start3A_148 = tpu.memref_slice %dma_start3A_145[%dma_start3A_146, %dma_start3A_147] : memref<10000x64xf32, #tpu.memory_space<hbm>> -> memref<10000x64xf32, #tpu.memory_space<hbm>>
      tpu.enqueue_indirect_dma source(%dma_start3A_148 : memref<10000x64xf32, #tpu.memory_space<hbm>>) target(%arg11 : memref<32x64xf32, #tpu.memory_space<vmem>>) offsets(%dma_start3A_141 : memref<32xi32, #tpu.memory_space<vmem>>) semaphore(%arg17 : memref<!tpu.dma_semaphore, #tpu.memory_space<semaphore_mem>>)
      %dma_wait3A_149 = arith.constant 0 : i32
      %dma_wait3A_150 = arith.constant 0 : i32
      %dma_wait3A_151 = arith.constant 0 : i32
      %dma_wait3A_152 = tpu.memref_slice %arg6[%dma_wait3A_149, %dma_wait3A_150, %dma_wait3A_151] : memref<2x16x32xi32, #tpu.memory_space<vmem>> -> memref<1x1x32xi32, #tpu.memory_space<vmem>>
      %dma_wait3A_153 = tpu.memref_squeeze %dma_wait3A_152 : memref<1x1x32xi32, #tpu.memory_space<vmem>> -> memref<32xi32, #tpu.memory_space<vmem>>
      %dma_wait3A_154 = arith.constant 0 : i32
      %dma_wait3A_155 = arith.constant 0 : i32
      %dma_wait3A_156 = tpu.memref_slice %arg2[%arg0, %dma_wait3A_154, %dma_wait3A_155] : memref<2x10000x64xf32, #tpu.memory_space<hbm>> -> memref<1x10000x64xf32, #tpu.memory_space<hbm>>
      %dma_wait3A_157 = tpu.memref_squeeze %dma_wait3A_156 : memref<1x10000x64xf32, #tpu.memory_space<hbm>> -> memref<10000x64xf32, #tpu.memory_space<hbm>>
      %dma_wait3A_158 = arith.constant 0 : i32
      %dma_wait3A_159 = arith.constant 0 : i32
      %dma_wait3A_160 = tpu.memref_slice %dma_wait3A_157[%dma_wait3A_158, %dma_wait3A_159] : memref<10000x64xf32, #tpu.memory_space<hbm>> -> memref<10000x64xf32, #tpu.memory_space<hbm>>
      tpu.wait_indirect_dma semaphore(%arg14 : memref<!tpu.dma_semaphore, #tpu.memory_space<semaphore_mem>>) src(%dma_wait3A_160 : memref<10000x64xf32, #tpu.memory_space<hbm>>) dst(%arg8 : memref<32x64xf32, #tpu.memory_space<vmem>>)
      %dma_start3A_161 = arith.constant 0 : i32
      %dma_start3A_162 = arith.constant 0 : i32
      %dma_start3A_163 = arith.constant 0 : i32
      %dma_start3A_164 = tpu.memref_slice %arg7[%dma_start3A_161, %dma_start3A_162, %dma_start3A_163] : memref<2x16x32xi32, #tpu.memory_space<vmem>> -> memref<1x1x32xi32, #tpu.memory_space<vmem>>
      %dma_start3A_165 = tpu.memref_squeeze %dma_start3A_164 : memref<1x1x32xi32, #tpu.memory_space<vmem>> -> memref<32xi32, #tpu.memory_space<vmem>>
      %dma_start3A_166 = arith.constant 0 : i32
      %dma_start3A_167 = arith.constant 0 : i32
      %dma_start3A_168 = tpu.memref_slice %arg22[%dma_start3A_166, %dma_start3A_167] : memref<30080x64xf32, #tpu.memory_space<vmem_shared>> -> memref<30080x64xf32, #tpu.memory_space<vmem_shared>>
      tpu.enqueue_indirect_dma source(%arg8 : memref<32x64xf32, #tpu.memory_space<vmem>>) target(%dma_start3A_168 : memref<30080x64xf32, #tpu.memory_space<vmem_shared>>) offsets(%dma_start3A_165 : memref<32xi32, #tpu.memory_space<vmem>>) semaphore(%arg18 : memref<!tpu.dma_semaphore, #tpu.memory_space<semaphore_mem>>) {add = true}
      %dma_wait3A_169 = arith.constant 0 : i32
      %dma_wait3A_170 = arith.constant 0 : i32
      %dma_wait3A_171 = arith.constant 0 : i32
      %dma_wait3A_172 = tpu.memref_slice %arg7[%dma_wait3A_169, %dma_wait3A_170, %dma_wait3A_171] : memref<2x16x32xi32, #tpu.memory_space<vmem>> -> memref<1x1x32xi32, #tpu.memory_space<vmem>>
      %dma_wait3A_173 = tpu.memref_squeeze %dma_wait3A_172 : memref<1x1x32xi32, #tpu.memory_space<vmem>> -> memref<32xi32, #tpu.memory_space<vmem>>
      %dma_wait3A_174 = arith.constant 0 : i32
      %dma_wait3A_175 = arith.constant 0 : i32
      %dma_wait3A_176 = tpu.memref_slice %arg22[%dma_wait3A_174, %dma_wait3A_175] : memref<30080x64xf32, #tpu.memory_space<vmem_shared>> -> memref<30080x64xf32, #tpu.memory_space<vmem_shared>>
      tpu.wait_indirect_dma semaphore(%arg18 : memref<!tpu.dma_semaphore, #tpu.memory_space<semaphore_mem>>) src(%arg8 : memref<32x64xf32, #tpu.memory_space<vmem>>) dst(%dma_wait3A_176 : memref<30080x64xf32, #tpu.memory_space<vmem_shared>>)
      %dma_start3A_177 = arith.constant 0 : i32
      %dma_start3A_178 = arith.constant 4 : i32
      %dma_start3A_179 = arith.constant 0 : i32
      %dma_start3A_180 = tpu.memref_slice %arg6[%dma_start3A_177, %dma_start3A_178, %dma_start3A_179] : memref<2x16x32xi32, #tpu.memory_space<vmem>> -> memref<1x1x32xi32, #tpu.memory_space<vmem>>
      %dma_start3A_181 = tpu.memref_squeeze %dma_start3A_180 : memref<1x1x32xi32, #tpu.memory_space<vmem>> -> memref<32xi32, #tpu.memory_space<vmem>>
      %dma_start3A_182 = arith.constant 0 : i32
      %dma_start3A_183 = arith.constant 0 : i32
      %dma_start3A_184 = tpu.memref_slice %arg2[%arg0, %dma_start3A_182, %dma_start3A_183] : memref<2x10000x64xf32, #tpu.memory_space<hbm>> -> memref<1x10000x64xf32, #tpu.memory_space<hbm>>
      %dma_start3A_185 = tpu.memref_squeeze %dma_start3A_184 : memref<1x10000x64xf32, #tpu.memory_space<hbm>> -> memref<10000x64xf32, #tpu.memory_space<hbm>>
      %dma_start3A_186 = arith.constant 0 : i32
      %dma_start3A_187 = arith.constant 0 : i32
      %dma_start3A_188 = tpu.memref_slice %dma_start3A_185[%dma_start3A_186, %dma_start3A_187] : memref<10000x64xf32, #tpu.memory_space<hbm>> -> memref<10000x64xf32, #tpu.memory_space<hbm>>
      tpu.enqueue_indirect_dma source(%dma_start3A_188 : memref<10000x64xf32, #tpu.memory_space<hbm>>) target(%arg8 : memref<32x64xf32, #tpu.memory_space<vmem>>) offsets(%dma_start3A_181 : memref<32xi32, #tpu.memory_space<vmem>>) semaphore(%arg14 : memref<!tpu.dma_semaphore, #tpu.memory_space<semaphore_mem>>)
      %dma_wait3A_189 = arith.constant 0 : i32
      %dma_wait3A_190 = arith.constant 1 : i32
      %dma_wait3A_191 = arith.constant 0 : i32
      %dma_wait3A_192 = tpu.memref_slice %arg6[%dma_wait3A_189, %dma_wait3A_190, %dma_wait3A_191] : memref<2x16x32xi32, #tpu.memory_space<vmem>> -> memref<1x1x32xi32, #tpu.memory_space<vmem>>
      %dma_wait3A_193 = tpu.memref_squeeze %dma_wait3A_192 : memref<1x1x32xi32, #tpu.memory_space<vmem>> -> memref<32xi32, #tpu.memory_space<vmem>>
      %dma_wait3A_194 = arith.constant 0 : i32
      %dma_wait3A_195 = arith.constant 0 : i32
      %dma_wait3A_196 = tpu.memref_slice %arg2[%arg0, %dma_wait3A_194, %dma_wait3A_195] : memref<2x10000x64xf32, #tpu.memory_space<hbm>> -> memref<1x10000x64xf32, #tpu.memory_space<hbm>>
      %dma_wait3A_197 = tpu.memref_squeeze %dma_wait3A_196 : memref<1x10000x64xf32, #tpu.memory_space<hbm>> -> memref<10000x64xf32, #tpu.memory_space<hbm>>
      %dma_wait3A_198 = arith.constant 0 : i32
      %dma_wait3A_199 = arith.constant 0 : i32
      %dma_wait3A_200 = tpu.memref_slice %dma_wait3A_197[%dma_wait3A_198, %dma_wait3A_199] : memref<10000x64xf32, #tpu.memory_space<hbm>> -> memref<10000x64xf32, #tpu.memory_space<hbm>>
      tpu.wait_indirect_dma semaphore(%arg15 : memref<!tpu.dma_semaphore, #tpu.memory_space<semaphore_mem>>) src(%dma_wait3A_200 : memref<10000x64xf32, #tpu.memory_space<hbm>>) dst(%arg9 : memref<32x64xf32, #tpu.memory_space<vmem>>)
      %dma_start3A_201 = arith.constant 0 : i32
      %dma_start3A_202 = arith.constant 1 : i32
      %dma_start3A_203 = arith.constant 0 : i32
      %dma_start3A_204 = tpu.memref_slice %arg7[%dma_start3A_201, %dma_start3A_202, %dma_start3A_203] : memref<2x16x32xi32, #tpu.memory_space<vmem>> -> memref<1x1x32xi32, #tpu.memory_space<vmem>>
      %dma_start3A_205 = tpu.memref_squeeze %dma_start3A_204 : memref<1x1x32xi32, #tpu.memory_space<vmem>> -> memref<32xi32, #tpu.memory_space<vmem>>
      %dma_start3A_206 = arith.constant 0 : i32
      %dma_start3A_207 = arith.constant 0 : i32
      %dma_start3A_208 = tpu.memref_slice %arg22[%dma_start3A_206, %dma_start3A_207] : memref<30080x64xf32, #tpu.memory_space<vmem_shared>> -> memref<30080x64xf32, #tpu.memory_space<vmem_shared>>
      tpu.enqueue_indirect_dma source(%arg9 : memref<32x64xf32, #tpu.memory_space<vmem>>) target(%dma_start3A_208 : memref<30080x64xf32, #tpu.memory_space<vmem_shared>>) offsets(%dma_start3A_205 : memref<32xi32, #tpu.memory_space<vmem>>) semaphore(%arg19 : memref<!tpu.dma_semaphore, #tpu.memory_space<semaphore_mem>>) {add = true}
      %dma_wait3A_209 = arith.constant 0 : i32
      %dma_wait3A_210 = arith.constant 1 : i32
      %dma_wait3A_211 = arith.constant 0 : i32
      %dma_wait3A_212 = tpu.memref_slice %arg7[%dma_wait3A_209, %dma_wait3A_210, %dma_wait3A_211] : memref<2x16x32xi32, #tpu.memory_space<vmem>> -> memref<1x1x32xi32, #tpu.memory_space<vmem>>
      %dma_wait3A_213 = tpu.memref_squeeze %dma_wait3A_212 : memref<1x1x32xi32, #tpu.memory_space<vmem>> -> memref<32xi32, #tpu.memory_space<vmem>>
      %dma_wait3A_214 = arith.constant 0 : i32
      %dma_wait3A_215 = arith.constant 0 : i32
      %dma_wait3A_216 = tpu.memref_slice %arg22[%dma_wait3A_214, %dma_wait3A_215] : memref<30080x64xf32, #tpu.memory_space<vmem_shared>> -> memref<30080x64xf32, #tpu.memory_space<vmem_shared>>
      tpu.wait_indirect_dma semaphore(%arg19 : memref<!tpu.dma_semaphore, #tpu.memory_space<semaphore_mem>>) src(%arg9 : memref<32x64xf32, #tpu.memory_space<vmem>>) dst(%dma_wait3A_216 : memref<30080x64xf32, #tpu.memory_space<vmem_shared>>)
      %dma_start3A_217 = arith.constant 0 : i32
      %dma_start3A_218 = arith.constant 5 : i32
      %dma_start3A_219 = arith.constant 0 : i32
      %dma_start3A_220 = tpu.memref_slice %arg6[%dma_start3A_217, %dma_start3A_218, %dma_start3A_219] : memref<2x16x32xi32, #tpu.memory_space<vmem>> -> memref<1x1x32xi32, #tpu.memory_space<vmem>>
      %dma_start3A_221 = tpu.memref_squeeze %dma_start3A_220 : memref<1x1x32xi32, #tpu.memory_space<vmem>> -> memref<32xi32, #tpu.memory_space<vmem>>
      %dma_start3A_222 = arith.constant 0 : i32
      %dma_start3A_223 = arith.constant 0 : i32
      %dma_start3A_224 = tpu.memref_slice %arg2[%arg0, %dma_start3A_222, %dma_start3A_223] : memref<2x10000x64xf32, #tpu.memory_space<hbm>> -> memref<1x10000x64xf32, #tpu.memory_space<hbm>>
      %dma_start3A_225 = tpu.memref_squeeze %dma_start3A_224 : memref<1x10000x64xf32, #tpu.memory_space<hbm>> -> memref<10000x64xf32, #tpu.memory_space<hbm>>
      %dma_start3A_226 = arith.constant 0 : i32
      %dma_start3A_227 = arith.constant 0 : i32
      %dma_start3A_228 = tpu.memref_slice %dma_start3A_225[%dma_start3A_226, %dma_start3A_227] : memref<10000x64xf32, #tpu.memory_space<hbm>> -> memref<10000x64xf32, #tpu.memory_space<hbm>>
      tpu.enqueue_indirect_dma source(%dma_start3A_228 : memref<10000x64xf32, #tpu.memory_space<hbm>>) target(%arg9 : memref<32x64xf32, #tpu.memory_space<vmem>>) offsets(%dma_start3A_221 : memref<32xi32, #tpu.memory_space<vmem>>) semaphore(%arg15 : memref<!tpu.dma_semaphore, #tpu.memory_space<semaphore_mem>>)
      %dma_wait3A_229 = arith.constant 0 : i32
      %dma_wait3A_230 = arith.constant 2 : i32
      %dma_wait3A_231 = arith.constant 0 : i32
      %dma_wait3A_232 = tpu.memref_slice %arg6[%dma_wait3A_229, %dma_wait3A_230, %dma_wait3A_231] : memref<2x16x32xi32, #tpu.memory_space<vmem>> -> memref<1x1x32xi32, #tpu.memory_space<vmem>>
      %dma_wait3A_233 = tpu.memref_squeeze %dma_wait3A_232 : memref<1x1x32xi32, #tpu.memory_space<vmem>> -> memref<32xi32, #tpu.memory_space<vmem>>
      %dma_wait3A_234 = arith.constant 0 : i32
      %dma_wait3A_235 = arith.constant 0 : i32
      %dma_wait3A_236 = tpu.memref_slice %arg2[%arg0, %dma_wait3A_234, %dma_wait3A_235] : memref<2x10000x64xf32, #tpu.memory_space<hbm>> -> memref<1x10000x64xf32, #tpu.memory_space<hbm>>
      %dma_wait3A_237 = tpu.memref_squeeze %dma_wait3A_236 : memref<1x10000x64xf32, #tpu.memory_space<hbm>> -> memref<10000x64xf32, #tpu.memory_space<hbm>>
      %dma_wait3A_238 = arith.constant 0 : i32
      %dma_wait3A_239 = arith.constant 0 : i32
      %dma_wait3A_240 = tpu.memref_slice %dma_wait3A_237[%dma_wait3A_238, %dma_wait3A_239] : memref<10000x64xf32, #tpu.memory_space<hbm>> -> memref<10000x64xf32, #tpu.memory_space<hbm>>
      tpu.wait_indirect_dma semaphore(%arg16 : memref<!tpu.dma_semaphore, #tpu.memory_space<semaphore_mem>>) src(%dma_wait3A_240 : memref<10000x64xf32, #tpu.memory_space<hbm>>) dst(%arg10 : memref<32x64xf32, #tpu.memory_space<vmem>>)
      %dma_start3A_241 = arith.constant 0 : i32
      %dma_start3A_242 = arith.constant 2 : i32
      %dma_start3A_243 = arith.constant 0 : i32
      %dma_start3A_244 = tpu.memref_slice %arg7[%dma_start3A_241, %dma_start3A_242, %dma_start3A_243] : memref<2x16x32xi32, #tpu.memory_space<vmem>> -> memref<1x1x32xi32, #tpu.memory_space<vmem>>
      %dma_start3A_245 = tpu.memref_squeeze %dma_start3A_244 : memref<1x1x32xi32, #tpu.memory_space<vmem>> -> memref<32xi32, #tpu.memory_space<vmem>>
      %dma_start3A_246 = arith.constant 0 : i32
      %dma_start3A_247 = arith.constant 0 : i32
      %dma_start3A_248 = tpu.memref_slice %arg22[%dma_start3A_246, %dma_start3A_247] : memref<30080x64xf32, #tpu.memory_space<vmem_shared>> -> memref<30080x64xf32, #tpu.memory_space<vmem_shared>>
      tpu.enqueue_indirect_dma source(%arg10 : memref<32x64xf32, #tpu.memory_space<vmem>>) target(%dma_start3A_248 : memref<30080x64xf32, #tpu.memory_space<vmem_shared>>) offsets(%dma_start3A_245 : memref<32xi32, #tpu.memory_space<vmem>>) semaphore(%arg20 : memref<!tpu.dma_semaphore, #tpu.memory_space<semaphore_mem>>) {add = true}
      %dma_wait3A_249 = arith.constant 0 : i32
      %dma_wait3A_250 = arith.constant 2 : i32
      %dma_wait3A_251 = arith.constant 0 : i32
      %dma_wait3A_252 = tpu.memref_slice %arg7[%dma_wait3A_249, %dma_wait3A_250, %dma_wait3A_251] : memref<2x16x32xi32, #tpu.memory_space<vmem>> -> memref<1x1x32xi32, #tpu.memory_space<vmem>>
      %dma_wait3A_253 = tpu.memref_squeeze %dma_wait3A_252 : memref<1x1x32xi32, #tpu.memory_space<vmem>> -> memref<32xi32, #tpu.memory_space<vmem>>
      %dma_wait3A_254 = arith.constant 0 : i32
      %dma_wait3A_255 = arith.constant 0 : i32
      %dma_wait3A_256 = tpu.memref_slice %arg22[%dma_wait3A_254, %dma_wait3A_255] : memref<30080x64xf32, #tpu.memory_space<vmem_shared>> -> memref<30080x64xf32, #tpu.memory_space<vmem_shared>>
      tpu.wait_indirect_dma semaphore(%arg20 : memref<!tpu.dma_semaphore, #tpu.memory_space<semaphore_mem>>) src(%arg10 : memref<32x64xf32, #tpu.memory_space<vmem>>) dst(%dma_wait3A_256 : memref<30080x64xf32, #tpu.memory_space<vmem_shared>>)
      %dma_start3A_257 = arith.constant 0 : i32
      %dma_start3A_258 = arith.constant 6 : i32
      %dma_start3A_259 = arith.constant 0 : i32
      %dma_start3A_260 = tpu.memref_slice %arg6[%dma_start3A_257, %dma_start3A_258, %dma_start3A_259] : memref<2x16x32xi32, #tpu.memory_space<vmem>> -> memref<1x1x32xi32, #tpu.memory_space<vmem>>
      %dma_start3A_261 = tpu.memref_squeeze %dma_start3A_260 : memref<1x1x32xi32, #tpu.memory_space<vmem>> -> memref<32xi32, #tpu.memory_space<vmem>>
      %dma_start3A_262 = arith.constant 0 : i32
      %dma_start3A_263 = arith.constant 0 : i32
      %dma_start3A_264 = tpu.memref_slice %arg2[%arg0, %dma_start3A_262, %dma_start3A_263] : memref<2x10000x64xf32, #tpu.memory_space<hbm>> -> memref<1x10000x64xf32, #tpu.memory_space<hbm>>
      %dma_start3A_265 = tpu.memref_squeeze %dma_start3A_264 : memref<1x10000x64xf32, #tpu.memory_space<hbm>> -> memref<10000x64xf32, #tpu.memory_space<hbm>>
      %dma_start3A_266 = arith.constant 0 : i32
      %dma_start3A_267 = arith.constant 0 : i32
      %dma_start3A_268 = tpu.memref_slice %dma_start3A_265[%dma_start3A_266, %dma_start3A_267] : memref<10000x64xf32, #tpu.memory_space<hbm>> -> memref<10000x64xf32, #tpu.memory_space<hbm>>
      tpu.enqueue_indirect_dma source(%dma_start3A_268 : memref<10000x64xf32, #tpu.memory_space<hbm>>) target(%arg10 : memref<32x64xf32, #tpu.memory_space<vmem>>) offsets(%dma_start3A_261 : memref<32xi32, #tpu.memory_space<vmem>>) semaphore(%arg16 : memref<!tpu.dma_semaphore, #tpu.memory_space<semaphore_mem>>)
      %dma_wait3A_269 = arith.constant 0 : i32
      %dma_wait3A_270 = arith.constant 3 : i32
      %dma_wait3A_271 = arith.constant 0 : i32
      %dma_wait3A_272 = tpu.memref_slice %arg6[%dma_wait3A_269, %dma_wait3A_270, %dma_wait3A_271] : memref<2x16x32xi32, #tpu.memory_space<vmem>> -> memref<1x1x32xi32, #tpu.memory_space<vmem>>
      %dma_wait3A_273 = tpu.memref_squeeze %dma_wait3A_272 : memref<1x1x32xi32, #tpu.memory_space<vmem>> -> memref<32xi32, #tpu.memory_space<vmem>>
      %dma_wait3A_274 = arith.constant 0 : i32
      %dma_wait3A_275 = arith.constant 0 : i32
      %dma_wait3A_276 = tpu.memref_slice %arg2[%arg0, %dma_wait3A_274, %dma_wait3A_275] : memref<2x10000x64xf32, #tpu.memory_space<hbm>> -> memref<1x10000x64xf32, #tpu.memory_space<hbm>>
      %dma_wait3A_277 = tpu.memref_squeeze %dma_wait3A_276 : memref<1x10000x64xf32, #tpu.memory_space<hbm>> -> memref<10000x64xf32, #tpu.memory_space<hbm>>
      %dma_wait3A_278 = arith.constant 0 : i32
      %dma_wait3A_279 = arith.constant 0 : i32
      %dma_wait3A_280 = tpu.memref_slice %dma_wait3A_277[%dma_wait3A_278, %dma_wait3A_279] : memref<10000x64xf32, #tpu.memory_space<hbm>> -> memref<10000x64xf32, #tpu.memory_space<hbm>>
      tpu.wait_indirect_dma semaphore(%arg17 : memref<!tpu.dma_semaphore, #tpu.memory_space<semaphore_mem>>) src(%dma_wait3A_280 : memref<10000x64xf32, #tpu.memory_space<hbm>>) dst(%arg11 : memref<32x64xf32, #tpu.memory_space<vmem>>)
      %dma_start3A_281 = arith.constant 0 : i32
      %dma_start3A_282 = arith.constant 3 : i32
      %dma_start3A_283 = arith.constant 0 : i32
      %dma_start3A_284 = tpu.memref_slice %arg7[%dma_start3A_281, %dma_start3A_282, %dma_start3A_283] : memref<2x16x32xi32, #tpu.memory_space<vmem>> -> memref<1x1x32xi32, #tpu.memory_space<vmem>>
      %dma_start3A_285 = tpu.memref_squeeze %dma_start3A_284 : memref<1x1x32xi32, #tpu.memory_space<vmem>> -> memref<32xi32, #tpu.memory_space<vmem>>
      %dma_start3A_286 = arith.constant 0 : i32
      %dma_start3A_287 = arith.constant 0 : i32
      %dma_start3A_288 = tpu.memref_slice %arg22[%dma_start3A_286, %dma_start3A_287] : memref<30080x64xf32, #tpu.memory_space<vmem_shared>> -> memref<30080x64xf32, #tpu.memory_space<vmem_shared>>
      tpu.enqueue_indirect_dma source(%arg11 : memref<32x64xf32, #tpu.memory_space<vmem>>) target(%dma_start3A_288 : memref<30080x64xf32, #tpu.memory_space<vmem_shared>>) offsets(%dma_start3A_285 : memref<32xi32, #tpu.memory_space<vmem>>) semaphore(%arg21 : memref<!tpu.dma_semaphore, #tpu.memory_space<semaphore_mem>>) {add = true}
      %dma_wait3A_289 = arith.constant 0 : i32
      %dma_wait3A_290 = arith.constant 3 : i32
      %dma_wait3A_291 = arith.constant 0 : i32
      %dma_wait3A_292 = tpu.memref_slice %arg7[%dma_wait3A_289, %dma_wait3A_290, %dma_wait3A_291] : memref<2x16x32xi32, #tpu.memory_space<vmem>> -> memref<1x1x32xi32, #tpu.memory_space<vmem>>
      %dma_wait3A_293 = tpu.memref_squeeze %dma_wait3A_292 : memref<1x1x32xi32, #tpu.memory_space<vmem>> -> memref<32xi32, #tpu.memory_space<vmem>>
      %dma_wait3A_294 = arith.constant 0 : i32
      %dma_wait3A_295 = arith.constant 0 : i32
      %dma_wait3A_296 = tpu.memref_slice %arg22[%dma_wait3A_294, %dma_wait3A_295] : memref<30080x64xf32, #tpu.memory_space<vmem_shared>> -> memref<30080x64xf32, #tpu.memory_space<vmem_shared>>
      tpu.wait_indirect_dma semaphore(%arg21 : memref<!tpu.dma_semaphore, #tpu.memory_space<semaphore_mem>>) src(%arg11 : memref<32x64xf32, #tpu.memory_space<vmem>>) dst(%dma_wait3A_296 : memref<30080x64xf32, #tpu.memory_space<vmem_shared>>)
      %dma_start3A_297 = arith.constant 0 : i32
      %dma_start3A_298 = arith.constant 7 : i32
      %dma_start3A_299 = arith.constant 0 : i32
      %dma_start3A_300 = tpu.memref_slice %arg6[%dma_start3A_297, %dma_start3A_298, %dma_start3A_299] : memref<2x16x32xi32, #tpu.memory_space<vmem>> -> memref<1x1x32xi32, #tpu.memory_space<vmem>>
      %dma_start3A_301 = tpu.memref_squeeze %dma_start3A_300 : memref<1x1x32xi32, #tpu.memory_space<vmem>> -> memref<32xi32, #tpu.memory_space<vmem>>
      %dma_start3A_302 = arith.constant 0 : i32
      %dma_start3A_303 = arith.constant 0 : i32
      %dma_start3A_304 = tpu.memref_slice %arg2[%arg0, %dma_start3A_302, %dma_start3A_303] : memref<2x10000x64xf32, #tpu.memory_space<hbm>> -> memref<1x10000x64xf32, #tpu.memory_space<hbm>>
      %dma_start3A_305 = tpu.memref_squeeze %dma_start3A_304 : memref<1x10000x64xf32, #tpu.memory_space<hbm>> -> memref<10000x64xf32, #tpu.memory_space<hbm>>
      %dma_start3A_306 = arith.constant 0 : i32
      %dma_start3A_307 = arith.constant 0 : i32
      %dma_start3A_308 = tpu.memref_slice %dma_start3A_305[%dma_start3A_306, %dma_start3A_307] : memref<10000x64xf32, #tpu.memory_space<hbm>> -> memref<10000x64xf32, #tpu.memory_space<hbm>>
      tpu.enqueue_indirect_dma source(%dma_start3A_308 : memref<10000x64xf32, #tpu.memory_space<hbm>>) target(%arg11 : memref<32x64xf32, #tpu.memory_space<vmem>>) offsets(%dma_start3A_301 : memref<32xi32, #tpu.memory_space<vmem>>) semaphore(%arg17 : memref<!tpu.dma_semaphore, #tpu.memory_space<semaphore_mem>>)
      %dma_wait3A_309 = arith.constant 0 : i32
      %dma_wait3A_310 = arith.constant 4 : i32
      %dma_wait3A_311 = arith.constant 0 : i32
      %dma_wait3A_312 = tpu.memref_slice %arg6[%dma_wait3A_309, %dma_wait3A_310, %dma_wait3A_311] : memref<2x16x32xi32, #tpu.memory_space<vmem>> -> memref<1x1x32xi32, #tpu.memory_space<vmem>>
      %dma_wait3A_313 = tpu.memref_squeeze %dma_wait3A_312 : memref<1x1x32xi32, #tpu.memory_space<vmem>> -> memref<32xi32, #tpu.memory_space<vmem>>
      %dma_wait3A_314 = arith.constant 0 : i32
      %dma_wait3A_315 = arith.constant 0 : i32
      %dma_wait3A_316 = tpu.memref_slice %arg2[%arg0, %dma_wait3A_314, %dma_wait3A_315] : memref<2x10000x64xf32, #tpu.memory_space<hbm>> -> memref<1x10000x64xf32, #tpu.memory_space<hbm>>
      %dma_wait3A_317 = tpu.memref_squeeze %dma_wait3A_316 : memref<1x10000x64xf32, #tpu.memory_space<hbm>> -> memref<10000x64xf32, #tpu.memory_space<hbm>>
      %dma_wait3A_318 = arith.constant 0 : i32
      %dma_wait3A_319 = arith.constant 0 : i32
      %dma_wait3A_320 = tpu.memref_slice %dma_wait3A_317[%dma_wait3A_318, %dma_wait3A_319] : memref<10000x64xf32, #tpu.memory_space<hbm>> -> memref<10000x64xf32, #tpu.memory_space<hbm>>
      tpu.wait_indirect_dma semaphore(%arg14 : memref<!tpu.dma_semaphore, #tpu.memory_space<semaphore_mem>>) src(%dma_wait3A_320 : memref<10000x64xf32, #tpu.memory_space<hbm>>) dst(%arg8 : memref<32x64xf32, #tpu.memory_space<vmem>>)
      %dma_start3A_321 = arith.constant 0 : i32
      %dma_start3A_322 = arith.constant 4 : i32
      %dma_start3A_323 = arith.constant 0 : i32
      %dma_start3A_324 = tpu.memref_slice %arg7[%dma_start3A_321, %dma_start3A_322, %dma_start3A_323] : memref<2x16x32xi32, #tpu.memory_space<vmem>> -> memref<1x1x32xi32, #tpu.memory_space<vmem>>
      %dma_start3A_325 = tpu.memref_squeeze %dma_start3A_324 : memref<1x1x32xi32, #tpu.memory_space<vmem>> -> memref<32xi32, #tpu.memory_space<vmem>>
      %dma_start3A_326 = arith.constant 0 : i32
      %dma_start3A_327 = arith.constant 0 : i32
      %dma_start3A_328 = tpu.memref_slice %arg22[%dma_start3A_326, %dma_start3A_327] : memref<30080x64xf32, #tpu.memory_space<vmem_shared>> -> memref<30080x64xf32, #tpu.memory_space<vmem_shared>>
      tpu.enqueue_indirect_dma source(%arg8 : memref<32x64xf32, #tpu.memory_space<vmem>>) target(%dma_start3A_328 : memref<30080x64xf32, #tpu.memory_space<vmem_shared>>) offsets(%dma_start3A_325 : memref<32xi32, #tpu.memory_space<vmem>>) semaphore(%arg18 : memref<!tpu.dma_semaphore, #tpu.memory_space<semaphore_mem>>) {add = true}
      %dma_wait3A_329 = arith.constant 0 : i32
      %dma_wait3A_330 = arith.constant 4 : i32
      %dma_wait3A_331 = arith.constant 0 : i32
      %dma_wait3A_332 = tpu.memref_slice %arg7[%dma_wait3A_329, %dma_wait3A_330, %dma_wait3A_331] : memref<2x16x32xi32, #tpu.memory_space<vmem>> -> memref<1x1x32xi32, #tpu.memory_space<vmem>>
      %dma_wait3A_333 = tpu.memref_squeeze %dma_wait3A_332 : memref<1x1x32xi32, #tpu.memory_space<vmem>> -> memref<32xi32, #tpu.memory_space<vmem>>
      %dma_wait3A_334 = arith.constant 0 : i32
      %dma_wait3A_335 = arith.constant 0 : i32
      %dma_wait3A_336 = tpu.memref_slice %arg22[%dma_wait3A_334, %dma_wait3A_335] : memref<30080x64xf32, #tpu.memory_space<vmem_shared>> -> memref<30080x64xf32, #tpu.memory_space<vmem_shared>>
      tpu.wait_indirect_dma semaphore(%arg18 : memref<!tpu.dma_semaphore, #tpu.memory_space<semaphore_mem>>) src(%arg8 : memref<32x64xf32, #tpu.memory_space<vmem>>) dst(%dma_wait3A_336 : memref<30080x64xf32, #tpu.memory_space<vmem_shared>>)
      %dma_start3A_337 = arith.constant 0 : i32
      %dma_start3A_338 = arith.constant 8 : i32
      %dma_start3A_339 = arith.constant 0 : i32
      %dma_start3A_340 = tpu.memref_slice %arg6[%dma_start3A_337, %dma_start3A_338, %dma_start3A_339] : memref<2x16x32xi32, #tpu.memory_space<vmem>> -> memref<1x1x32xi32, #tpu.memory_space<vmem>>
      %dma_start3A_341 = tpu.memref_squeeze %dma_start3A_340 : memref<1x1x32xi32, #tpu.memory_space<vmem>> -> memref<32xi32, #tpu.memory_space<vmem>>
      %dma_start3A_342 = arith.constant 0 : i32
      %dma_start3A_343 = arith.constant 0 : i32
      %dma_start3A_344 = tpu.memref_slice %arg2[%arg0, %dma_start3A_342, %dma_start3A_343] : memref<2x10000x64xf32, #tpu.memory_space<hbm>> -> memref<1x10000x64xf32, #tpu.memory_space<hbm>>
      %dma_start3A_345 = tpu.memref_squeeze %dma_start3A_344 : memref<1x10000x64xf32, #tpu.memory_space<hbm>> -> memref<10000x64xf32, #tpu.memory_space<hbm>>
      %dma_start3A_346 = arith.constant 0 : i32
      %dma_start3A_347 = arith.constant 0 : i32
      %dma_start3A_348 = tpu.memref_slice %dma_start3A_345[%dma_start3A_346, %dma_start3A_347] : memref<10000x64xf32, #tpu.memory_space<hbm>> -> memref<10000x64xf32, #tpu.memory_space<hbm>>
      tpu.enqueue_indirect_dma source(%dma_start3A_348 : memref<10000x64xf32, #tpu.memory_space<hbm>>) target(%arg8 : memref<32x64xf32, #tpu.memory_space<vmem>>) offsets(%dma_start3A_341 : memref<32xi32, #tpu.memory_space<vmem>>) semaphore(%arg14 : memref<!tpu.dma_semaphore, #tpu.memory_space<semaphore_mem>>)
      %dma_wait3A_349 = arith.constant 0 : i32
      %dma_wait3A_350 = arith.constant 5 : i32
      %dma_wait3A_351 = arith.constant 0 : i32
      %dma_wait3A_352 = tpu.memref_slice %arg6[%dma_wait3A_349, %dma_wait3A_350, %dma_wait3A_351] : memref<2x16x32xi32, #tpu.memory_space<vmem>> -> memref<1x1x32xi32, #tpu.memory_space<vmem>>
      %dma_wait3A_353 = tpu.memref_squeeze %dma_wait3A_352 : memref<1x1x32xi32, #tpu.memory_space<vmem>> -> memref<32xi32, #tpu.memory_space<vmem>>
      %dma_wait3A_354 = arith.constant 0 : i32
      %dma_wait3A_355 = arith.constant 0 : i32
      %dma_wait3A_356 = tpu.memref_slice %arg2[%arg0, %dma_wait3A_354, %dma_wait3A_355] : memref<2x10000x64xf32, #tpu.memory_space<hbm>> -> memref<1x10000x64xf32, #tpu.memory_space<hbm>>
      %dma_wait3A_357 = tpu.memref_squeeze %dma_wait3A_356 : memref<1x10000x64xf32, #tpu.memory_space<hbm>> -> memref<10000x64xf32, #tpu.memory_space<hbm>>
      %dma_wait3A_358 = arith.constant 0 : i32
      %dma_wait3A_359 = arith.constant 0 : i32
      %dma_wait3A_360 = tpu.memref_slice %dma_wait3A_357[%dma_wait3A_358, %dma_wait3A_359] : memref<10000x64xf32, #tpu.memory_space<hbm>> -> memref<10000x64xf32, #tpu.memory_space<hbm>>
      tpu.wait_indirect_dma semaphore(%arg15 : memref<!tpu.dma_semaphore, #tpu.memory_space<semaphore_mem>>) src(%dma_wait3A_360 : memref<10000x64xf32, #tpu.memory_space<hbm>>) dst(%arg9 : memref<32x64xf32, #tpu.memory_space<vmem>>)
      %dma_start3A_361 = arith.constant 0 : i32
      %dma_start3A_362 = arith.constant 5 : i32
      %dma_start3A_363 = arith.constant 0 : i32
      %dma_start3A_364 = tpu.memref_slice %arg7[%dma_start3A_361, %dma_start3A_362, %dma_start3A_363] : memref<2x16x32xi32, #tpu.memory_space<vmem>> -> memref<1x1x32xi32, #tpu.memory_space<vmem>>
      %dma_start3A_365 = tpu.memref_squeeze %dma_start3A_364 : memref<1x1x32xi32, #tpu.memory_space<vmem>> -> memref<32xi32, #tpu.memory_space<vmem>>
      %dma_start3A_366 = arith.constant 0 : i32
      %dma_start3A_367 = arith.constant 0 : i32
      %dma_start3A_368 = tpu.memref_slice %arg22[%dma_start3A_366, %dma_start3A_367] : memref<30080x64xf32, #tpu.memory_space<vmem_shared>> -> memref<30080x64xf32, #tpu.memory_space<vmem_shared>>
      tpu.enqueue_indirect_dma source(%arg9 : memref<32x64xf32, #tpu.memory_space<vmem>>) target(%dma_start3A_368 : memref<30080x64xf32, #tpu.memory_space<vmem_shared>>) offsets(%dma_start3A_365 : memref<32xi32, #tpu.memory_space<vmem>>) semaphore(%arg19 : memref<!tpu.dma_semaphore, #tpu.memory_space<semaphore_mem>>) {add = true}
      %dma_wait3A_369 = arith.constant 0 : i32
      %dma_wait3A_370 = arith.constant 5 : i32
      %dma_wait3A_371 = arith.constant 0 : i32
      %dma_wait3A_372 = tpu.memref_slice %arg7[%dma_wait3A_369, %dma_wait3A_370, %dma_wait3A_371] : memref<2x16x32xi32, #tpu.memory_space<vmem>> -> memref<1x1x32xi32, #tpu.memory_space<vmem>>
      %dma_wait3A_373 = tpu.memref_squeeze %dma_wait3A_372 : memref<1x1x32xi32, #tpu.memory_space<vmem>> -> memref<32xi32, #tpu.memory_space<vmem>>
      %dma_wait3A_374 = arith.constant 0 : i32
      %dma_wait3A_375 = arith.constant 0 : i32
      %dma_wait3A_376 = tpu.memref_slice %arg22[%dma_wait3A_374, %dma_wait3A_375] : memref<30080x64xf32, #tpu.memory_space<vmem_shared>> -> memref<30080x64xf32, #tpu.memory_space<vmem_shared>>
      tpu.wait_indirect_dma semaphore(%arg19 : memref<!tpu.dma_semaphore, #tpu.memory_space<semaphore_mem>>) src(%arg9 : memref<32x64xf32, #tpu.memory_space<vmem>>) dst(%dma_wait3A_376 : memref<30080x64xf32, #tpu.memory_space<vmem_shared>>)
      %dma_start3A_377 = arith.constant 0 : i32
      %dma_start3A_378 = arith.constant 9 : i32
      %dma_start3A_379 = arith.constant 0 : i32
      %dma_start3A_380 = tpu.memref_slice %arg6[%dma_start3A_377, %dma_start3A_378, %dma_start3A_379] : memref<2x16x32xi32, #tpu.memory_space<vmem>> -> memref<1x1x32xi32, #tpu.memory_space<vmem>>
      %dma_start3A_381 = tpu.memref_squeeze %dma_start3A_380 : memref<1x1x32xi32, #tpu.memory_space<vmem>> -> memref<32xi32, #tpu.memory_space<vmem>>
      %dma_start3A_382 = arith.constant 0 : i32
      %dma_start3A_383 = arith.constant 0 : i32
      %dma_start3A_384 = tpu.memref_slice %arg2[%arg0, %dma_start3A_382, %dma_start3A_383] : memref<2x10000x64xf32, #tpu.memory_space<hbm>> -> memref<1x10000x64xf32, #tpu.memory_space<hbm>>
      %dma_start3A_385 = tpu.memref_squeeze %dma_start3A_384 : memref<1x10000x64xf32, #tpu.memory_space<hbm>> -> memref<10000x64xf32, #tpu.memory_space<hbm>>
      %dma_start3A_386 = arith.constant 0 : i32
      %dma_start3A_387 = arith.constant 0 : i32
      %dma_start3A_388 = tpu.memref_slice %dma_start3A_385[%dma_start3A_386, %dma_start3A_387] : memref<10000x64xf32, #tpu.memory_space<hbm>> -> memref<10000x64xf32, #tpu.memory_space<hbm>>
      tpu.enqueue_indirect_dma source(%dma_start3A_388 : memref<10000x64xf32, #tpu.memory_space<hbm>>) target(%arg9 : memref<32x64xf32, #tpu.memory_space<vmem>>) offsets(%dma_start3A_381 : memref<32xi32, #tpu.memory_space<vmem>>) semaphore(%arg15 : memref<!tpu.dma_semaphore, #tpu.memory_space<semaphore_mem>>)
      %dma_wait3A_389 = arith.constant 0 : i32
      %dma_wait3A_390 = arith.constant 6 : i32
      %dma_wait3A_391 = arith.constant 0 : i32
      %dma_wait3A_392 = tpu.memref_slice %arg6[%dma_wait3A_389, %dma_wait3A_390, %dma_wait3A_391] : memref<2x16x32xi32, #tpu.memory_space<vmem>> -> memref<1x1x32xi32, #tpu.memory_space<vmem>>
      %dma_wait3A_393 = tpu.memref_squeeze %dma_wait3A_392 : memref<1x1x32xi32, #tpu.memory_space<vmem>> -> memref<32xi32, #tpu.memory_space<vmem>>
      %dma_wait3A_394 = arith.constant 0 : i32
      %dma_wait3A_395 = arith.constant 0 : i32
      %dma_wait3A_396 = tpu.memref_slice %arg2[%arg0, %dma_wait3A_394, %dma_wait3A_395] : memref<2x10000x64xf32, #tpu.memory_space<hbm>> -> memref<1x10000x64xf32, #tpu.memory_space<hbm>>
      %dma_wait3A_397 = tpu.memref_squeeze %dma_wait3A_396 : memref<1x10000x64xf32, #tpu.memory_space<hbm>> -> memref<10000x64xf32, #tpu.memory_space<hbm>>
      %dma_wait3A_398 = arith.constant 0 : i32
      %dma_wait3A_399 = arith.constant 0 : i32
      %dma_wait3A_400 = tpu.memref_slice %dma_wait3A_397[%dma_wait3A_398, %dma_wait3A_399] : memref<10000x64xf32, #tpu.memory_space<hbm>> -> memref<10000x64xf32, #tpu.memory_space<hbm>>
      tpu.wait_indirect_dma semaphore(%arg16 : memref<!tpu.dma_semaphore, #tpu.memory_space<semaphore_mem>>) src(%dma_wait3A_400 : memref<10000x64xf32, #tpu.memory_space<hbm>>) dst(%arg10 : memref<32x64xf32, #tpu.memory_space<vmem>>)
      %dma_start3A_401 = arith.constant 0 : i32
      %dma_start3A_402 = arith.constant 6 : i32
      %dma_start3A_403 = arith.constant 0 : i32
      %dma_start3A_404 = tpu.memref_slice %arg7[%dma_start3A_401, %dma_start3A_402, %dma_start3A_403] : memref<2x16x32xi32, #tpu.memory_space<vmem>> -> memref<1x1x32xi32, #tpu.memory_space<vmem>>
      %dma_start3A_405 = tpu.memref_squeeze %dma_start3A_404 : memref<1x1x32xi32, #tpu.memory_space<vmem>> -> memref<32xi32, #tpu.memory_space<vmem>>
      %dma_start3A_406 = arith.constant 0 : i32
      %dma_start3A_407 = arith.constant 0 : i32
      %dma_start3A_408 = tpu.memref_slice %arg22[%dma_start3A_406, %dma_start3A_407] : memref<30080x64xf32, #tpu.memory_space<vmem_shared>> -> memref<30080x64xf32, #tpu.memory_space<vmem_shared>>
      tpu.enqueue_indirect_dma source(%arg10 : memref<32x64xf32, #tpu.memory_space<vmem>>) target(%dma_start3A_408 : memref<30080x64xf32, #tpu.memory_space<vmem_shared>>) offsets(%dma_start3A_405 : memref<32xi32, #tpu.memory_space<vmem>>) semaphore(%arg20 : memref<!tpu.dma_semaphore, #tpu.memory_space<semaphore_mem>>) {add = true}
      %dma_wait3A_409 = arith.constant 0 : i32
      %dma_wait3A_410 = arith.constant 6 : i32
      %dma_wait3A_411 = arith.constant 0 : i32
      %dma_wait3A_412 = tpu.memref_slice %arg7[%dma_wait3A_409, %dma_wait3A_410, %dma_wait3A_411] : memref<2x16x32xi32, #tpu.memory_space<vmem>> -> memref<1x1x32xi32, #tpu.memory_space<vmem>>
      %dma_wait3A_413 = tpu.memref_squeeze %dma_wait3A_412 : memref<1x1x32xi32, #tpu.memory_space<vmem>> -> memref<32xi32, #tpu.memory_space<vmem>>
      %dma_wait3A_414 = arith.constant 0 : i32
      %dma_wait3A_415 = arith.constant 0 : i32
      %dma_wait3A_416 = tpu.memref_slice %arg22[%dma_wait3A_414, %dma_wait3A_415] : memref<30080x64xf32, #tpu.memory_space<vmem_shared>> -> memref<30080x64xf32, #tpu.memory_space<vmem_shared>>
      tpu.wait_indirect_dma semaphore(%arg20 : memref<!tpu.dma_semaphore, #tpu.memory_space<semaphore_mem>>) src(%arg10 : memref<32x64xf32, #tpu.memory_space<vmem>>) dst(%dma_wait3A_416 : memref<30080x64xf32, #tpu.memory_space<vmem_shared>>)
      %dma_start3A_417 = arith.constant 0 : i32
      %dma_start3A_418 = arith.constant 10 : i32
      %dma_start3A_419 = arith.constant 0 : i32
      %dma_start3A_420 = tpu.memref_slice %arg6[%dma_start3A_417, %dma_start3A_418, %dma_start3A_419] : memref<2x16x32xi32, #tpu.memory_space<vmem>> -> memref<1x1x32xi32, #tpu.memory_space<vmem>>
      %dma_start3A_421 = tpu.memref_squeeze %dma_start3A_420 : memref<1x1x32xi32, #tpu.memory_space<vmem>> -> memref<32xi32, #tpu.memory_space<vmem>>
      %dma_start3A_422 = arith.constant 0 : i32
      %dma_start3A_423 = arith.constant 0 : i32
      %dma_start3A_424 = tpu.memref_slice %arg2[%arg0, %dma_start3A_422, %dma_start3A_423] : memref<2x10000x64xf32, #tpu.memory_space<hbm>> -> memref<1x10000x64xf32, #tpu.memory_space<hbm>>
      %dma_start3A_425 = tpu.memref_squeeze %dma_start3A_424 : memref<1x10000x64xf32, #tpu.memory_space<hbm>> -> memref<10000x64xf32, #tpu.memory_space<hbm>>
      %dma_start3A_426 = arith.constant 0 : i32
      %dma_start3A_427 = arith.constant 0 : i32
      %dma_start3A_428 = tpu.memref_slice %dma_start3A_425[%dma_start3A_426, %dma_start3A_427] : memref<10000x64xf32, #tpu.memory_space<hbm>> -> memref<10000x64xf32, #tpu.memory_space<hbm>>
      tpu.enqueue_indirect_dma source(%dma_start3A_428 : memref<10000x64xf32, #tpu.memory_space<hbm>>) target(%arg10 : memref<32x64xf32, #tpu.memory_space<vmem>>) offsets(%dma_start3A_421 : memref<32xi32, #tpu.memory_space<vmem>>) semaphore(%arg16 : memref<!tpu.dma_semaphore, #tpu.memory_space<semaphore_mem>>)
      %dma_wait3A_429 = arith.constant 0 : i32
      %dma_wait3A_430 = arith.constant 7 : i32
      %dma_wait3A_431 = arith.constant 0 : i32
      %dma_wait3A_432 = tpu.memref_slice %arg6[%dma_wait3A_429, %dma_wait3A_430, %dma_wait3A_431] : memref<2x16x32xi32, #tpu.memory_space<vmem>> -> memref<1x1x32xi32, #tpu.memory_space<vmem>>
      %dma_wait3A_433 = tpu.memref_squeeze %dma_wait3A_432 : memref<1x1x32xi32, #tpu.memory_space<vmem>> -> memref<32xi32, #tpu.memory_space<vmem>>
      %dma_wait3A_434 = arith.constant 0 : i32
      %dma_wait3A_435 = arith.constant 0 : i32
      %dma_wait3A_436 = tpu.memref_slice %arg2[%arg0, %dma_wait3A_434, %dma_wait3A_435] : memref<2x10000x64xf32, #tpu.memory_space<hbm>> -> memref<1x10000x64xf32, #tpu.memory_space<hbm>>
      %dma_wait3A_437 = tpu.memref_squeeze %dma_wait3A_436 : memref<1x10000x64xf32, #tpu.memory_space<hbm>> -> memref<10000x64xf32, #tpu.memory_space<hbm>>
      %dma_wait3A_438 = arith.constant 0 : i32
      %dma_wait3A_439 = arith.constant 0 : i32
      %dma_wait3A_440 = tpu.memref_slice %dma_wait3A_437[%dma_wait3A_438, %dma_wait3A_439] : memref<10000x64xf32, #tpu.memory_space<hbm>> -> memref<10000x64xf32, #tpu.memory_space<hbm>>
      tpu.wait_indirect_dma semaphore(%arg17 : memref<!tpu.dma_semaphore, #tpu.memory_space<semaphore_mem>>) src(%dma_wait3A_440 : memref<10000x64xf32, #tpu.memory_space<hbm>>) dst(%arg11 : memref<32x64xf32, #tpu.memory_space<vmem>>)
      %dma_start3A_441 = arith.constant 0 : i32
      %dma_start3A_442 = arith.constant 7 : i32
      %dma_start3A_443 = arith.constant 0 : i32
      %dma_start3A_444 = tpu.memref_slice %arg7[%dma_start3A_441, %dma_start3A_442, %dma_start3A_443] : memref<2x16x32xi32, #tpu.memory_space<vmem>> -> memref<1x1x32xi32, #tpu.memory_space<vmem>>
      %dma_start3A_445 = tpu.memref_squeeze %dma_start3A_444 : memref<1x1x32xi32, #tpu.memory_space<vmem>> -> memref<32xi32, #tpu.memory_space<vmem>>
      %dma_start3A_446 = arith.constant 0 : i32
      %dma_start3A_447 = arith.constant 0 : i32
      %dma_start3A_448 = tpu.memref_slice %arg22[%dma_start3A_446, %dma_start3A_447] : memref<30080x64xf32, #tpu.memory_space<vmem_shared>> -> memref<30080x64xf32, #tpu.memory_space<vmem_shared>>
      tpu.enqueue_indirect_dma source(%arg11 : memref<32x64xf32, #tpu.memory_space<vmem>>) target(%dma_start3A_448 : memref<30080x64xf32, #tpu.memory_space<vmem_shared>>) offsets(%dma_start3A_445 : memref<32xi32, #tpu.memory_space<vmem>>) semaphore(%arg21 : memref<!tpu.dma_semaphore, #tpu.memory_space<semaphore_mem>>) {add = true}
      %dma_wait3A_449 = arith.constant 0 : i32
      %dma_wait3A_450 = arith.constant 7 : i32
      %dma_wait3A_451 = arith.constant 0 : i32
      %dma_wait3A_452 = tpu.memref_slice %arg7[%dma_wait3A_449, %dma_wait3A_450, %dma_wait3A_451] : memref<2x16x32xi32, #tpu.memory_space<vmem>> -> memref<1x1x32xi32, #tpu.memory_space<vmem>>
      %dma_wait3A_453 = tpu.memref_squeeze %dma_wait3A_452 : memref<1x1x32xi32, #tpu.memory_space<vmem>> -> memref<32xi32, #tpu.memory_space<vmem>>
      %dma_wait3A_454 = arith.constant 0 : i32
      %dma_wait3A_455 = arith.constant 0 : i32
      %dma_wait3A_456 = tpu.memref_slice %arg22[%dma_wait3A_454, %dma_wait3A_455] : memref<30080x64xf32, #tpu.memory_space<vmem_shared>> -> memref<30080x64xf32, #tpu.memory_space<vmem_shared>>
      tpu.wait_indirect_dma semaphore(%arg21 : memref<!tpu.dma_semaphore, #tpu.memory_space<semaphore_mem>>) src(%arg11 : memref<32x64xf32, #tpu.memory_space<vmem>>) dst(%dma_wait3A_456 : memref<30080x64xf32, #tpu.memory_space<vmem_shared>>)
      %dma_start3A_457 = arith.constant 0 : i32
      %dma_start3A_458 = arith.constant 11 : i32
      %dma_start3A_459 = arith.constant 0 : i32
      %dma_start3A_460 = tpu.memref_slice %arg6[%dma_start3A_457, %dma_start3A_458, %dma_start3A_459] : memref<2x16x32xi32, #tpu.memory_space<vmem>> -> memref<1x1x32xi32, #tpu.memory_space<vmem>>
      %dma_start3A_461 = tpu.memref_squeeze %dma_start3A_460 : memref<1x1x32xi32, #tpu.memory_space<vmem>> -> memref<32xi32, #tpu.memory_space<vmem>>
      %dma_start3A_462 = arith.constant 0 : i32
      %dma_start3A_463 = arith.constant 0 : i32
      %dma_start3A_464 = tpu.memref_slice %arg2[%arg0, %dma_start3A_462, %dma_start3A_463] : memref<2x10000x64xf32, #tpu.memory_space<hbm>> -> memref<1x10000x64xf32, #tpu.memory_space<hbm>>
      %dma_start3A_465 = tpu.memref_squeeze %dma_start3A_464 : memref<1x10000x64xf32, #tpu.memory_space<hbm>> -> memref<10000x64xf32, #tpu.memory_space<hbm>>
      %dma_start3A_466 = arith.constant 0 : i32
      %dma_start3A_467 = arith.constant 0 : i32
      %dma_start3A_468 = tpu.memref_slice %dma_start3A_465[%dma_start3A_466, %dma_start3A_467] : memref<10000x64xf32, #tpu.memory_space<hbm>> -> memref<10000x64xf32, #tpu.memory_space<hbm>>
      tpu.enqueue_indirect_dma source(%dma_start3A_468 : memref<10000x64xf32, #tpu.memory_space<hbm>>) target(%arg11 : memref<32x64xf32, #tpu.memory_space<vmem>>) offsets(%dma_start3A_461 : memref<32xi32, #tpu.memory_space<vmem>>) semaphore(%arg17 : memref<!tpu.dma_semaphore, #tpu.memory_space<semaphore_mem>>)
      %dma_wait3A_469 = arith.constant 0 : i32
      %dma_wait3A_470 = arith.constant 8 : i32
      %dma_wait3A_471 = arith.constant 0 : i32
      %dma_wait3A_472 = tpu.memref_slice %arg6[%dma_wait3A_469, %dma_wait3A_470, %dma_wait3A_471] : memref<2x16x32xi32, #tpu.memory_space<vmem>> -> memref<1x1x32xi32, #tpu.memory_space<vmem>>
      %dma_wait3A_473 = tpu.memref_squeeze %dma_wait3A_472 : memref<1x1x32xi32, #tpu.memory_space<vmem>> -> memref<32xi32, #tpu.memory_space<vmem>>
      %dma_wait3A_474 = arith.constant 0 : i32
      %dma_wait3A_475 = arith.constant 0 : i32
      %dma_wait3A_476 = tpu.memref_slice %arg2[%arg0, %dma_wait3A_474, %dma_wait3A_475] : memref<2x10000x64xf32, #tpu.memory_space<hbm>> -> memref<1x10000x64xf32, #tpu.memory_space<hbm>>
      %dma_wait3A_477 = tpu.memref_squeeze %dma_wait3A_476 : memref<1x10000x64xf32, #tpu.memory_space<hbm>> -> memref<10000x64xf32, #tpu.memory_space<hbm>>
      %dma_wait3A_478 = arith.constant 0 : i32
      %dma_wait3A_479 = arith.constant 0 : i32
      %dma_wait3A_480 = tpu.memref_slice %dma_wait3A_477[%dma_wait3A_478, %dma_wait3A_479] : memref<10000x64xf32, #tpu.memory_space<hbm>> -> memref<10000x64xf32, #tpu.memory_space<hbm>>
      tpu.wait_indirect_dma semaphore(%arg14 : memref<!tpu.dma_semaphore, #tpu.memory_space<semaphore_mem>>) src(%dma_wait3A_480 : memref<10000x64xf32, #tpu.memory_space<hbm>>) dst(%arg8 : memref<32x64xf32, #tpu.memory_space<vmem>>)
      %dma_start3A_481 = arith.constant 0 : i32
      %dma_start3A_482 = arith.constant 8 : i32
      %dma_start3A_483 = arith.constant 0 : i32
      %dma_start3A_484 = tpu.memref_slice %arg7[%dma_start3A_481, %dma_start3A_482, %dma_start3A_483] : memref<2x16x32xi32, #tpu.memory_space<vmem>> -> memref<1x1x32xi32, #tpu.memory_space<vmem>>
      %dma_start3A_485 = tpu.memref_squeeze %dma_start3A_484 : memref<1x1x32xi32, #tpu.memory_space<vmem>> -> memref<32xi32, #tpu.memory_space<vmem>>
      %dma_start3A_486 = arith.constant 0 : i32
      %dma_start3A_487 = arith.constant 0 : i32
      %dma_start3A_488 = tpu.memref_slice %arg22[%dma_start3A_486, %dma_start3A_487] : memref<30080x64xf32, #tpu.memory_space<vmem_shared>> -> memref<30080x64xf32, #tpu.memory_space<vmem_shared>>
      tpu.enqueue_indirect_dma source(%arg8 : memref<32x64xf32, #tpu.memory_space<vmem>>) target(%dma_start3A_488 : memref<30080x64xf32, #tpu.memory_space<vmem_shared>>) offsets(%dma_start3A_485 : memref<32xi32, #tpu.memory_space<vmem>>) semaphore(%arg18 : memref<!tpu.dma_semaphore, #tpu.memory_space<semaphore_mem>>) {add = true}
      %dma_wait3A_489 = arith.constant 0 : i32
      %dma_wait3A_490 = arith.constant 8 : i32
      %dma_wait3A_491 = arith.constant 0 : i32
      %dma_wait3A_492 = tpu.memref_slice %arg7[%dma_wait3A_489, %dma_wait3A_490, %dma_wait3A_491] : memref<2x16x32xi32, #tpu.memory_space<vmem>> -> memref<1x1x32xi32, #tpu.memory_space<vmem>>
      %dma_wait3A_493 = tpu.memref_squeeze %dma_wait3A_492 : memref<1x1x32xi32, #tpu.memory_space<vmem>> -> memref<32xi32, #tpu.memory_space<vmem>>
      %dma_wait3A_494 = arith.constant 0 : i32
      %dma_wait3A_495 = arith.constant 0 : i32
      %dma_wait3A_496 = tpu.memref_slice %arg22[%dma_wait3A_494, %dma_wait3A_495] : memref<30080x64xf32, #tpu.memory_space<vmem_shared>> -> memref<30080x64xf32, #tpu.memory_space<vmem_shared>>
      tpu.wait_indirect_dma semaphore(%arg18 : memref<!tpu.dma_semaphore, #tpu.memory_space<semaphore_mem>>) src(%arg8 : memref<32x64xf32, #tpu.memory_space<vmem>>) dst(%dma_wait3A_496 : memref<30080x64xf32, #tpu.memory_space<vmem_shared>>)
      %dma_start3A_497 = arith.constant 0 : i32
      %dma_start3A_498 = arith.constant 12 : i32
      %dma_start3A_499 = arith.constant 0 : i32
      %dma_start3A_500 = tpu.memref_slice %arg6[%dma_start3A_497, %dma_start3A_498, %dma_start3A_499] : memref<2x16x32xi32, #tpu.memory_space<vmem>> -> memref<1x1x32xi32, #tpu.memory_space<vmem>>
      %dma_start3A_501 = tpu.memref_squeeze %dma_start3A_500 : memref<1x1x32xi32, #tpu.memory_space<vmem>> -> memref<32xi32, #tpu.memory_space<vmem>>
      %dma_start3A_502 = arith.constant 0 : i32
      %dma_start3A_503 = arith.constant 0 : i32
      %dma_start3A_504 = tpu.memref_slice %arg2[%arg0, %dma_start3A_502, %dma_start3A_503] : memref<2x10000x64xf32, #tpu.memory_space<hbm>> -> memref<1x10000x64xf32, #tpu.memory_space<hbm>>
      %dma_start3A_505 = tpu.memref_squeeze %dma_start3A_504 : memref<1x10000x64xf32, #tpu.memory_space<hbm>> -> memref<10000x64xf32, #tpu.memory_space<hbm>>
      %dma_start3A_506 = arith.constant 0 : i32
      %dma_start3A_507 = arith.constant 0 : i32
      %dma_start3A_508 = tpu.memref_slice %dma_start3A_505[%dma_start3A_506, %dma_start3A_507] : memref<10000x64xf32, #tpu.memory_space<hbm>> -> memref<10000x64xf32, #tpu.memory_space<hbm>>
      tpu.enqueue_indirect_dma source(%dma_start3A_508 : memref<10000x64xf32, #tpu.memory_space<hbm>>) target(%arg8 : memref<32x64xf32, #tpu.memory_space<vmem>>) offsets(%dma_start3A_501 : memref<32xi32, #tpu.memory_space<vmem>>) semaphore(%arg14 : memref<!tpu.dma_semaphore, #tpu.memory_space<semaphore_mem>>)
      %dma_wait3A_509 = arith.constant 0 : i32
      %dma_wait3A_510 = arith.constant 9 : i32
      %dma_wait3A_511 = arith.constant 0 : i32
      %dma_wait3A_512 = tpu.memref_slice %arg6[%dma_wait3A_509, %dma_wait3A_510, %dma_wait3A_511] : memref<2x16x32xi32, #tpu.memory_space<vmem>> -> memref<1x1x32xi32, #tpu.memory_space<vmem>>
      %dma_wait3A_513 = tpu.memref_squeeze %dma_wait3A_512 : memref<1x1x32xi32, #tpu.memory_space<vmem>> -> memref<32xi32, #tpu.memory_space<vmem>>
      %dma_wait3A_514 = arith.constant 0 : i32
      %dma_wait3A_515 = arith.constant 0 : i32
      %dma_wait3A_516 = tpu.memref_slice %arg2[%arg0, %dma_wait3A_514, %dma_wait3A_515] : memref<2x10000x64xf32, #tpu.memory_space<hbm>> -> memref<1x10000x64xf32, #tpu.memory_space<hbm>>
      %dma_wait3A_517 = tpu.memref_squeeze %dma_wait3A_516 : memref<1x10000x64xf32, #tpu.memory_space<hbm>> -> memref<10000x64xf32, #tpu.memory_space<hbm>>
      %dma_wait3A_518 = arith.constant 0 : i32
      %dma_wait3A_519 = arith.constant 0 : i32
      %dma_wait3A_520 = tpu.memref_slice %dma_wait3A_517[%dma_wait3A_518, %dma_wait3A_519] : memref<10000x64xf32, #tpu.memory_space<hbm>> -> memref<10000x64xf32, #tpu.memory_space<hbm>>
      tpu.wait_indirect_dma semaphore(%arg15 : memref<!tpu.dma_semaphore, #tpu.memory_space<semaphore_mem>>) src(%dma_wait3A_520 : memref<10000x64xf32, #tpu.memory_space<hbm>>) dst(%arg9 : memref<32x64xf32, #tpu.memory_space<vmem>>)
      %dma_start3A_521 = arith.constant 0 : i32
      %dma_start3A_522 = arith.constant 9 : i32
      %dma_start3A_523 = arith.constant 0 : i32
      %dma_start3A_524 = tpu.memref_slice %arg7[%dma_start3A_521, %dma_start3A_522, %dma_start3A_523] : memref<2x16x32xi32, #tpu.memory_space<vmem>> -> memref<1x1x32xi32, #tpu.memory_space<vmem>>
      %dma_start3A_525 = tpu.memref_squeeze %dma_start3A_524 : memref<1x1x32xi32, #tpu.memory_space<vmem>> -> memref<32xi32, #tpu.memory_space<vmem>>
      %dma_start3A_526 = arith.constant 0 : i32
      %dma_start3A_527 = arith.constant 0 : i32
      %dma_start3A_528 = tpu.memref_slice %arg22[%dma_start3A_526, %dma_start3A_527] : memref<30080x64xf32, #tpu.memory_space<vmem_shared>> -> memref<30080x64xf32, #tpu.memory_space<vmem_shared>>
      tpu.enqueue_indirect_dma source(%arg9 : memref<32x64xf32, #tpu.memory_space<vmem>>) target(%dma_start3A_528 : memref<30080x64xf32, #tpu.memory_space<vmem_shared>>) offsets(%dma_start3A_525 : memref<32xi32, #tpu.memory_space<vmem>>) semaphore(%arg19 : memref<!tpu.dma_semaphore, #tpu.memory_space<semaphore_mem>>) {add = true}
      %dma_wait3A_529 = arith.constant 0 : i32
      %dma_wait3A_530 = arith.constant 9 : i32
      %dma_wait3A_531 = arith.constant 0 : i32
      %dma_wait3A_532 = tpu.memref_slice %arg7[%dma_wait3A_529, %dma_wait3A_530, %dma_wait3A_531] : memref<2x16x32xi32, #tpu.memory_space<vmem>> -> memref<1x1x32xi32, #tpu.memory_space<vmem>>
      %dma_wait3A_533 = tpu.memref_squeeze %dma_wait3A_532 : memref<1x1x32xi32, #tpu.memory_space<vmem>> -> memref<32xi32, #tpu.memory_space<vmem>>
      %dma_wait3A_534 = arith.constant 0 : i32
      %dma_wait3A_535 = arith.constant 0 : i32
      %dma_wait3A_536 = tpu.memref_slice %arg22[%dma_wait3A_534, %dma_wait3A_535] : memref<30080x64xf32, #tpu.memory_space<vmem_shared>> -> memref<30080x64xf32, #tpu.memory_space<vmem_shared>>
      tpu.wait_indirect_dma semaphore(%arg19 : memref<!tpu.dma_semaphore, #tpu.memory_space<semaphore_mem>>) src(%arg9 : memref<32x64xf32, #tpu.memory_space<vmem>>) dst(%dma_wait3A_536 : memref<30080x64xf32, #tpu.memory_space<vmem_shared>>)
      %dma_start3A_537 = arith.constant 0 : i32
      %dma_start3A_538 = arith.constant 13 : i32
      %dma_start3A_539 = arith.constant 0 : i32
      %dma_start3A_540 = tpu.memref_slice %arg6[%dma_start3A_537, %dma_start3A_538, %dma_start3A_539] : memref<2x16x32xi32, #tpu.memory_space<vmem>> -> memref<1x1x32xi32, #tpu.memory_space<vmem>>
      %dma_start3A_541 = tpu.memref_squeeze %dma_start3A_540 : memref<1x1x32xi32, #tpu.memory_space<vmem>> -> memref<32xi32, #tpu.memory_space<vmem>>
      %dma_start3A_542 = arith.constant 0 : i32
      %dma_start3A_543 = arith.constant 0 : i32
      %dma_start3A_544 = tpu.memref_slice %arg2[%arg0, %dma_start3A_542, %dma_start3A_543] : memref<2x10000x64xf32, #tpu.memory_space<hbm>> -> memref<1x10000x64xf32, #tpu.memory_space<hbm>>
      %dma_start3A_545 = tpu.memref_squeeze %dma_start3A_544 : memref<1x10000x64xf32, #tpu.memory_space<hbm>> -> memref<10000x64xf32, #tpu.memory_space<hbm>>
      %dma_start3A_546 = arith.constant 0 : i32
      %dma_start3A_547 = arith.constant 0 : i32
      %dma_start3A_548 = tpu.memref_slice %dma_start3A_545[%dma_start3A_546, %dma_start3A_547] : memref<10000x64xf32, #tpu.memory_space<hbm>> -> memref<10000x64xf32, #tpu.memory_space<hbm>>
      tpu.enqueue_indirect_dma source(%dma_start3A_548 : memref<10000x64xf32, #tpu.memory_space<hbm>>) target(%arg9 : memref<32x64xf32, #tpu.memory_space<vmem>>) offsets(%dma_start3A_541 : memref<32xi32, #tpu.memory_space<vmem>>) semaphore(%arg15 : memref<!tpu.dma_semaphore, #tpu.memory_space<semaphore_mem>>)
      %dma_wait3A_549 = arith.constant 0 : i32
      %dma_wait3A_550 = arith.constant 10 : i32
      %dma_wait3A_551 = arith.constant 0 : i32
      %dma_wait3A_552 = tpu.memref_slice %arg6[%dma_wait3A_549, %dma_wait3A_550, %dma_wait3A_551] : memref<2x16x32xi32, #tpu.memory_space<vmem>> -> memref<1x1x32xi32, #tpu.memory_space<vmem>>
      %dma_wait3A_553 = tpu.memref_squeeze %dma_wait3A_552 : memref<1x1x32xi32, #tpu.memory_space<vmem>> -> memref<32xi32, #tpu.memory_space<vmem>>
      %dma_wait3A_554 = arith.constant 0 : i32
      %dma_wait3A_555 = arith.constant 0 : i32
      %dma_wait3A_556 = tpu.memref_slice %arg2[%arg0, %dma_wait3A_554, %dma_wait3A_555] : memref<2x10000x64xf32, #tpu.memory_space<hbm>> -> memref<1x10000x64xf32, #tpu.memory_space<hbm>>
      %dma_wait3A_557 = tpu.memref_squeeze %dma_wait3A_556 : memref<1x10000x64xf32, #tpu.memory_space<hbm>> -> memref<10000x64xf32, #tpu.memory_space<hbm>>
      %dma_wait3A_558 = arith.constant 0 : i32
      %dma_wait3A_559 = arith.constant 0 : i32
      %dma_wait3A_560 = tpu.memref_slice %dma_wait3A_557[%dma_wait3A_558, %dma_wait3A_559] : memref<10000x64xf32, #tpu.memory_space<hbm>> -> memref<10000x64xf32, #tpu.memory_space<hbm>>
      tpu.wait_indirect_dma semaphore(%arg16 : memref<!tpu.dma_semaphore, #tpu.memory_space<semaphore_mem>>) src(%dma_wait3A_560 : memref<10000x64xf32, #tpu.memory_space<hbm>>) dst(%arg10 : memref<32x64xf32, #tpu.memory_space<vmem>>)
      %dma_start3A_561 = arith.constant 0 : i32
      %dma_start3A_562 = arith.constant 10 : i32
      %dma_start3A_563 = arith.constant 0 : i32
      %dma_start3A_564 = tpu.memref_slice %arg7[%dma_start3A_561, %dma_start3A_562, %dma_start3A_563] : memref<2x16x32xi32, #tpu.memory_space<vmem>> -> memref<1x1x32xi32, #tpu.memory_space<vmem>>
      %dma_start3A_565 = tpu.memref_squeeze %dma_start3A_564 : memref<1x1x32xi32, #tpu.memory_space<vmem>> -> memref<32xi32, #tpu.memory_space<vmem>>
      %dma_start3A_566 = arith.constant 0 : i32
      %dma_start3A_567 = arith.constant 0 : i32
      %dma_start3A_568 = tpu.memref_slice %arg22[%dma_start3A_566, %dma_start3A_567] : memref<30080x64xf32, #tpu.memory_space<vmem_shared>> -> memref<30080x64xf32, #tpu.memory_space<vmem_shared>>
      tpu.enqueue_indirect_dma source(%arg10 : memref<32x64xf32, #tpu.memory_space<vmem>>) target(%dma_start3A_568 : memref<30080x64xf32, #tpu.memory_space<vmem_shared>>) offsets(%dma_start3A_565 : memref<32xi32, #tpu.memory_space<vmem>>) semaphore(%arg20 : memref<!tpu.dma_semaphore, #tpu.memory_space<semaphore_mem>>) {add = true}
      %dma_wait3A_569 = arith.constant 0 : i32
      %dma_wait3A_570 = arith.constant 10 : i32
      %dma_wait3A_571 = arith.constant 0 : i32
      %dma_wait3A_572 = tpu.memref_slice %arg7[%dma_wait3A_569, %dma_wait3A_570, %dma_wait3A_571] : memref<2x16x32xi32, #tpu.memory_space<vmem>> -> memref<1x1x32xi32, #tpu.memory_space<vmem>>
      %dma_wait3A_573 = tpu.memref_squeeze %dma_wait3A_572 : memref<1x1x32xi32, #tpu.memory_space<vmem>> -> memref<32xi32, #tpu.memory_space<vmem>>
      %dma_wait3A_574 = arith.constant 0 : i32
      %dma_wait3A_575 = arith.constant 0 : i32
      %dma_wait3A_576 = tpu.memref_slice %arg22[%dma_wait3A_574, %dma_wait3A_575] : memref<30080x64xf32, #tpu.memory_space<vmem_shared>> -> memref<30080x64xf32, #tpu.memory_space<vmem_shared>>
      tpu.wait_indirect_dma semaphore(%arg20 : memref<!tpu.dma_semaphore, #tpu.memory_space<semaphore_mem>>) src(%arg10 : memref<32x64xf32, #tpu.memory_space<vmem>>) dst(%dma_wait3A_576 : memref<30080x64xf32, #tpu.memory_space<vmem_shared>>)
      %dma_start3A_577 = arith.constant 0 : i32
      %dma_start3A_578 = arith.constant 14 : i32
      %dma_start3A_579 = arith.constant 0 : i32
      %dma_start3A_580 = tpu.memref_slice %arg6[%dma_start3A_577, %dma_start3A_578, %dma_start3A_579] : memref<2x16x32xi32, #tpu.memory_space<vmem>> -> memref<1x1x32xi32, #tpu.memory_space<vmem>>
      %dma_start3A_581 = tpu.memref_squeeze %dma_start3A_580 : memref<1x1x32xi32, #tpu.memory_space<vmem>> -> memref<32xi32, #tpu.memory_space<vmem>>
      %dma_start3A_582 = arith.constant 0 : i32
      %dma_start3A_583 = arith.constant 0 : i32
      %dma_start3A_584 = tpu.memref_slice %arg2[%arg0, %dma_start3A_582, %dma_start3A_583] : memref<2x10000x64xf32, #tpu.memory_space<hbm>> -> memref<1x10000x64xf32, #tpu.memory_space<hbm>>
      %dma_start3A_585 = tpu.memref_squeeze %dma_start3A_584 : memref<1x10000x64xf32, #tpu.memory_space<hbm>> -> memref<10000x64xf32, #tpu.memory_space<hbm>>
      %dma_start3A_586 = arith.constant 0 : i32
      %dma_start3A_587 = arith.constant 0 : i32
      %dma_start3A_588 = tpu.memref_slice %dma_start3A_585[%dma_start3A_586, %dma_start3A_587] : memref<10000x64xf32, #tpu.memory_space<hbm>> -> memref<10000x64xf32, #tpu.memory_space<hbm>>
      tpu.enqueue_indirect_dma source(%dma_start3A_588 : memref<10000x64xf32, #tpu.memory_space<hbm>>) target(%arg10 : memref<32x64xf32, #tpu.memory_space<vmem>>) offsets(%dma_start3A_581 : memref<32xi32, #tpu.memory_space<vmem>>) semaphore(%arg16 : memref<!tpu.dma_semaphore, #tpu.memory_space<semaphore_mem>>)
      %dma_wait3A_589 = arith.constant 0 : i32
      %dma_wait3A_590 = arith.constant 11 : i32
      %dma_wait3A_591 = arith.constant 0 : i32
      %dma_wait3A_592 = tpu.memref_slice %arg6[%dma_wait3A_589, %dma_wait3A_590, %dma_wait3A_591] : memref<2x16x32xi32, #tpu.memory_space<vmem>> -> memref<1x1x32xi32, #tpu.memory_space<vmem>>
      %dma_wait3A_593 = tpu.memref_squeeze %dma_wait3A_592 : memref<1x1x32xi32, #tpu.memory_space<vmem>> -> memref<32xi32, #tpu.memory_space<vmem>>
      %dma_wait3A_594 = arith.constant 0 : i32
      %dma_wait3A_595 = arith.constant 0 : i32
      %dma_wait3A_596 = tpu.memref_slice %arg2[%arg0, %dma_wait3A_594, %dma_wait3A_595] : memref<2x10000x64xf32, #tpu.memory_space<hbm>> -> memref<1x10000x64xf32, #tpu.memory_space<hbm>>
      %dma_wait3A_597 = tpu.memref_squeeze %dma_wait3A_596 : memref<1x10000x64xf32, #tpu.memory_space<hbm>> -> memref<10000x64xf32, #tpu.memory_space<hbm>>
      %dma_wait3A_598 = arith.constant 0 : i32
      %dma_wait3A_599 = arith.constant 0 : i32
      %dma_wait3A_600 = tpu.memref_slice %dma_wait3A_597[%dma_wait3A_598, %dma_wait3A_599] : memref<10000x64xf32, #tpu.memory_space<hbm>> -> memref<10000x64xf32, #tpu.memory_space<hbm>>
      tpu.wait_indirect_dma semaphore(%arg17 : memref<!tpu.dma_semaphore, #tpu.memory_space<semaphore_mem>>) src(%dma_wait3A_600 : memref<10000x64xf32, #tpu.memory_space<hbm>>) dst(%arg11 : memref<32x64xf32, #tpu.memory_space<vmem>>)
      %dma_start3A_601 = arith.constant 0 : i32
      %dma_start3A_602 = arith.constant 11 : i32
      %dma_start3A_603 = arith.constant 0 : i32
      %dma_start3A_604 = tpu.memref_slice %arg7[%dma_start3A_601, %dma_start3A_602, %dma_start3A_603] : memref<2x16x32xi32, #tpu.memory_space<vmem>> -> memref<1x1x32xi32, #tpu.memory_space<vmem>>
      %dma_start3A_605 = tpu.memref_squeeze %dma_start3A_604 : memref<1x1x32xi32, #tpu.memory_space<vmem>> -> memref<32xi32, #tpu.memory_space<vmem>>
      %dma_start3A_606 = arith.constant 0 : i32
      %dma_start3A_607 = arith.constant 0 : i32
      %dma_start3A_608 = tpu.memref_slice %arg22[%dma_start3A_606, %dma_start3A_607] : memref<30080x64xf32, #tpu.memory_space<vmem_shared>> -> memref<30080x64xf32, #tpu.memory_space<vmem_shared>>
      tpu.enqueue_indirect_dma source(%arg11 : memref<32x64xf32, #tpu.memory_space<vmem>>) target(%dma_start3A_608 : memref<30080x64xf32, #tpu.memory_space<vmem_shared>>) offsets(%dma_start3A_605 : memref<32xi32, #tpu.memory_space<vmem>>) semaphore(%arg21 : memref<!tpu.dma_semaphore, #tpu.memory_space<semaphore_mem>>) {add = true}
      %dma_wait3A_609 = arith.constant 0 : i32
      %dma_wait3A_610 = arith.constant 11 : i32
      %dma_wait3A_611 = arith.constant 0 : i32
      %dma_wait3A_612 = tpu.memref_slice %arg7[%dma_wait3A_609, %dma_wait3A_610, %dma_wait3A_611] : memref<2x16x32xi32, #tpu.memory_space<vmem>> -> memref<1x1x32xi32, #tpu.memory_space<vmem>>
      %dma_wait3A_613 = tpu.memref_squeeze %dma_wait3A_612 : memref<1x1x32xi32, #tpu.memory_space<vmem>> -> memref<32xi32, #tpu.memory_space<vmem>>
      %dma_wait3A_614 = arith.constant 0 : i32
      %dma_wait3A_615 = arith.constant 0 : i32
      %dma_wait3A_616 = tpu.memref_slice %arg22[%dma_wait3A_614, %dma_wait3A_615] : memref<30080x64xf32, #tpu.memory_space<vmem_shared>> -> memref<30080x64xf32, #tpu.memory_space<vmem_shared>>
      tpu.wait_indirect_dma semaphore(%arg21 : memref<!tpu.dma_semaphore, #tpu.memory_space<semaphore_mem>>) src(%arg11 : memref<32x64xf32, #tpu.memory_space<vmem>>) dst(%dma_wait3A_616 : memref<30080x64xf32, #tpu.memory_space<vmem_shared>>)
      %dma_start3A_617 = arith.constant 0 : i32
      %dma_start3A_618 = arith.constant 15 : i32
      %dma_start3A_619 = arith.constant 0 : i32
      %dma_start3A_620 = tpu.memref_slice %arg6[%dma_start3A_617, %dma_start3A_618, %dma_start3A_619] : memref<2x16x32xi32, #tpu.memory_space<vmem>> -> memref<1x1x32xi32, #tpu.memory_space<vmem>>
      %dma_start3A_621 = tpu.memref_squeeze %dma_start3A_620 : memref<1x1x32xi32, #tpu.memory_space<vmem>> -> memref<32xi32, #tpu.memory_space<vmem>>
      %dma_start3A_622 = arith.constant 0 : i32
      %dma_start3A_623 = arith.constant 0 : i32
      %dma_start3A_624 = tpu.memref_slice %arg2[%arg0, %dma_start3A_622, %dma_start3A_623] : memref<2x10000x64xf32, #tpu.memory_space<hbm>> -> memref<1x10000x64xf32, #tpu.memory_space<hbm>>
      %dma_start3A_625 = tpu.memref_squeeze %dma_start3A_624 : memref<1x10000x64xf32, #tpu.memory_space<hbm>> -> memref<10000x64xf32, #tpu.memory_space<hbm>>
      %dma_start3A_626 = arith.constant 0 : i32
      %dma_start3A_627 = arith.constant 0 : i32
      %dma_start3A_628 = tpu.memref_slice %dma_start3A_625[%dma_start3A_626, %dma_start3A_627] : memref<10000x64xf32, #tpu.memory_space<hbm>> -> memref<10000x64xf32, #tpu.memory_space<hbm>>
      tpu.enqueue_indirect_dma source(%dma_start3A_628 : memref<10000x64xf32, #tpu.memory_space<hbm>>) target(%arg11 : memref<32x64xf32, #tpu.memory_space<vmem>>) offsets(%dma_start3A_621 : memref<32xi32, #tpu.memory_space<vmem>>) semaphore(%arg17 : memref<!tpu.dma_semaphore, #tpu.memory_space<semaphore_mem>>)
      %dma_wait3A_629 = arith.constant 0 : i32
      %dma_wait3A_630 = arith.constant 12 : i32
      %dma_wait3A_631 = arith.constant 0 : i32
      %dma_wait3A_632 = tpu.memref_slice %arg6[%dma_wait3A_629, %dma_wait3A_630, %dma_wait3A_631] : memref<2x16x32xi32, #tpu.memory_space<vmem>> -> memref<1x1x32xi32, #tpu.memory_space<vmem>>
      %dma_wait3A_633 = tpu.memref_squeeze %dma_wait3A_632 : memref<1x1x32xi32, #tpu.memory_space<vmem>> -> memref<32xi32, #tpu.memory_space<vmem>>
      %dma_wait3A_634 = arith.constant 0 : i32
      %dma_wait3A_635 = arith.constant 0 : i32
      %dma_wait3A_636 = tpu.memref_slice %arg2[%arg0, %dma_wait3A_634, %dma_wait3A_635] : memref<2x10000x64xf32, #tpu.memory_space<hbm>> -> memref<1x10000x64xf32, #tpu.memory_space<hbm>>
      %dma_wait3A_637 = tpu.memref_squeeze %dma_wait3A_636 : memref<1x10000x64xf32, #tpu.memory_space<hbm>> -> memref<10000x64xf32, #tpu.memory_space<hbm>>
      %dma_wait3A_638 = arith.constant 0 : i32
      %dma_wait3A_639 = arith.constant 0 : i32
      %dma_wait3A_640 = tpu.memref_slice %dma_wait3A_637[%dma_wait3A_638, %dma_wait3A_639] : memref<10000x64xf32, #tpu.memory_space<hbm>> -> memref<10000x64xf32, #tpu.memory_space<hbm>>
      tpu.wait_indirect_dma semaphore(%arg14 : memref<!tpu.dma_semaphore, #tpu.memory_space<semaphore_mem>>) src(%dma_wait3A_640 : memref<10000x64xf32, #tpu.memory_space<hbm>>) dst(%arg8 : memref<32x64xf32, #tpu.memory_space<vmem>>)
      %dma_start3A_641 = arith.constant 0 : i32
      %dma_start3A_642 = arith.constant 12 : i32
      %dma_start3A_643 = arith.constant 0 : i32
      %dma_start3A_644 = tpu.memref_slice %arg7[%dma_start3A_641, %dma_start3A_642, %dma_start3A_643] : memref<2x16x32xi32, #tpu.memory_space<vmem>> -> memref<1x1x32xi32, #tpu.memory_space<vmem>>
      %dma_start3A_645 = tpu.memref_squeeze %dma_start3A_644 : memref<1x1x32xi32, #tpu.memory_space<vmem>> -> memref<32xi32, #tpu.memory_space<vmem>>
      %dma_start3A_646 = arith.constant 0 : i32
      %dma_start3A_647 = arith.constant 0 : i32
      %dma_start3A_648 = tpu.memref_slice %arg22[%dma_start3A_646, %dma_start3A_647] : memref<30080x64xf32, #tpu.memory_space<vmem_shared>> -> memref<30080x64xf32, #tpu.memory_space<vmem_shared>>
      tpu.enqueue_indirect_dma source(%arg8 : memref<32x64xf32, #tpu.memory_space<vmem>>) target(%dma_start3A_648 : memref<30080x64xf32, #tpu.memory_space<vmem_shared>>) offsets(%dma_start3A_645 : memref<32xi32, #tpu.memory_space<vmem>>) semaphore(%arg18 : memref<!tpu.dma_semaphore, #tpu.memory_space<semaphore_mem>>) {add = true}
      %dma_wait3A_649 = arith.constant 0 : i32
      %dma_wait3A_650 = arith.constant 13 : i32
      %dma_wait3A_651 = arith.constant 0 : i32
      %dma_wait3A_652 = tpu.memref_slice %arg6[%dma_wait3A_649, %dma_wait3A_650, %dma_wait3A_651] : memref<2x16x32xi32, #tpu.memory_space<vmem>> -> memref<1x1x32xi32, #tpu.memory_space<vmem>>
      %dma_wait3A_653 = tpu.memref_squeeze %dma_wait3A_652 : memref<1x1x32xi32, #tpu.memory_space<vmem>> -> memref<32xi32, #tpu.memory_space<vmem>>
      %dma_wait3A_654 = arith.constant 0 : i32
      %dma_wait3A_655 = arith.constant 0 : i32
      %dma_wait3A_656 = tpu.memref_slice %arg2[%arg0, %dma_wait3A_654, %dma_wait3A_655] : memref<2x10000x64xf32, #tpu.memory_space<hbm>> -> memref<1x10000x64xf32, #tpu.memory_space<hbm>>
      %dma_wait3A_657 = tpu.memref_squeeze %dma_wait3A_656 : memref<1x10000x64xf32, #tpu.memory_space<hbm>> -> memref<10000x64xf32, #tpu.memory_space<hbm>>
      %dma_wait3A_658 = arith.constant 0 : i32
      %dma_wait3A_659 = arith.constant 0 : i32
      %dma_wait3A_660 = tpu.memref_slice %dma_wait3A_657[%dma_wait3A_658, %dma_wait3A_659] : memref<10000x64xf32, #tpu.memory_space<hbm>> -> memref<10000x64xf32, #tpu.memory_space<hbm>>
      tpu.wait_indirect_dma semaphore(%arg15 : memref<!tpu.dma_semaphore, #tpu.memory_space<semaphore_mem>>) src(%dma_wait3A_660 : memref<10000x64xf32, #tpu.memory_space<hbm>>) dst(%arg9 : memref<32x64xf32, #tpu.memory_space<vmem>>)
      %dma_start3A_661 = arith.constant 0 : i32
      %dma_start3A_662 = arith.constant 13 : i32
      %dma_start3A_663 = arith.constant 0 : i32
      %dma_start3A_664 = tpu.memref_slice %arg7[%dma_start3A_661, %dma_start3A_662, %dma_start3A_663] : memref<2x16x32xi32, #tpu.memory_space<vmem>> -> memref<1x1x32xi32, #tpu.memory_space<vmem>>
      %dma_start3A_665 = tpu.memref_squeeze %dma_start3A_664 : memref<1x1x32xi32, #tpu.memory_space<vmem>> -> memref<32xi32, #tpu.memory_space<vmem>>
      %dma_start3A_666 = arith.constant 0 : i32
      %dma_start3A_667 = arith.constant 0 : i32
      %dma_start3A_668 = tpu.memref_slice %arg22[%dma_start3A_666, %dma_start3A_667] : memref<30080x64xf32, #tpu.memory_space<vmem_shared>> -> memref<30080x64xf32, #tpu.memory_space<vmem_shared>>
      tpu.enqueue_indirect_dma source(%arg9 : memref<32x64xf32, #tpu.memory_space<vmem>>) target(%dma_start3A_668 : memref<30080x64xf32, #tpu.memory_space<vmem_shared>>) offsets(%dma_start3A_665 : memref<32xi32, #tpu.memory_space<vmem>>) semaphore(%arg19 : memref<!tpu.dma_semaphore, #tpu.memory_space<semaphore_mem>>) {add = true}
      %dma_wait3A_669 = arith.constant 0 : i32
      %dma_wait3A_670 = arith.constant 14 : i32
      %dma_wait3A_671 = arith.constant 0 : i32
      %dma_wait3A_672 = tpu.memref_slice %arg6[%dma_wait3A_669, %dma_wait3A_670, %dma_wait3A_671] : memref<2x16x32xi32, #tpu.memory_space<vmem>> -> memref<1x1x32xi32, #tpu.memory_space<vmem>>
      %dma_wait3A_673 = tpu.memref_squeeze %dma_wait3A_672 : memref<1x1x32xi32, #tpu.memory_space<vmem>> -> memref<32xi32, #tpu.memory_space<vmem>>
      %dma_wait3A_674 = arith.constant 0 : i32
      %dma_wait3A_675 = arith.constant 0 : i32
      %dma_wait3A_676 = tpu.memref_slice %arg2[%arg0, %dma_wait3A_674, %dma_wait3A_675] : memref<2x10000x64xf32, #tpu.memory_space<hbm>> -> memref<1x10000x64xf32, #tpu.memory_space<hbm>>
      %dma_wait3A_677 = tpu.memref_squeeze %dma_wait3A_676 : memref<1x10000x64xf32, #tpu.memory_space<hbm>> -> memref<10000x64xf32, #tpu.memory_space<hbm>>
      %dma_wait3A_678 = arith.constant 0 : i32
      %dma_wait3A_679 = arith.constant 0 : i32
      %dma_wait3A_680 = tpu.memref_slice %dma_wait3A_677[%dma_wait3A_678, %dma_wait3A_679] : memref<10000x64xf32, #tpu.memory_space<hbm>> -> memref<10000x64xf32, #tpu.memory_space<hbm>>
      tpu.wait_indirect_dma semaphore(%arg16 : memref<!tpu.dma_semaphore, #tpu.memory_space<semaphore_mem>>) src(%dma_wait3A_680 : memref<10000x64xf32, #tpu.memory_space<hbm>>) dst(%arg10 : memref<32x64xf32, #tpu.memory_space<vmem>>)
      %dma_start3A_681 = arith.constant 0 : i32
      %dma_start3A_682 = arith.constant 14 : i32
      %dma_start3A_683 = arith.constant 0 : i32
      %dma_start3A_684 = tpu.memref_slice %arg7[%dma_start3A_681, %dma_start3A_682, %dma_start3A_683] : memref<2x16x32xi32, #tpu.memory_space<vmem>> -> memref<1x1x32xi32, #tpu.memory_space<vmem>>
      %dma_start3A_685 = tpu.memref_squeeze %dma_start3A_684 : memref<1x1x32xi32, #tpu.memory_space<vmem>> -> memref<32xi32, #tpu.memory_space<vmem>>
      %dma_start3A_686 = arith.constant 0 : i32
      %dma_start3A_687 = arith.constant 0 : i32
      %dma_start3A_688 = tpu.memref_slice %arg22[%dma_start3A_686, %dma_start3A_687] : memref<30080x64xf32, #tpu.memory_space<vmem_shared>> -> memref<30080x64xf32, #tpu.memory_space<vmem_shared>>
      tpu.enqueue_indirect_dma source(%arg10 : memref<32x64xf32, #tpu.memory_space<vmem>>) target(%dma_start3A_688 : memref<30080x64xf32, #tpu.memory_space<vmem_shared>>) offsets(%dma_start3A_685 : memref<32xi32, #tpu.memory_space<vmem>>) semaphore(%arg20 : memref<!tpu.dma_semaphore, #tpu.memory_space<semaphore_mem>>) {add = true}
      %dma_wait3A_689 = arith.constant 0 : i32
      %dma_wait3A_690 = arith.constant 15 : i32
      %dma_wait3A_691 = arith.constant 0 : i32
      %dma_wait3A_692 = tpu.memref_slice %arg6[%dma_wait3A_689, %dma_wait3A_690, %dma_wait3A_691] : memref<2x16x32xi32, #tpu.memory_space<vmem>> -> memref<1x1x32xi32, #tpu.memory_space<vmem>>
      %dma_wait3A_693 = tpu.memref_squeeze %dma_wait3A_692 : memref<1x1x32xi32, #tpu.memory_space<vmem>> -> memref<32xi32, #tpu.memory_space<vmem>>
      %dma_wait3A_694 = arith.constant 0 : i32
      %dma_wait3A_695 = arith.constant 0 : i32
      %dma_wait3A_696 = tpu.memref_slice %arg2[%arg0, %dma_wait3A_694, %dma_wait3A_695] : memref<2x10000x64xf32, #tpu.memory_space<hbm>> -> memref<1x10000x64xf32, #tpu.memory_space<hbm>>
      %dma_wait3A_697 = tpu.memref_squeeze %dma_wait3A_696 : memref<1x10000x64xf32, #tpu.memory_space<hbm>> -> memref<10000x64xf32, #tpu.memory_space<hbm>>
      %dma_wait3A_698 = arith.constant 0 : i32
      %dma_wait3A_699 = arith.constant 0 : i32
      %dma_wait3A_700 = tpu.memref_slice %dma_wait3A_697[%dma_wait3A_698, %dma_wait3A_699] : memref<10000x64xf32, #tpu.memory_space<hbm>> -> memref<10000x64xf32, #tpu.memory_space<hbm>>
      tpu.wait_indirect_dma semaphore(%arg17 : memref<!tpu.dma_semaphore, #tpu.memory_space<semaphore_mem>>) src(%dma_wait3A_700 : memref<10000x64xf32, #tpu.memory_space<hbm>>) dst(%arg11 : memref<32x64xf32, #tpu.memory_space<vmem>>)
      %dma_start3A_701 = arith.constant 0 : i32
      %dma_start3A_702 = arith.constant 15 : i32
      %dma_start3A_703 = arith.constant 0 : i32
      %dma_start3A_704 = tpu.memref_slice %arg7[%dma_start3A_701, %dma_start3A_702, %dma_start3A_703] : memref<2x16x32xi32, #tpu.memory_space<vmem>> -> memref<1x1x32xi32, #tpu.memory_space<vmem>>
      %dma_start3A_705 = tpu.memref_squeeze %dma_start3A_704 : memref<1x1x32xi32, #tpu.memory_space<vmem>> -> memref<32xi32, #tpu.memory_space<vmem>>
      %dma_start3A_706 = arith.constant 0 : i32
      %dma_start3A_707 = arith.constant 0 : i32
      %dma_start3A_708 = tpu.memref_slice %arg22[%dma_start3A_706, %dma_start3A_707] : memref<30080x64xf32, #tpu.memory_space<vmem_shared>> -> memref<30080x64xf32, #tpu.memory_space<vmem_shared>>
      tpu.enqueue_indirect_dma source(%arg11 : memref<32x64xf32, #tpu.memory_space<vmem>>) target(%dma_start3A_708 : memref<30080x64xf32, #tpu.memory_space<vmem_shared>>) offsets(%dma_start3A_705 : memref<32xi32, #tpu.memory_space<vmem>>) semaphore(%arg21 : memref<!tpu.dma_semaphore, #tpu.memory_space<semaphore_mem>>) {add = true}
      %dma_wait3A_709 = arith.constant 0 : i32
      %dma_wait3A_710 = arith.constant 12 : i32
      %dma_wait3A_711 = arith.constant 0 : i32
      %dma_wait3A_712 = tpu.memref_slice %arg7[%dma_wait3A_709, %dma_wait3A_710, %dma_wait3A_711] : memref<2x16x32xi32, #tpu.memory_space<vmem>> -> memref<1x1x32xi32, #tpu.memory_space<vmem>>
      %dma_wait3A_713 = tpu.memref_squeeze %dma_wait3A_712 : memref<1x1x32xi32, #tpu.memory_space<vmem>> -> memref<32xi32, #tpu.memory_space<vmem>>
      %dma_wait3A_714 = arith.constant 0 : i32
      %dma_wait3A_715 = arith.constant 0 : i32
      %dma_wait3A_716 = tpu.memref_slice %arg22[%dma_wait3A_714, %dma_wait3A_715] : memref<30080x64xf32, #tpu.memory_space<vmem_shared>> -> memref<30080x64xf32, #tpu.memory_space<vmem_shared>>
      tpu.wait_indirect_dma semaphore(%arg18 : memref<!tpu.dma_semaphore, #tpu.memory_space<semaphore_mem>>) src(%arg8 : memref<32x64xf32, #tpu.memory_space<vmem>>) dst(%dma_wait3A_716 : memref<30080x64xf32, #tpu.memory_space<vmem_shared>>)
      %dma_wait3A_717 = arith.constant 0 : i32
      %dma_wait3A_718 = arith.constant 13 : i32
      %dma_wait3A_719 = arith.constant 0 : i32
      %dma_wait3A_720 = tpu.memref_slice %arg7[%dma_wait3A_717, %dma_wait3A_718, %dma_wait3A_719] : memref<2x16x32xi32, #tpu.memory_space<vmem>> -> memref<1x1x32xi32, #tpu.memory_space<vmem>>
      %dma_wait3A_721 = tpu.memref_squeeze %dma_wait3A_720 : memref<1x1x32xi32, #tpu.memory_space<vmem>> -> memref<32xi32, #tpu.memory_space<vmem>>
      %dma_wait3A_722 = arith.constant 0 : i32
      %dma_wait3A_723 = arith.constant 0 : i32
      %dma_wait3A_724 = tpu.memref_slice %arg22[%dma_wait3A_722, %dma_wait3A_723] : memref<30080x64xf32, #tpu.memory_space<vmem_shared>> -> memref<30080x64xf32, #tpu.memory_space<vmem_shared>>
      tpu.wait_indirect_dma semaphore(%arg19 : memref<!tpu.dma_semaphore, #tpu.memory_space<semaphore_mem>>) src(%arg9 : memref<32x64xf32, #tpu.memory_space<vmem>>) dst(%dma_wait3A_724 : memref<30080x64xf32, #tpu.memory_space<vmem_shared>>)
      %dma_wait3A_725 = arith.constant 0 : i32
      %dma_wait3A_726 = arith.constant 14 : i32
      %dma_wait3A_727 = arith.constant 0 : i32
      %dma_wait3A_728 = tpu.memref_slice %arg7[%dma_wait3A_725, %dma_wait3A_726, %dma_wait3A_727] : memref<2x16x32xi32, #tpu.memory_space<vmem>> -> memref<1x1x32xi32, #tpu.memory_space<vmem>>
      %dma_wait3A_729 = tpu.memref_squeeze %dma_wait3A_728 : memref<1x1x32xi32, #tpu.memory_space<vmem>> -> memref<32xi32, #tpu.memory_space<vmem>>
      %dma_wait3A_730 = arith.constant 0 : i32
      %dma_wait3A_731 = arith.constant 0 : i32
      %dma_wait3A_732 = tpu.memref_slice %arg22[%dma_wait3A_730, %dma_wait3A_731] : memref<30080x64xf32, #tpu.memory_space<vmem_shared>> -> memref<30080x64xf32, #tpu.memory_space<vmem_shared>>
      tpu.wait_indirect_dma semaphore(%arg20 : memref<!tpu.dma_semaphore, #tpu.memory_space<semaphore_mem>>) src(%arg10 : memref<32x64xf32, #tpu.memory_space<vmem>>) dst(%dma_wait3A_732 : memref<30080x64xf32, #tpu.memory_space<vmem_shared>>)
      %dma_wait3A_733 = arith.constant 0 : i32
      %dma_wait3A_734 = arith.constant 15 : i32
      %dma_wait3A_735 = arith.constant 0 : i32
      %dma_wait3A_736 = tpu.memref_slice %arg7[%dma_wait3A_733, %dma_wait3A_734, %dma_wait3A_735] : memref<2x16x32xi32, #tpu.memory_space<vmem>> -> memref<1x1x32xi32, #tpu.memory_space<vmem>>
      %dma_wait3A_737 = tpu.memref_squeeze %dma_wait3A_736 : memref<1x1x32xi32, #tpu.memory_space<vmem>> -> memref<32xi32, #tpu.memory_space<vmem>>
      %dma_wait3A_738 = arith.constant 0 : i32
      %dma_wait3A_739 = arith.constant 0 : i32
      %dma_wait3A_740 = tpu.memref_slice %arg22[%dma_wait3A_738, %dma_wait3A_739] : memref<30080x64xf32, #tpu.memory_space<vmem_shared>> -> memref<30080x64xf32, #tpu.memory_space<vmem_shared>>
      tpu.wait_indirect_dma semaphore(%arg21 : memref<!tpu.dma_semaphore, #tpu.memory_space<semaphore_mem>>) src(%arg11 : memref<32x64xf32, #tpu.memory_space<vmem>>) dst(%dma_wait3A_740 : memref<30080x64xf32, #tpu.memory_space<vmem_shared>>)
      %add3A_741 = arith.constant 1 : i32
      %add3A_742 = arith.addi %add3A_51, %add3A_741 : i32
      %mul3A_743 = arith.constant 16 : i32
      %mul3A_744 = arith.muli %add3A_742, %mul3A_743 : i32
      %add3A_745 = arith.addi %arg1, %mul3A_744 : i32
      %lt3A_746 = arith.constant 625 : i32
      %lt3A_747 = arith.cmpi slt, %add3A_745, %lt3A_746 : i32
      %mul3A_748 = arith.constant 16 : i32
      %mul3A_749 = arith.muli %add3A_742, %mul3A_748 : i32
      %add3A_750 = arith.addi %arg1, %mul3A_749 : i32
      %lt3A_751 = arith.constant 625 : i32
      %lt3A_752 = arith.cmpi slt, %add3A_750, %lt3A_751 : i32
      %mul3A_753 = arith.constant 16 : i32
      %mul3A_754 = arith.muli %add3A_750, %mul3A_753 : i32
      %jit3A_755 = arith.constant 0 : i32
      %select_n3A_756 = arith.select %lt3A_752, %mul3A_754, %jit3A_755 : i32
      %dma_wait3A_757 = arith.constant 1 : i32
      %dma_wait3A_758 = arith.constant 0 : i32
      %dma_wait3A_759 = arith.constant 0 : i32
      %dma_wait3A_760 = tpu.memref_slice %arg6[%dma_wait3A_757, %dma_wait3A_758, %dma_wait3A_759] : memref<2x16x32xi32, #tpu.memory_space<vmem>> -> memref<1x16x32xi32, #tpu.memory_space<vmem>>
      %dma_wait3A_761 = tpu.memref_squeeze %dma_wait3A_760 : memref<1x16x32xi32, #tpu.memory_space<vmem>> -> memref<16x32xi32, #tpu.memory_space<vmem>>
      %dma_wait3A_762 = arith.constant 0 : i32
      %dma_wait3A_763 = tpu.memref_slice %arg3[%select_n3A_756, %dma_wait3A_762] : memref<10000x32xi32, #tpu.memory_space<hbm>> -> memref<16x32xi32, #tpu.memory_space<hbm>>
      %dma_wait3A_764 = arith.constant 0 : i32
      %dma_wait3A_765 = arith.constant 0 : i32
      %dma_wait3A_766 = tpu.memref_slice %arg6[%dma_wait3A_757, %dma_wait3A_764, %dma_wait3A_765] : memref<2x16x32xi32, #tpu.memory_space<vmem>> -> memref<1x16x32xi32, #tpu.memory_space<vmem>>
      %dma_wait3A_767 = tpu.memref_squeeze %dma_wait3A_766 : memref<1x16x32xi32, #tpu.memory_space<vmem>> -> memref<16x32xi32, #tpu.memory_space<vmem>>
      %dma_wait3A_768 = arith.constant 0 : i32
      %dma_wait3A_769 = tpu.memref_slice %arg3[%select_n3A_756, %dma_wait3A_768] : memref<10000x32xi32, #tpu.memory_space<hbm>> -> memref<16x32xi32, #tpu.memory_space<hbm>>
      tpu.wait_dma2 semaphore(%arg13 : memref<!tpu.dma_semaphore, #tpu.memory_space<semaphore_mem>>) src(%dma_wait3A_769 : memref<16x32xi32, #tpu.memory_space<hbm>>) dst(%dma_wait3A_767 : memref<16x32xi32, #tpu.memory_space<vmem>>)
      %dma_wait3A_770 = arith.constant 1 : i32
      %dma_wait3A_771 = arith.constant 0 : i32
      %dma_wait3A_772 = arith.constant 0 : i32
      %dma_wait3A_773 = tpu.memref_slice %arg7[%dma_wait3A_770, %dma_wait3A_771, %dma_wait3A_772] : memref<2x16x32xi32, #tpu.memory_space<vmem>> -> memref<1x16x32xi32, #tpu.memory_space<vmem>>
      %dma_wait3A_774 = tpu.memref_squeeze %dma_wait3A_773 : memref<1x16x32xi32, #tpu.memory_space<vmem>> -> memref<16x32xi32, #tpu.memory_space<vmem>>
      %dma_wait3A_775 = arith.constant 0 : i32
      %dma_wait3A_776 = tpu.memref_slice %arg4[%select_n3A_756, %dma_wait3A_775] : memref<10000x32xi32, #tpu.memory_space<hbm>> -> memref<16x32xi32, #tpu.memory_space<hbm>>
      %dma_wait3A_777 = arith.constant 0 : i32
      %dma_wait3A_778 = arith.constant 0 : i32
      %dma_wait3A_779 = tpu.memref_slice %arg7[%dma_wait3A_770, %dma_wait3A_777, %dma_wait3A_778] : memref<2x16x32xi32, #tpu.memory_space<vmem>> -> memref<1x16x32xi32, #tpu.memory_space<vmem>>
      %dma_wait3A_780 = tpu.memref_squeeze %dma_wait3A_779 : memref<1x16x32xi32, #tpu.memory_space<vmem>> -> memref<16x32xi32, #tpu.memory_space<vmem>>
      %dma_wait3A_781 = arith.constant 0 : i32
      %dma_wait3A_782 = tpu.memref_slice %arg4[%select_n3A_756, %dma_wait3A_781] : memref<10000x32xi32, #tpu.memory_space<hbm>> -> memref<16x32xi32, #tpu.memory_space<hbm>>
      tpu.wait_dma2 semaphore(%arg13 : memref<!tpu.dma_semaphore, #tpu.memory_space<semaphore_mem>>) src(%dma_wait3A_782 : memref<16x32xi32, #tpu.memory_space<hbm>>) dst(%dma_wait3A_780 : memref<16x32xi32, #tpu.memory_space<vmem>>)
      %add3A_783 = arith.constant 1 : i32
      %add3A_784 = arith.addi %add3A_742, %add3A_783 : i32
      %lt3A_785 = arith.constant 40 : i32
      %lt3A_786 = arith.cmpi slt, %add3A_784, %lt3A_785 : i32
      %convert_element_type3A_787 = arith.extui %lt3A_786 : i1 to i32
      %cond3A_788 = arith.constant 0 : i32
      %cond3A_789 = arith.cmpi ne, %convert_element_type3A_787, %cond3A_788 : i32
      scf.if %cond3A_789 {
        %add3A_1435 = arith.constant 1 : i32
        %add3A_1436 = arith.addi %add3A_742, %add3A_1435 : i32
        %mul3A_1437 = arith.constant 16 : i32
        %mul3A_1438 = arith.muli %add3A_1436, %mul3A_1437 : i32
        %add3A_1439 = arith.addi %arg1, %mul3A_1438 : i32
        %lt3A_1440 = arith.constant 625 : i32
        %lt3A_1441 = arith.cmpi slt, %add3A_1439, %lt3A_1440 : i32
        %mul3A_1442 = arith.constant 16 : i32
        %mul3A_1443 = arith.muli %add3A_1439, %mul3A_1442 : i32
        %jit3A_1444 = arith.constant 0 : i32
        %select_n3A_1445 = arith.select %lt3A_1441, %mul3A_1443, %jit3A_1444 : i32
        %dma_start3A_1446 = arith.constant 0 : i32
        %dma_start3A_1447 = arith.constant 0 : i32
        %dma_start3A_1448 = arith.constant 0 : i32
        %dma_start3A_1449 = tpu.memref_slice %arg6[%dma_start3A_1446, %dma_start3A_1447, %dma_start3A_1448] : memref<2x16x32xi32, #tpu.memory_space<vmem>> -> memref<1x16x32xi32, #tpu.memory_space<vmem>>
        %dma_start3A_1450 = tpu.memref_squeeze %dma_start3A_1449 : memref<1x16x32xi32, #tpu.memory_space<vmem>> -> memref<16x32xi32, #tpu.memory_space<vmem>>
        %dma_start3A_1451 = arith.constant 0 : i32
        %dma_start3A_1452 = tpu.memref_slice %arg3[%select_n3A_1445, %dma_start3A_1451] : memref<10000x32xi32, #tpu.memory_space<hbm>> -> memref<16x32xi32, #tpu.memory_space<hbm>>
        %dma_start3A_1453 = arith.constant 0 : i32
        %dma_start3A_1454 = arith.constant 0 : i32
        %dma_start3A_1455 = tpu.memref_slice %arg6[%dma_start3A_1446, %dma_start3A_1453, %dma_start3A_1454] : memref<2x16x32xi32, #tpu.memory_space<vmem>> -> memref<1x16x32xi32, #tpu.memory_space<vmem>>
        %dma_start3A_1456 = tpu.memref_squeeze %dma_start3A_1455 : memref<1x16x32xi32, #tpu.memory_space<vmem>> -> memref<16x32xi32, #tpu.memory_space<vmem>>
        %dma_start3A_1457 = arith.constant 0 : i32
        %dma_start3A_1458 = tpu.memref_slice %arg3[%select_n3A_1445, %dma_start3A_1457] : memref<10000x32xi32, #tpu.memory_space<hbm>> -> memref<16x32xi32, #tpu.memory_space<hbm>>
        tpu.enqueue_dma source(%dma_start3A_1458 : memref<16x32xi32, #tpu.memory_space<hbm>>) target(%dma_start3A_1456 : memref<16x32xi32, #tpu.memory_space<vmem>>) target_semaphore(%arg12 : memref<!tpu.dma_semaphore, #tpu.memory_space<semaphore_mem>>)
        %dma_start3A_1459 = arith.constant 0 : i32
        %dma_start3A_1460 = arith.constant 0 : i32
        %dma_start3A_1461 = arith.constant 0 : i32
        %dma_start3A_1462 = tpu.memref_slice %arg7[%dma_start3A_1459, %dma_start3A_1460, %dma_start3A_1461] : memref<2x16x32xi32, #tpu.memory_space<vmem>> -> memref<1x16x32xi32, #tpu.memory_space<vmem>>
        %dma_start3A_1463 = tpu.memref_squeeze %dma_start3A_1462 : memref<1x16x32xi32, #tpu.memory_space<vmem>> -> memref<16x32xi32, #tpu.memory_space<vmem>>
        %dma_start3A_1464 = arith.constant 0 : i32
        %dma_start3A_1465 = tpu.memref_slice %arg4[%select_n3A_1445, %dma_start3A_1464] : memref<10000x32xi32, #tpu.memory_space<hbm>> -> memref<16x32xi32, #tpu.memory_space<hbm>>
        %dma_start3A_1466 = arith.constant 0 : i32
        %dma_start3A_1467 = arith.constant 0 : i32
        %dma_start3A_1468 = tpu.memref_slice %arg7[%dma_start3A_1459, %dma_start3A_1466, %dma_start3A_1467] : memref<2x16x32xi32, #tpu.memory_space<vmem>> -> memref<1x16x32xi32, #tpu.memory_space<vmem>>
        %dma_start3A_1469 = tpu.memref_squeeze %dma_start3A_1468 : memref<1x16x32xi32, #tpu.memory_space<vmem>> -> memref<16x32xi32, #tpu.memory_space<vmem>>
        %dma_start3A_1470 = arith.constant 0 : i32
        %dma_start3A_1471 = tpu.memref_slice %arg4[%select_n3A_1445, %dma_start3A_1470] : memref<10000x32xi32, #tpu.memory_space<hbm>> -> memref<16x32xi32, #tpu.memory_space<hbm>>
        tpu.enqueue_dma source(%dma_start3A_1471 : memref<16x32xi32, #tpu.memory_space<hbm>>) target(%dma_start3A_1469 : memref<16x32xi32, #tpu.memory_space<vmem>>) target_semaphore(%arg12 : memref<!tpu.dma_semaphore, #tpu.memory_space<semaphore_mem>>)
      } else {
      }
      %scan3A_790 = arith.constant 0 : i32
      %scan3A_791 = arith.constant 16 : i32
      %scan3A_792 = arith.addi %scan3A_790, %scan3A_791 : i32
      %scan3A_793 = arith.constant 1 : i32
      scf.for %scan3A_1435 = %scan3A_790 to %scan3A_792 step %scan3A_793  : i32 {
        %mul3A_1436 = arith.constant 1 : i32
        %mul3A_1437 = arith.muli %scan3A_1435, %mul3A_1436 : i32
        %add3A_1438 = arith.constant 0 : i32
        %add3A_1439 = arith.addi %add3A_1438, %mul3A_1437 : i32
        %scan3A_1440 = arith.constant 0 : i32
        %scan3A_1441 = arith.constant 2 : i32
        %scan3A_1442 = arith.addi %scan3A_1440, %scan3A_1441 : i32
        %scan3A_1443 = arith.constant 1 : i32
        scf.for %scan3A_1445 = %scan3A_1440 to %scan3A_1442 step %scan3A_1443  : i32 {
          %mul3A_1446 = arith.constant 16 : i32
          %mul3A_1447 = arith.muli %scan3A_1445, %mul3A_1446 : i32
          %add3A_1448 = arith.constant 0 : i32
          %add3A_1449 = arith.addi %add3A_1448, %mul3A_1447 : i32
          %get3A = arith.constant 1 : i32
          %get3A_1450 = arith.index_cast %get3A : i32 to index
          %get3A_1451 = arith.index_cast %add3A_1439 : i32 to index
          %get3A_1452 = arith.index_cast %add3A_1449 : i32 to index
          %get3A_1453 = tpu.vector_load %arg6[%get3A_1450, %get3A_1451, %get3A_1452] {strides = array<i32>} : memref<2x16x32xi32, #tpu.memory_space<vmem>>, vector<16xi32>,
          %ge3A = arith.constant 10000 : i32
          %ge3A_1454 = vector.broadcast %ge3A : i32 to vector<16xi32>
          %ge3A_1455 = arith.cmpi sge, %get3A_1453, %ge3A_1454 : vector<16xi32>
          %sub3A = arith.constant 10000 : i32
          %sub3A_1456 = vector.broadcast %sub3A : i32 to vector<16xi32>
          %sub3A_1457 = arith.subi %get3A_1453, %sub3A_1456 : vector<16xi32>
          %select_n3A_1458 = arith.select %ge3A_1455, %sub3A_1457, %get3A_1453 : vector<16xi1>, vector<16xi32>
          %ge3A_1459 = arith.constant 10000 : i32
          %ge3A_1460 = vector.broadcast %ge3A_1459 : i32 to vector<16xi32>
          %ge3A_1461 = arith.cmpi sge, %select_n3A_1458, %ge3A_1460 : vector<16xi32>
          %sub3A_1462 = arith.constant 10000 : i32
          %sub3A_1463 = vector.broadcast %sub3A_1462 : i32 to vector<16xi32>
          %sub3A_1464 = arith.subi %select_n3A_1458, %sub3A_1463 : vector<16xi32>
          %select_n3A_1465 = arith.select %ge3A_1461, %sub3A_1464, %select_n3A_1458 : vector<16xi1>, vector<16xi32>
          %swap3A = arith.constant 1 : i32
          %swap3A_1466 = arith.index_cast %swap3A : i32 to index
          %swap3A_1467 = arith.index_cast %add3A_1439 : i32 to index
          %swap3A_1468 = arith.index_cast %add3A_1449 : i32 to index
          %swap3A_1469 = tpu.vector_load %arg6[%swap3A_1466, %swap3A_1467, %swap3A_1468] {strides = array<i32>} : memref<2x16x32xi32, #tpu.memory_space<vmem>>, vector<16xi32>,
          tpu.vector_store %arg6[%swap3A_1466, %swap3A_1467, %swap3A_1468], %select_n3A_1465 {strides = array<i32>} : memref<2x16x32xi32, #tpu.memory_space<vmem>>, vector<16xi32>,
          %get3A_1470 = arith.constant 1 : i32
          %get3A_1471 = arith.index_cast %get3A_1470 : i32 to index
          %get3A_1472 = arith.index_cast %add3A_1439 : i32 to index
          %get3A_1473 = arith.index_cast %add3A_1449 : i32 to index
          %get3A_1474 = tpu.vector_load %arg7[%get3A_1471, %get3A_1472, %get3A_1473] {strides = array<i32>} : memref<2x16x32xi32, #tpu.memory_space<vmem>>, vector<16xi32>,
          %jit3A_1475 = arith.constant 30000 : i32
          %broadcast_in_dim3A = vector.broadcast %jit3A_1475 : i32 to vector<16xi32>
          %select_n3A_1476 = arith.select %lt3A_747, %get3A_1474, %broadcast_in_dim3A : vector<16xi32>
          %swap3A_1477 = arith.constant 1 : i32
          %swap3A_1478 = arith.index_cast %swap3A_1477 : i32 to index
          %swap3A_1479 = arith.index_cast %add3A_1439 : i32 to index
          %swap3A_1480 = arith.index_cast %add3A_1449 : i32 to index
          %swap3A_1481 = tpu.vector_load %arg7[%swap3A_1478, %swap3A_1479, %swap3A_1480] {strides = array<i32>} : memref<2x16x32xi32, #tpu.memory_space<vmem>>, vector<16xi32>,
          tpu.vector_store %arg7[%swap3A_1478, %swap3A_1479, %swap3A_1480], %select_n3A_1476 {strides = array<i32>} : memref<2x16x32xi32, #tpu.memory_space<vmem>>, vector<16xi32>,
        }
        %scan3A_1444 = arith.constant 2 : i32
      }
      %scan3A_794 = arith.constant 16 : i32
      %dma_start3A_795 = arith.constant 1 : i32
      %dma_start3A_796 = arith.constant 0 : i32
      %dma_start3A_797 = arith.constant 0 : i32
      %dma_start3A_798 = tpu.memref_slice %arg6[%dma_start3A_795, %dma_start3A_796, %dma_start3A_797] : memref<2x16x32xi32, #tpu.memory_space<vmem>> -> memref<1x1x32xi32, #tpu.memory_space<vmem>>
      %dma_start3A_799 = tpu.memref_squeeze %dma_start3A_798 : memref<1x1x32xi32, #tpu.memory_space<vmem>> -> memref<32xi32, #tpu.memory_space<vmem>>
      %dma_start3A_800 = arith.constant 0 : i32
      %dma_start3A_801 = arith.constant 0 : i32
      %dma_start3A_802 = tpu.memref_slice %arg2[%arg0, %dma_start3A_800, %dma_start3A_801] : memref<2x10000x64xf32, #tpu.memory_space<hbm>> -> memref<1x10000x64xf32, #tpu.memory_space<hbm>>
      %dma_start3A_803 = tpu.memref_squeeze %dma_start3A_802 : memref<1x10000x64xf32, #tpu.memory_space<hbm>> -> memref<10000x64xf32, #tpu.memory_space<hbm>>
      %dma_start3A_804 = arith.constant 0 : i32
      %dma_start3A_805 = arith.constant 0 : i32
      %dma_start3A_806 = tpu.memref_slice %dma_start3A_803[%dma_start3A_804, %dma_start3A_805] : memref<10000x64xf32, #tpu.memory_space<hbm>> -> memref<10000x64xf32, #tpu.memory_space<hbm>>
      tpu.enqueue_indirect_dma source(%dma_start3A_806 : memref<10000x64xf32, #tpu.memory_space<hbm>>) target(%arg8 : memref<32x64xf32, #tpu.memory_space<vmem>>) offsets(%dma_start3A_799 : memref<32xi32, #tpu.memory_space<vmem>>) semaphore(%arg14 : memref<!tpu.dma_semaphore, #tpu.memory_space<semaphore_mem>>)
      %dma_start3A_807 = arith.constant 1 : i32
      %dma_start3A_808 = arith.constant 1 : i32
      %dma_start3A_809 = arith.constant 0 : i32
      %dma_start3A_810 = tpu.memref_slice %arg6[%dma_start3A_807, %dma_start3A_808, %dma_start3A_809] : memref<2x16x32xi32, #tpu.memory_space<vmem>> -> memref<1x1x32xi32, #tpu.memory_space<vmem>>
      %dma_start3A_811 = tpu.memref_squeeze %dma_start3A_810 : memref<1x1x32xi32, #tpu.memory_space<vmem>> -> memref<32xi32, #tpu.memory_space<vmem>>
      %dma_start3A_812 = arith.constant 0 : i32
      %dma_start3A_813 = arith.constant 0 : i32
      %dma_start3A_814 = tpu.memref_slice %arg2[%arg0, %dma_start3A_812, %dma_start3A_813] : memref<2x10000x64xf32, #tpu.memory_space<hbm>> -> memref<1x10000x64xf32, #tpu.memory_space<hbm>>
      %dma_start3A_815 = tpu.memref_squeeze %dma_start3A_814 : memref<1x10000x64xf32, #tpu.memory_space<hbm>> -> memref<10000x64xf32, #tpu.memory_space<hbm>>
      %dma_start3A_816 = arith.constant 0 : i32
      %dma_start3A_817 = arith.constant 0 : i32
      %dma_start3A_818 = tpu.memref_slice %dma_start3A_815[%dma_start3A_816, %dma_start3A_817] : memref<10000x64xf32, #tpu.memory_space<hbm>> -> memref<10000x64xf32, #tpu.memory_space<hbm>>
      tpu.enqueue_indirect_dma source(%dma_start3A_818 : memref<10000x64xf32, #tpu.memory_space<hbm>>) target(%arg9 : memref<32x64xf32, #tpu.memory_space<vmem>>) offsets(%dma_start3A_811 : memref<32xi32, #tpu.memory_space<vmem>>) semaphore(%arg15 : memref<!tpu.dma_semaphore, #tpu.memory_space<semaphore_mem>>)
      %dma_start3A_819 = arith.constant 1 : i32
      %dma_start3A_820 = arith.constant 2 : i32
      %dma_start3A_821 = arith.constant 0 : i32
      %dma_start3A_822 = tpu.memref_slice %arg6[%dma_start3A_819, %dma_start3A_820, %dma_start3A_821] : memref<2x16x32xi32, #tpu.memory_space<vmem>> -> memref<1x1x32xi32, #tpu.memory_space<vmem>>
      %dma_start3A_823 = tpu.memref_squeeze %dma_start3A_822 : memref<1x1x32xi32, #tpu.memory_space<vmem>> -> memref<32xi32, #tpu.memory_space<vmem>>
      %dma_start3A_824 = arith.constant 0 : i32
      %dma_start3A_825 = arith.constant 0 : i32
      %dma_start3A_826 = tpu.memref_slice %arg2[%arg0, %dma_start3A_824, %dma_start3A_825] : memref<2x10000x64xf32, #tpu.memory_space<hbm>> -> memref<1x10000x64xf32, #tpu.memory_space<hbm>>
      %dma_start3A_827 = tpu.memref_squeeze %dma_start3A_826 : memref<1x10000x64xf32, #tpu.memory_space<hbm>> -> memref<10000x64xf32, #tpu.memory_space<hbm>>
      %dma_start3A_828 = arith.constant 0 : i32
      %dma_start3A_829 = arith.constant 0 : i32
      %dma_start3A_830 = tpu.memref_slice %dma_start3A_827[%dma_start3A_828, %dma_start3A_829] : memref<10000x64xf32, #tpu.memory_space<hbm>> -> memref<10000x64xf32, #tpu.memory_space<hbm>>
      tpu.enqueue_indirect_dma source(%dma_start3A_830 : memref<10000x64xf32, #tpu.memory_space<hbm>>) target(%arg10 : memref<32x64xf32, #tpu.memory_space<vmem>>) offsets(%dma_start3A_823 : memref<32xi32, #tpu.memory_space<vmem>>) semaphore(%arg16 : memref<!tpu.dma_semaphore, #tpu.memory_space<semaphore_mem>>)
      %dma_start3A_831 = arith.constant 1 : i32
      %dma_start3A_832 = arith.constant 3 : i32
      %dma_start3A_833 = arith.constant 0 : i32
      %dma_start3A_834 = tpu.memref_slice %arg6[%dma_start3A_831, %dma_start3A_832, %dma_start3A_833] : memref<2x16x32xi32, #tpu.memory_space<vmem>> -> memref<1x1x32xi32, #tpu.memory_space<vmem>>
      %dma_start3A_835 = tpu.memref_squeeze %dma_start3A_834 : memref<1x1x32xi32, #tpu.memory_space<vmem>> -> memref<32xi32, #tpu.memory_space<vmem>>
      %dma_start3A_836 = arith.constant 0 : i32
      %dma_start3A_837 = arith.constant 0 : i32
      %dma_start3A_838 = tpu.memref_slice %arg2[%arg0, %dma_start3A_836, %dma_start3A_837] : memref<2x10000x64xf32, #tpu.memory_space<hbm>> -> memref<1x10000x64xf32, #tpu.memory_space<hbm>>
      %dma_start3A_839 = tpu.memref_squeeze %dma_start3A_838 : memref<1x10000x64xf32, #tpu.memory_space<hbm>> -> memref<10000x64xf32, #tpu.memory_space<hbm>>
      %dma_start3A_840 = arith.constant 0 : i32
      %dma_start3A_841 = arith.constant 0 : i32
      %dma_start3A_842 = tpu.memref_slice %dma_start3A_839[%dma_start3A_840, %dma_start3A_841] : memref<10000x64xf32, #tpu.memory_space<hbm>> -> memref<10000x64xf32, #tpu.memory_space<hbm>>
      tpu.enqueue_indirect_dma source(%dma_start3A_842 : memref<10000x64xf32, #tpu.memory_space<hbm>>) target(%arg11 : memref<32x64xf32, #tpu.memory_space<vmem>>) offsets(%dma_start3A_835 : memref<32xi32, #tpu.memory_space<vmem>>) semaphore(%arg17 : memref<!tpu.dma_semaphore, #tpu.memory_space<semaphore_mem>>)
      %dma_wait3A_843 = arith.constant 1 : i32
      %dma_wait3A_844 = arith.constant 0 : i32
      %dma_wait3A_845 = arith.constant 0 : i32
      %dma_wait3A_846 = tpu.memref_slice %arg6[%dma_wait3A_843, %dma_wait3A_844, %dma_wait3A_845] : memref<2x16x32xi32, #tpu.memory_space<vmem>> -> memref<1x1x32xi32, #tpu.memory_space<vmem>>
      %dma_wait3A_847 = tpu.memref_squeeze %dma_wait3A_846 : memref<1x1x32xi32, #tpu.memory_space<vmem>> -> memref<32xi32, #tpu.memory_space<vmem>>
      %dma_wait3A_848 = arith.constant 0 : i32
      %dma_wait3A_849 = arith.constant 0 : i32
      %dma_wait3A_850 = tpu.memref_slice %arg2[%arg0, %dma_wait3A_848, %dma_wait3A_849] : memref<2x10000x64xf32, #tpu.memory_space<hbm>> -> memref<1x10000x64xf32, #tpu.memory_space<hbm>>
      %dma_wait3A_851 = tpu.memref_squeeze %dma_wait3A_850 : memref<1x10000x64xf32, #tpu.memory_space<hbm>> -> memref<10000x64xf32, #tpu.memory_space<hbm>>
      %dma_wait3A_852 = arith.constant 0 : i32
      %dma_wait3A_853 = arith.constant 0 : i32
      %dma_wait3A_854 = tpu.memref_slice %dma_wait3A_851[%dma_wait3A_852, %dma_wait3A_853] : memref<10000x64xf32, #tpu.memory_space<hbm>> -> memref<10000x64xf32, #tpu.memory_space<hbm>>
      tpu.wait_indirect_dma semaphore(%arg14 : memref<!tpu.dma_semaphore, #tpu.memory_space<semaphore_mem>>) src(%dma_wait3A_854 : memref<10000x64xf32, #tpu.memory_space<hbm>>) dst(%arg8 : memref<32x64xf32, #tpu.memory_space<vmem>>)
      %dma_start3A_855 = arith.constant 1 : i32
      %dma_start3A_856 = arith.constant 0 : i32
      %dma_start3A_857 = arith.constant 0 : i32
      %dma_start3A_858 = tpu.memref_slice %arg7[%dma_start3A_855, %dma_start3A_856, %dma_start3A_857] : memref<2x16x32xi32, #tpu.memory_space<vmem>> -> memref<1x1x32xi32, #tpu.memory_space<vmem>>
      %dma_start3A_859 = tpu.memref_squeeze %dma_start3A_858 : memref<1x1x32xi32, #tpu.memory_space<vmem>> -> memref<32xi32, #tpu.memory_space<vmem>>
      %dma_start3A_860 = arith.constant 0 : i32
      %dma_start3A_861 = arith.constant 0 : i32
      %dma_start3A_862 = tpu.memref_slice %arg22[%dma_start3A_860, %dma_start3A_861] : memref<30080x64xf32, #tpu.memory_space<vmem_shared>> -> memref<30080x64xf32, #tpu.memory_space<vmem_shared>>
      tpu.enqueue_indirect_dma source(%arg8 : memref<32x64xf32, #tpu.memory_space<vmem>>) target(%dma_start3A_862 : memref<30080x64xf32, #tpu.memory_space<vmem_shared>>) offsets(%dma_start3A_859 : memref<32xi32, #tpu.memory_space<vmem>>) semaphore(%arg18 : memref<!tpu.dma_semaphore, #tpu.memory_space<semaphore_mem>>) {add = true}
      %dma_wait3A_863 = arith.constant 1 : i32
      %dma_wait3A_864 = arith.constant 0 : i32
      %dma_wait3A_865 = arith.constant 0 : i32
      %dma_wait3A_866 = tpu.memref_slice %arg7[%dma_wait3A_863, %dma_wait3A_864, %dma_wait3A_865] : memref<2x16x32xi32, #tpu.memory_space<vmem>> -> memref<1x1x32xi32, #tpu.memory_space<vmem>>
      %dma_wait3A_867 = tpu.memref_squeeze %dma_wait3A_866 : memref<1x1x32xi32, #tpu.memory_space<vmem>> -> memref<32xi32, #tpu.memory_space<vmem>>
      %dma_wait3A_868 = arith.constant 0 : i32
      %dma_wait3A_869 = arith.constant 0 : i32
      %dma_wait3A_870 = tpu.memref_slice %arg22[%dma_wait3A_868, %dma_wait3A_869] : memref<30080x64xf32, #tpu.memory_space<vmem_shared>> -> memref<30080x64xf32, #tpu.memory_space<vmem_shared>>
      tpu.wait_indirect_dma semaphore(%arg18 : memref<!tpu.dma_semaphore, #tpu.memory_space<semaphore_mem>>) src(%arg8 : memref<32x64xf32, #tpu.memory_space<vmem>>) dst(%dma_wait3A_870 : memref<30080x64xf32, #tpu.memory_space<vmem_shared>>)
      %dma_start3A_871 = arith.constant 1 : i32
      %dma_start3A_872 = arith.constant 4 : i32
      %dma_start3A_873 = arith.constant 0 : i32
      %dma_start3A_874 = tpu.memref_slice %arg6[%dma_start3A_871, %dma_start3A_872, %dma_start3A_873] : memref<2x16x32xi32, #tpu.memory_space<vmem>> -> memref<1x1x32xi32, #tpu.memory_space<vmem>>
      %dma_start3A_875 = tpu.memref_squeeze %dma_start3A_874 : memref<1x1x32xi32, #tpu.memory_space<vmem>> -> memref<32xi32, #tpu.memory_space<vmem>>
      %dma_start3A_876 = arith.constant 0 : i32
      %dma_start3A_877 = arith.constant 0 : i32
      %dma_start3A_878 = tpu.memref_slice %arg2[%arg0, %dma_start3A_876, %dma_start3A_877] : memref<2x10000x64xf32, #tpu.memory_space<hbm>> -> memref<1x10000x64xf32, #tpu.memory_space<hbm>>
      %dma_start3A_879 = tpu.memref_squeeze %dma_start3A_878 : memref<1x10000x64xf32, #tpu.memory_space<hbm>> -> memref<10000x64xf32, #tpu.memory_space<hbm>>
      %dma_start3A_880 = arith.constant 0 : i32
      %dma_start3A_881 = arith.constant 0 : i32
      %dma_start3A_882 = tpu.memref_slice %dma_start3A_879[%dma_start3A_880, %dma_start3A_881] : memref<10000x64xf32, #tpu.memory_space<hbm>> -> memref<10000x64xf32, #tpu.memory_space<hbm>>
      tpu.enqueue_indirect_dma source(%dma_start3A_882 : memref<10000x64xf32, #tpu.memory_space<hbm>>) target(%arg8 : memref<32x64xf32, #tpu.memory_space<vmem>>) offsets(%dma_start3A_875 : memref<32xi32, #tpu.memory_space<vmem>>) semaphore(%arg14 : memref<!tpu.dma_semaphore, #tpu.memory_space<semaphore_mem>>)
      %dma_wait3A_883 = arith.constant 1 : i32
      %dma_wait3A_884 = arith.constant 1 : i32
      %dma_wait3A_885 = arith.constant 0 : i32
      %dma_wait3A_886 = tpu.memref_slice %arg6[%dma_wait3A_883, %dma_wait3A_884, %dma_wait3A_885] : memref<2x16x32xi32, #tpu.memory_space<vmem>> -> memref<1x1x32xi32, #tpu.memory_space<vmem>>
      %dma_wait3A_887 = tpu.memref_squeeze %dma_wait3A_886 : memref<1x1x32xi32, #tpu.memory_space<vmem>> -> memref<32xi32, #tpu.memory_space<vmem>>
      %dma_wait3A_888 = arith.constant 0 : i32
      %dma_wait3A_889 = arith.constant 0 : i32
      %dma_wait3A_890 = tpu.memref_slice %arg2[%arg0, %dma_wait3A_888, %dma_wait3A_889] : memref<2x10000x64xf32, #tpu.memory_space<hbm>> -> memref<1x10000x64xf32, #tpu.memory_space<hbm>>
      %dma_wait3A_891 = tpu.memref_squeeze %dma_wait3A_890 : memref<1x10000x64xf32, #tpu.memory_space<hbm>> -> memref<10000x64xf32, #tpu.memory_space<hbm>>
      %dma_wait3A_892 = arith.constant 0 : i32
      %dma_wait3A_893 = arith.constant 0 : i32
      %dma_wait3A_894 = tpu.memref_slice %dma_wait3A_891[%dma_wait3A_892, %dma_wait3A_893] : memref<10000x64xf32, #tpu.memory_space<hbm>> -> memref<10000x64xf32, #tpu.memory_space<hbm>>
      tpu.wait_indirect_dma semaphore(%arg15 : memref<!tpu.dma_semaphore, #tpu.memory_space<semaphore_mem>>) src(%dma_wait3A_894 : memref<10000x64xf32, #tpu.memory_space<hbm>>) dst(%arg9 : memref<32x64xf32, #tpu.memory_space<vmem>>)
      %dma_start3A_895 = arith.constant 1 : i32
      %dma_start3A_896 = arith.constant 1 : i32
      %dma_start3A_897 = arith.constant 0 : i32
      %dma_start3A_898 = tpu.memref_slice %arg7[%dma_start3A_895, %dma_start3A_896, %dma_start3A_897] : memref<2x16x32xi32, #tpu.memory_space<vmem>> -> memref<1x1x32xi32, #tpu.memory_space<vmem>>
      %dma_start3A_899 = tpu.memref_squeeze %dma_start3A_898 : memref<1x1x32xi32, #tpu.memory_space<vmem>> -> memref<32xi32, #tpu.memory_space<vmem>>
      %dma_start3A_900 = arith.constant 0 : i32
      %dma_start3A_901 = arith.constant 0 : i32
      %dma_start3A_902 = tpu.memref_slice %arg22[%dma_start3A_900, %dma_start3A_901] : memref<30080x64xf32, #tpu.memory_space<vmem_shared>> -> memref<30080x64xf32, #tpu.memory_space<vmem_shared>>
      tpu.enqueue_indirect_dma source(%arg9 : memref<32x64xf32, #tpu.memory_space<vmem>>) target(%dma_start3A_902 : memref<30080x64xf32, #tpu.memory_space<vmem_shared>>) offsets(%dma_start3A_899 : memref<32xi32, #tpu.memory_space<vmem>>) semaphore(%arg19 : memref<!tpu.dma_semaphore, #tpu.memory_space<semaphore_mem>>) {add = true}
      %dma_wait3A_903 = arith.constant 1 : i32
      %dma_wait3A_904 = arith.constant 1 : i32
      %dma_wait3A_905 = arith.constant 0 : i32
      %dma_wait3A_906 = tpu.memref_slice %arg7[%dma_wait3A_903, %dma_wait3A_904, %dma_wait3A_905] : memref<2x16x32xi32, #tpu.memory_space<vmem>> -> memref<1x1x32xi32, #tpu.memory_space<vmem>>
      %dma_wait3A_907 = tpu.memref_squeeze %dma_wait3A_906 : memref<1x1x32xi32, #tpu.memory_space<vmem>> -> memref<32xi32, #tpu.memory_space<vmem>>
      %dma_wait3A_908 = arith.constant 0 : i32
      %dma_wait3A_909 = arith.constant 0 : i32
      %dma_wait3A_910 = tpu.memref_slice %arg22[%dma_wait3A_908, %dma_wait3A_909] : memref<30080x64xf32, #tpu.memory_space<vmem_shared>> -> memref<30080x64xf32, #tpu.memory_space<vmem_shared>>
      tpu.wait_indirect_dma semaphore(%arg19 : memref<!tpu.dma_semaphore, #tpu.memory_space<semaphore_mem>>) src(%arg9 : memref<32x64xf32, #tpu.memory_space<vmem>>) dst(%dma_wait3A_910 : memref<30080x64xf32, #tpu.memory_space<vmem_shared>>)
      %dma_start3A_911 = arith.constant 1 : i32
      %dma_start3A_912 = arith.constant 5 : i32
      %dma_start3A_913 = arith.constant 0 : i32
      %dma_start3A_914 = tpu.memref_slice %arg6[%dma_start3A_911, %dma_start3A_912, %dma_start3A_913] : memref<2x16x32xi32, #tpu.memory_space<vmem>> -> memref<1x1x32xi32, #tpu.memory_space<vmem>>
      %dma_start3A_915 = tpu.memref_squeeze %dma_start3A_914 : memref<1x1x32xi32, #tpu.memory_space<vmem>> -> memref<32xi32, #tpu.memory_space<vmem>>
      %dma_start3A_916 = arith.constant 0 : i32
      %dma_start3A_917 = arith.constant 0 : i32
      %dma_start3A_918 = tpu.memref_slice %arg2[%arg0, %dma_start3A_916, %dma_start3A_917] : memref<2x10000x64xf32, #tpu.memory_space<hbm>> -> memref<1x10000x64xf32, #tpu.memory_space<hbm>>
      %dma_start3A_919 = tpu.memref_squeeze %dma_start3A_918 : memref<1x10000x64xf32, #tpu.memory_space<hbm>> -> memref<10000x64xf32, #tpu.memory_space<hbm>>
      %dma_start3A_920 = arith.constant 0 : i32
      %dma_start3A_921 = arith.constant 0 : i32
      %dma_start3A_922 = tpu.memref_slice %dma_start3A_919[%dma_start3A_920, %dma_start3A_921] : memref<10000x64xf32, #tpu.memory_space<hbm>> -> memref<10000x64xf32, #tpu.memory_space<hbm>>
      tpu.enqueue_indirect_dma source(%dma_start3A_922 : memref<10000x64xf32, #tpu.memory_space<hbm>>) target(%arg9 : memref<32x64xf32, #tpu.memory_space<vmem>>) offsets(%dma_start3A_915 : memref<32xi32, #tpu.memory_space<vmem>>) semaphore(%arg15 : memref<!tpu.dma_semaphore, #tpu.memory_space<semaphore_mem>>)
      %dma_wait3A_923 = arith.constant 1 : i32
      %dma_wait3A_924 = arith.constant 2 : i32
      %dma_wait3A_925 = arith.constant 0 : i32
      %dma_wait3A_926 = tpu.memref_slice %arg6[%dma_wait3A_923, %dma_wait3A_924, %dma_wait3A_925] : memref<2x16x32xi32, #tpu.memory_space<vmem>> -> memref<1x1x32xi32, #tpu.memory_space<vmem>>
      %dma_wait3A_927 = tpu.memref_squeeze %dma_wait3A_926 : memref<1x1x32xi32, #tpu.memory_space<vmem>> -> memref<32xi32, #tpu.memory_space<vmem>>
      %dma_wait3A_928 = arith.constant 0 : i32
      %dma_wait3A_929 = arith.constant 0 : i32
      %dma_wait3A_930 = tpu.memref_slice %arg2[%arg0, %dma_wait3A_928, %dma_wait3A_929] : memref<2x10000x64xf32, #tpu.memory_space<hbm>> -> memref<1x10000x64xf32, #tpu.memory_space<hbm>>
      %dma_wait3A_931 = tpu.memref_squeeze %dma_wait3A_930 : memref<1x10000x64xf32, #tpu.memory_space<hbm>> -> memref<10000x64xf32, #tpu.memory_space<hbm>>
      %dma_wait3A_932 = arith.constant 0 : i32
      %dma_wait3A_933 = arith.constant 0 : i32
      %dma_wait3A_934 = tpu.memref_slice %dma_wait3A_931[%dma_wait3A_932, %dma_wait3A_933] : memref<10000x64xf32, #tpu.memory_space<hbm>> -> memref<10000x64xf32, #tpu.memory_space<hbm>>
      tpu.wait_indirect_dma semaphore(%arg16 : memref<!tpu.dma_semaphore, #tpu.memory_space<semaphore_mem>>) src(%dma_wait3A_934 : memref<10000x64xf32, #tpu.memory_space<hbm>>) dst(%arg10 : memref<32x64xf32, #tpu.memory_space<vmem>>)
      %dma_start3A_935 = arith.constant 1 : i32
      %dma_start3A_936 = arith.constant 2 : i32
      %dma_start3A_937 = arith.constant 0 : i32
      %dma_start3A_938 = tpu.memref_slice %arg7[%dma_start3A_935, %dma_start3A_936, %dma_start3A_937] : memref<2x16x32xi32, #tpu.memory_space<vmem>> -> memref<1x1x32xi32, #tpu.memory_space<vmem>>
      %dma_start3A_939 = tpu.memref_squeeze %dma_start3A_938 : memref<1x1x32xi32, #tpu.memory_space<vmem>> -> memref<32xi32, #tpu.memory_space<vmem>>
      %dma_start3A_940 = arith.constant 0 : i32
      %dma_start3A_941 = arith.constant 0 : i32
      %dma_start3A_942 = tpu.memref_slice %arg22[%dma_start3A_940, %dma_start3A_941] : memref<30080x64xf32, #tpu.memory_space<vmem_shared>> -> memref<30080x64xf32, #tpu.memory_space<vmem_shared>>
      tpu.enqueue_indirect_dma source(%arg10 : memref<32x64xf32, #tpu.memory_space<vmem>>) target(%dma_start3A_942 : memref<30080x64xf32, #tpu.memory_space<vmem_shared>>) offsets(%dma_start3A_939 : memref<32xi32, #tpu.memory_space<vmem>>) semaphore(%arg20 : memref<!tpu.dma_semaphore, #tpu.memory_space<semaphore_mem>>) {add = true}
      %dma_wait3A_943 = arith.constant 1 : i32
      %dma_wait3A_944 = arith.constant 2 : i32
      %dma_wait3A_945 = arith.constant 0 : i32
      %dma_wait3A_946 = tpu.memref_slice %arg7[%dma_wait3A_943, %dma_wait3A_944, %dma_wait3A_945] : memref<2x16x32xi32, #tpu.memory_space<vmem>> -> memref<1x1x32xi32, #tpu.memory_space<vmem>>
      %dma_wait3A_947 = tpu.memref_squeeze %dma_wait3A_946 : memref<1x1x32xi32, #tpu.memory_space<vmem>> -> memref<32xi32, #tpu.memory_space<vmem>>
      %dma_wait3A_948 = arith.constant 0 : i32
      %dma_wait3A_949 = arith.constant 0 : i32
      %dma_wait3A_950 = tpu.memref_slice %arg22[%dma_wait3A_948, %dma_wait3A_949] : memref<30080x64xf32, #tpu.memory_space<vmem_shared>> -> memref<30080x64xf32, #tpu.memory_space<vmem_shared>>
      tpu.wait_indirect_dma semaphore(%arg20 : memref<!tpu.dma_semaphore, #tpu.memory_space<semaphore_mem>>) src(%arg10 : memref<32x64xf32, #tpu.memory_space<vmem>>) dst(%dma_wait3A_950 : memref<30080x64xf32, #tpu.memory_space<vmem_shared>>)
      %dma_start3A_951 = arith.constant 1 : i32
      %dma_start3A_952 = arith.constant 6 : i32
      %dma_start3A_953 = arith.constant 0 : i32
      %dma_start3A_954 = tpu.memref_slice %arg6[%dma_start3A_951, %dma_start3A_952, %dma_start3A_953] : memref<2x16x32xi32, #tpu.memory_space<vmem>> -> memref<1x1x32xi32, #tpu.memory_space<vmem>>
      %dma_start3A_955 = tpu.memref_squeeze %dma_start3A_954 : memref<1x1x32xi32, #tpu.memory_space<vmem>> -> memref<32xi32, #tpu.memory_space<vmem>>
      %dma_start3A_956 = arith.constant 0 : i32
      %dma_start3A_957 = arith.constant 0 : i32
      %dma_start3A_958 = tpu.memref_slice %arg2[%arg0, %dma_start3A_956, %dma_start3A_957] : memref<2x10000x64xf32, #tpu.memory_space<hbm>> -> memref<1x10000x64xf32, #tpu.memory_space<hbm>>
      %dma_start3A_959 = tpu.memref_squeeze %dma_start3A_958 : memref<1x10000x64xf32, #tpu.memory_space<hbm>> -> memref<10000x64xf32, #tpu.memory_space<hbm>>
      %dma_start3A_960 = arith.constant 0 : i32
      %dma_start3A_961 = arith.constant 0 : i32
      %dma_start3A_962 = tpu.memref_slice %dma_start3A_959[%dma_start3A_960, %dma_start3A_961] : memref<10000x64xf32, #tpu.memory_space<hbm>> -> memref<10000x64xf32, #tpu.memory_space<hbm>>
      tpu.enqueue_indirect_dma source(%dma_start3A_962 : memref<10000x64xf32, #tpu.memory_space<hbm>>) target(%arg10 : memref<32x64xf32, #tpu.memory_space<vmem>>) offsets(%dma_start3A_955 : memref<32xi32, #tpu.memory_space<vmem>>) semaphore(%arg16 : memref<!tpu.dma_semaphore, #tpu.memory_space<semaphore_mem>>)
      %dma_wait3A_963 = arith.constant 1 : i32
      %dma_wait3A_964 = arith.constant 3 : i32
      %dma_wait3A_965 = arith.constant 0 : i32
      %dma_wait3A_966 = tpu.memref_slice %arg6[%dma_wait3A_963, %dma_wait3A_964, %dma_wait3A_965] : memref<2x16x32xi32, #tpu.memory_space<vmem>> -> memref<1x1x32xi32, #tpu.memory_space<vmem>>
      %dma_wait3A_967 = tpu.memref_squeeze %dma_wait3A_966 : memref<1x1x32xi32, #tpu.memory_space<vmem>> -> memref<32xi32, #tpu.memory_space<vmem>>
      %dma_wait3A_968 = arith.constant 0 : i32
      %dma_wait3A_969 = arith.constant 0 : i32
      %dma_wait3A_970 = tpu.memref_slice %arg2[%arg0, %dma_wait3A_968, %dma_wait3A_969] : memref<2x10000x64xf32, #tpu.memory_space<hbm>> -> memref<1x10000x64xf32, #tpu.memory_space<hbm>>
      %dma_wait3A_971 = tpu.memref_squeeze %dma_wait3A_970 : memref<1x10000x64xf32, #tpu.memory_space<hbm>> -> memref<10000x64xf32, #tpu.memory_space<hbm>>
      %dma_wait3A_972 = arith.constant 0 : i32
      %dma_wait3A_973 = arith.constant 0 : i32
      %dma_wait3A_974 = tpu.memref_slice %dma_wait3A_971[%dma_wait3A_972, %dma_wait3A_973] : memref<10000x64xf32, #tpu.memory_space<hbm>> -> memref<10000x64xf32, #tpu.memory_space<hbm>>
      tpu.wait_indirect_dma semaphore(%arg17 : memref<!tpu.dma_semaphore, #tpu.memory_space<semaphore_mem>>) src(%dma_wait3A_974 : memref<10000x64xf32, #tpu.memory_space<hbm>>) dst(%arg11 : memref<32x64xf32, #tpu.memory_space<vmem>>)
      %dma_start3A_975 = arith.constant 1 : i32
      %dma_start3A_976 = arith.constant 3 : i32
      %dma_start3A_977 = arith.constant 0 : i32
      %dma_start3A_978 = tpu.memref_slice %arg7[%dma_start3A_975, %dma_start3A_976, %dma_start3A_977] : memref<2x16x32xi32, #tpu.memory_space<vmem>> -> memref<1x1x32xi32, #tpu.memory_space<vmem>>
      %dma_start3A_979 = tpu.memref_squeeze %dma_start3A_978 : memref<1x1x32xi32, #tpu.memory_space<vmem>> -> memref<32xi32, #tpu.memory_space<vmem>>
      %dma_start3A_980 = arith.constant 0 : i32
      %dma_start3A_981 = arith.constant 0 : i32
      %dma_start3A_982 = tpu.memref_slice %arg22[%dma_start3A_980, %dma_start3A_981] : memref<30080x64xf32, #tpu.memory_space<vmem_shared>> -> memref<30080x64xf32, #tpu.memory_space<vmem_shared>>
      tpu.enqueue_indirect_dma source(%arg11 : memref<32x64xf32, #tpu.memory_space<vmem>>) target(%dma_start3A_982 : memref<30080x64xf32, #tpu.memory_space<vmem_shared>>) offsets(%dma_start3A_979 : memref<32xi32, #tpu.memory_space<vmem>>) semaphore(%arg21 : memref<!tpu.dma_semaphore, #tpu.memory_space<semaphore_mem>>) {add = true}
      %dma_wait3A_983 = arith.constant 1 : i32
      %dma_wait3A_984 = arith.constant 3 : i32
      %dma_wait3A_985 = arith.constant 0 : i32
      %dma_wait3A_986 = tpu.memref_slice %arg7[%dma_wait3A_983, %dma_wait3A_984, %dma_wait3A_985] : memref<2x16x32xi32, #tpu.memory_space<vmem>> -> memref<1x1x32xi32, #tpu.memory_space<vmem>>
      %dma_wait3A_987 = tpu.memref_squeeze %dma_wait3A_986 : memref<1x1x32xi32, #tpu.memory_space<vmem>> -> memref<32xi32, #tpu.memory_space<vmem>>
      %dma_wait3A_988 = arith.constant 0 : i32
      %dma_wait3A_989 = arith.constant 0 : i32
      %dma_wait3A_990 = tpu.memref_slice %arg22[%dma_wait3A_988, %dma_wait3A_989] : memref<30080x64xf32, #tpu.memory_space<vmem_shared>> -> memref<30080x64xf32, #tpu.memory_space<vmem_shared>>
      tpu.wait_indirect_dma semaphore(%arg21 : memref<!tpu.dma_semaphore, #tpu.memory_space<semaphore_mem>>) src(%arg11 : memref<32x64xf32, #tpu.memory_space<vmem>>) dst(%dma_wait3A_990 : memref<30080x64xf32, #tpu.memory_space<vmem_shared>>)
      %dma_start3A_991 = arith.constant 1 : i32
      %dma_start3A_992 = arith.constant 7 : i32
      %dma_start3A_993 = arith.constant 0 : i32
      %dma_start3A_994 = tpu.memref_slice %arg6[%dma_start3A_991, %dma_start3A_992, %dma_start3A_993] : memref<2x16x32xi32, #tpu.memory_space<vmem>> -> memref<1x1x32xi32, #tpu.memory_space<vmem>>
      %dma_start3A_995 = tpu.memref_squeeze %dma_start3A_994 : memref<1x1x32xi32, #tpu.memory_space<vmem>> -> memref<32xi32, #tpu.memory_space<vmem>>
      %dma_start3A_996 = arith.constant 0 : i32
      %dma_start3A_997 = arith.constant 0 : i32
      %dma_start3A_998 = tpu.memref_slice %arg2[%arg0, %dma_start3A_996, %dma_start3A_997] : memref<2x10000x64xf32, #tpu.memory_space<hbm>> -> memref<1x10000x64xf32, #tpu.memory_space<hbm>>
      %dma_start3A_999 = tpu.memref_squeeze %dma_start3A_998 : memref<1x10000x64xf32, #tpu.memory_space<hbm>> -> memref<10000x64xf32, #tpu.memory_space<hbm>>
      %dma_start3A_1000 = arith.constant 0 : i32
      %dma_start3A_1001 = arith.constant 0 : i32
      %dma_start3A_1002 = tpu.memref_slice %dma_start3A_999[%dma_start3A_1000, %dma_start3A_1001] : memref<10000x64xf32, #tpu.memory_space<hbm>> -> memref<10000x64xf32, #tpu.memory_space<hbm>>
      tpu.enqueue_indirect_dma source(%dma_start3A_1002 : memref<10000x64xf32, #tpu.memory_space<hbm>>) target(%arg11 : memref<32x64xf32, #tpu.memory_space<vmem>>) offsets(%dma_start3A_995 : memref<32xi32, #tpu.memory_space<vmem>>) semaphore(%arg17 : memref<!tpu.dma_semaphore, #tpu.memory_space<semaphore_mem>>)
      %dma_wait3A_1003 = arith.constant 1 : i32
      %dma_wait3A_1004 = arith.constant 4 : i32
      %dma_wait3A_1005 = arith.constant 0 : i32
      %dma_wait3A_1006 = tpu.memref_slice %arg6[%dma_wait3A_1003, %dma_wait3A_1004, %dma_wait3A_1005] : memref<2x16x32xi32, #tpu.memory_space<vmem>> -> memref<1x1x32xi32, #tpu.memory_space<vmem>>
      %dma_wait3A_1007 = tpu.memref_squeeze %dma_wait3A_1006 : memref<1x1x32xi32, #tpu.memory_space<vmem>> -> memref<32xi32, #tpu.memory_space<vmem>>
      %dma_wait3A_1008 = arith.constant 0 : i32
      %dma_wait3A_1009 = arith.constant 0 : i32
      %dma_wait3A_1010 = tpu.memref_slice %arg2[%arg0, %dma_wait3A_1008, %dma_wait3A_1009] : memref<2x10000x64xf32, #tpu.memory_space<hbm>> -> memref<1x10000x64xf32, #tpu.memory_space<hbm>>
      %dma_wait3A_1011 = tpu.memref_squeeze %dma_wait3A_1010 : memref<1x10000x64xf32, #tpu.memory_space<hbm>> -> memref<10000x64xf32, #tpu.memory_space<hbm>>
      %dma_wait3A_1012 = arith.constant 0 : i32
      %dma_wait3A_1013 = arith.constant 0 : i32
      %dma_wait3A_1014 = tpu.memref_slice %dma_wait3A_1011[%dma_wait3A_1012, %dma_wait3A_1013] : memref<10000x64xf32, #tpu.memory_space<hbm>> -> memref<10000x64xf32, #tpu.memory_space<hbm>>
      tpu.wait_indirect_dma semaphore(%arg14 : memref<!tpu.dma_semaphore, #tpu.memory_space<semaphore_mem>>) src(%dma_wait3A_1014 : memref<10000x64xf32, #tpu.memory_space<hbm>>) dst(%arg8 : memref<32x64xf32, #tpu.memory_space<vmem>>)
      %dma_start3A_1015 = arith.constant 1 : i32
      %dma_start3A_1016 = arith.constant 4 : i32
      %dma_start3A_1017 = arith.constant 0 : i32
      %dma_start3A_1018 = tpu.memref_slice %arg7[%dma_start3A_1015, %dma_start3A_1016, %dma_start3A_1017] : memref<2x16x32xi32, #tpu.memory_space<vmem>> -> memref<1x1x32xi32, #tpu.memory_space<vmem>>
      %dma_start3A_1019 = tpu.memref_squeeze %dma_start3A_1018 : memref<1x1x32xi32, #tpu.memory_space<vmem>> -> memref<32xi32, #tpu.memory_space<vmem>>
      %dma_start3A_1020 = arith.constant 0 : i32
      %dma_start3A_1021 = arith.constant 0 : i32
      %dma_start3A_1022 = tpu.memref_slice %arg22[%dma_start3A_1020, %dma_start3A_1021] : memref<30080x64xf32, #tpu.memory_space<vmem_shared>> -> memref<30080x64xf32, #tpu.memory_space<vmem_shared>>
      tpu.enqueue_indirect_dma source(%arg8 : memref<32x64xf32, #tpu.memory_space<vmem>>) target(%dma_start3A_1022 : memref<30080x64xf32, #tpu.memory_space<vmem_shared>>) offsets(%dma_start3A_1019 : memref<32xi32, #tpu.memory_space<vmem>>) semaphore(%arg18 : memref<!tpu.dma_semaphore, #tpu.memory_space<semaphore_mem>>) {add = true}
      %dma_wait3A_1023 = arith.constant 1 : i32
      %dma_wait3A_1024 = arith.constant 4 : i32
      %dma_wait3A_1025 = arith.constant 0 : i32
      %dma_wait3A_1026 = tpu.memref_slice %arg7[%dma_wait3A_1023, %dma_wait3A_1024, %dma_wait3A_1025] : memref<2x16x32xi32, #tpu.memory_space<vmem>> -> memref<1x1x32xi32, #tpu.memory_space<vmem>>
      %dma_wait3A_1027 = tpu.memref_squeeze %dma_wait3A_1026 : memref<1x1x32xi32, #tpu.memory_space<vmem>> -> memref<32xi32, #tpu.memory_space<vmem>>
      %dma_wait3A_1028 = arith.constant 0 : i32
      %dma_wait3A_1029 = arith.constant 0 : i32
      %dma_wait3A_1030 = tpu.memref_slice %arg22[%dma_wait3A_1028, %dma_wait3A_1029] : memref<30080x64xf32, #tpu.memory_space<vmem_shared>> -> memref<30080x64xf32, #tpu.memory_space<vmem_shared>>
      tpu.wait_indirect_dma semaphore(%arg18 : memref<!tpu.dma_semaphore, #tpu.memory_space<semaphore_mem>>) src(%arg8 : memref<32x64xf32, #tpu.memory_space<vmem>>) dst(%dma_wait3A_1030 : memref<30080x64xf32, #tpu.memory_space<vmem_shared>>)
      %dma_start3A_1031 = arith.constant 1 : i32
      %dma_start3A_1032 = arith.constant 8 : i32
      %dma_start3A_1033 = arith.constant 0 : i32
      %dma_start3A_1034 = tpu.memref_slice %arg6[%dma_start3A_1031, %dma_start3A_1032, %dma_start3A_1033] : memref<2x16x32xi32, #tpu.memory_space<vmem>> -> memref<1x1x32xi32, #tpu.memory_space<vmem>>
      %dma_start3A_1035 = tpu.memref_squeeze %dma_start3A_1034 : memref<1x1x32xi32, #tpu.memory_space<vmem>> -> memref<32xi32, #tpu.memory_space<vmem>>
      %dma_start3A_1036 = arith.constant 0 : i32
      %dma_start3A_1037 = arith.constant 0 : i32
      %dma_start3A_1038 = tpu.memref_slice %arg2[%arg0, %dma_start3A_1036, %dma_start3A_1037] : memref<2x10000x64xf32, #tpu.memory_space<hbm>> -> memref<1x10000x64xf32, #tpu.memory_space<hbm>>
      %dma_start3A_1039 = tpu.memref_squeeze %dma_start3A_1038 : memref<1x10000x64xf32, #tpu.memory_space<hbm>> -> memref<10000x64xf32, #tpu.memory_space<hbm>>
      %dma_start3A_1040 = arith.constant 0 : i32
      %dma_start3A_1041 = arith.constant 0 : i32
      %dma_start3A_1042 = tpu.memref_slice %dma_start3A_1039[%dma_start3A_1040, %dma_start3A_1041] : memref<10000x64xf32, #tpu.memory_space<hbm>> -> memref<10000x64xf32, #tpu.memory_space<hbm>>
      tpu.enqueue_indirect_dma source(%dma_start3A_1042 : memref<10000x64xf32, #tpu.memory_space<hbm>>) target(%arg8 : memref<32x64xf32, #tpu.memory_space<vmem>>) offsets(%dma_start3A_1035 : memref<32xi32, #tpu.memory_space<vmem>>) semaphore(%arg14 : memref<!tpu.dma_semaphore, #tpu.memory_space<semaphore_mem>>)
      %dma_wait3A_1043 = arith.constant 1 : i32
      %dma_wait3A_1044 = arith.constant 5 : i32
      %dma_wait3A_1045 = arith.constant 0 : i32
      %dma_wait3A_1046 = tpu.memref_slice %arg6[%dma_wait3A_1043, %dma_wait3A_1044, %dma_wait3A_1045] : memref<2x16x32xi32, #tpu.memory_space<vmem>> -> memref<1x1x32xi32, #tpu.memory_space<vmem>>
      %dma_wait3A_1047 = tpu.memref_squeeze %dma_wait3A_1046 : memref<1x1x32xi32, #tpu.memory_space<vmem>> -> memref<32xi32, #tpu.memory_space<vmem>>
      %dma_wait3A_1048 = arith.constant 0 : i32
      %dma_wait3A_1049 = arith.constant 0 : i32
      %dma_wait3A_1050 = tpu.memref_slice %arg2[%arg0, %dma_wait3A_1048, %dma_wait3A_1049] : memref<2x10000x64xf32, #tpu.memory_space<hbm>> -> memref<1x10000x64xf32, #tpu.memory_space<hbm>>
      %dma_wait3A_1051 = tpu.memref_squeeze %dma_wait3A_1050 : memref<1x10000x64xf32, #tpu.memory_space<hbm>> -> memref<10000x64xf32, #tpu.memory_space<hbm>>
      %dma_wait3A_1052 = arith.constant 0 : i32
      %dma_wait3A_1053 = arith.constant 0 : i32
      %dma_wait3A_1054 = tpu.memref_slice %dma_wait3A_1051[%dma_wait3A_1052, %dma_wait3A_1053] : memref<10000x64xf32, #tpu.memory_space<hbm>> -> memref<10000x64xf32, #tpu.memory_space<hbm>>
      tpu.wait_indirect_dma semaphore(%arg15 : memref<!tpu.dma_semaphore, #tpu.memory_space<semaphore_mem>>) src(%dma_wait3A_1054 : memref<10000x64xf32, #tpu.memory_space<hbm>>) dst(%arg9 : memref<32x64xf32, #tpu.memory_space<vmem>>)
      %dma_start3A_1055 = arith.constant 1 : i32
      %dma_start3A_1056 = arith.constant 5 : i32
      %dma_start3A_1057 = arith.constant 0 : i32
      %dma_start3A_1058 = tpu.memref_slice %arg7[%dma_start3A_1055, %dma_start3A_1056, %dma_start3A_1057] : memref<2x16x32xi32, #tpu.memory_space<vmem>> -> memref<1x1x32xi32, #tpu.memory_space<vmem>>
      %dma_start3A_1059 = tpu.memref_squeeze %dma_start3A_1058 : memref<1x1x32xi32, #tpu.memory_space<vmem>> -> memref<32xi32, #tpu.memory_space<vmem>>
      %dma_start3A_1060 = arith.constant 0 : i32
      %dma_start3A_1061 = arith.constant 0 : i32
      %dma_start3A_1062 = tpu.memref_slice %arg22[%dma_start3A_1060, %dma_start3A_1061] : memref<30080x64xf32, #tpu.memory_space<vmem_shared>> -> memref<30080x64xf32, #tpu.memory_space<vmem_shared>>
      tpu.enqueue_indirect_dma source(%arg9 : memref<32x64xf32, #tpu.memory_space<vmem>>) target(%dma_start3A_1062 : memref<30080x64xf32, #tpu.memory_space<vmem_shared>>) offsets(%dma_start3A_1059 : memref<32xi32, #tpu.memory_space<vmem>>) semaphore(%arg19 : memref<!tpu.dma_semaphore, #tpu.memory_space<semaphore_mem>>) {add = true}
      %dma_wait3A_1063 = arith.constant 1 : i32
      %dma_wait3A_1064 = arith.constant 5 : i32
      %dma_wait3A_1065 = arith.constant 0 : i32
      %dma_wait3A_1066 = tpu.memref_slice %arg7[%dma_wait3A_1063, %dma_wait3A_1064, %dma_wait3A_1065] : memref<2x16x32xi32, #tpu.memory_space<vmem>> -> memref<1x1x32xi32, #tpu.memory_space<vmem>>
      %dma_wait3A_1067 = tpu.memref_squeeze %dma_wait3A_1066 : memref<1x1x32xi32, #tpu.memory_space<vmem>> -> memref<32xi32, #tpu.memory_space<vmem>>
      %dma_wait3A_1068 = arith.constant 0 : i32
      %dma_wait3A_1069 = arith.constant 0 : i32
      %dma_wait3A_1070 = tpu.memref_slice %arg22[%dma_wait3A_1068, %dma_wait3A_1069] : memref<30080x64xf32, #tpu.memory_space<vmem_shared>> -> memref<30080x64xf32, #tpu.memory_space<vmem_shared>>
      tpu.wait_indirect_dma semaphore(%arg19 : memref<!tpu.dma_semaphore, #tpu.memory_space<semaphore_mem>>) src(%arg9 : memref<32x64xf32, #tpu.memory_space<vmem>>) dst(%dma_wait3A_1070 : memref<30080x64xf32, #tpu.memory_space<vmem_shared>>)
      %dma_start3A_1071 = arith.constant 1 : i32
      %dma_start3A_1072 = arith.constant 9 : i32
      %dma_start3A_1073 = arith.constant 0 : i32
      %dma_start3A_1074 = tpu.memref_slice %arg6[%dma_start3A_1071, %dma_start3A_1072, %dma_start3A_1073] : memref<2x16x32xi32, #tpu.memory_space<vmem>> -> memref<1x1x32xi32, #tpu.memory_space<vmem>>
      %dma_start3A_1075 = tpu.memref_squeeze %dma_start3A_1074 : memref<1x1x32xi32, #tpu.memory_space<vmem>> -> memref<32xi32, #tpu.memory_space<vmem>>
      %dma_start3A_1076 = arith.constant 0 : i32
      %dma_start3A_1077 = arith.constant 0 : i32
      %dma_start3A_1078 = tpu.memref_slice %arg2[%arg0, %dma_start3A_1076, %dma_start3A_1077] : memref<2x10000x64xf32, #tpu.memory_space<hbm>> -> memref<1x10000x64xf32, #tpu.memory_space<hbm>>
      %dma_start3A_1079 = tpu.memref_squeeze %dma_start3A_1078 : memref<1x10000x64xf32, #tpu.memory_space<hbm>> -> memref<10000x64xf32, #tpu.memory_space<hbm>>
      %dma_start3A_1080 = arith.constant 0 : i32
      %dma_start3A_1081 = arith.constant 0 : i32
      %dma_start3A_1082 = tpu.memref_slice %dma_start3A_1079[%dma_start3A_1080, %dma_start3A_1081] : memref<10000x64xf32, #tpu.memory_space<hbm>> -> memref<10000x64xf32, #tpu.memory_space<hbm>>
      tpu.enqueue_indirect_dma source(%dma_start3A_1082 : memref<10000x64xf32, #tpu.memory_space<hbm>>) target(%arg9 : memref<32x64xf32, #tpu.memory_space<vmem>>) offsets(%dma_start3A_1075 : memref<32xi32, #tpu.memory_space<vmem>>) semaphore(%arg15 : memref<!tpu.dma_semaphore, #tpu.memory_space<semaphore_mem>>)
      %dma_wait3A_1083 = arith.constant 1 : i32
      %dma_wait3A_1084 = arith.constant 6 : i32
      %dma_wait3A_1085 = arith.constant 0 : i32
      %dma_wait3A_1086 = tpu.memref_slice %arg6[%dma_wait3A_1083, %dma_wait3A_1084, %dma_wait3A_1085] : memref<2x16x32xi32, #tpu.memory_space<vmem>> -> memref<1x1x32xi32, #tpu.memory_space<vmem>>
      %dma_wait3A_1087 = tpu.memref_squeeze %dma_wait3A_1086 : memref<1x1x32xi32, #tpu.memory_space<vmem>> -> memref<32xi32, #tpu.memory_space<vmem>>
      %dma_wait3A_1088 = arith.constant 0 : i32
      %dma_wait3A_1089 = arith.constant 0 : i32
      %dma_wait3A_1090 = tpu.memref_slice %arg2[%arg0, %dma_wait3A_1088, %dma_wait3A_1089] : memref<2x10000x64xf32, #tpu.memory_space<hbm>> -> memref<1x10000x64xf32, #tpu.memory_space<hbm>>
      %dma_wait3A_1091 = tpu.memref_squeeze %dma_wait3A_1090 : memref<1x10000x64xf32, #tpu.memory_space<hbm>> -> memref<10000x64xf32, #tpu.memory_space<hbm>>
      %dma_wait3A_1092 = arith.constant 0 : i32
      %dma_wait3A_1093 = arith.constant 0 : i32
      %dma_wait3A_1094 = tpu.memref_slice %dma_wait3A_1091[%dma_wait3A_1092, %dma_wait3A_1093] : memref<10000x64xf32, #tpu.memory_space<hbm>> -> memref<10000x64xf32, #tpu.memory_space<hbm>>
      tpu.wait_indirect_dma semaphore(%arg16 : memref<!tpu.dma_semaphore, #tpu.memory_space<semaphore_mem>>) src(%dma_wait3A_1094 : memref<10000x64xf32, #tpu.memory_space<hbm>>) dst(%arg10 : memref<32x64xf32, #tpu.memory_space<vmem>>)
      %dma_start3A_1095 = arith.constant 1 : i32
      %dma_start3A_1096 = arith.constant 6 : i32
      %dma_start3A_1097 = arith.constant 0 : i32
      %dma_start3A_1098 = tpu.memref_slice %arg7[%dma_start3A_1095, %dma_start3A_1096, %dma_start3A_1097] : memref<2x16x32xi32, #tpu.memory_space<vmem>> -> memref<1x1x32xi32, #tpu.memory_space<vmem>>
      %dma_start3A_1099 = tpu.memref_squeeze %dma_start3A_1098 : memref<1x1x32xi32, #tpu.memory_space<vmem>> -> memref<32xi32, #tpu.memory_space<vmem>>
      %dma_start3A_1100 = arith.constant 0 : i32
      %dma_start3A_1101 = arith.constant 0 : i32
      %dma_start3A_1102 = tpu.memref_slice %arg22[%dma_start3A_1100, %dma_start3A_1101] : memref<30080x64xf32, #tpu.memory_space<vmem_shared>> -> memref<30080x64xf32, #tpu.memory_space<vmem_shared>>
      tpu.enqueue_indirect_dma source(%arg10 : memref<32x64xf32, #tpu.memory_space<vmem>>) target(%dma_start3A_1102 : memref<30080x64xf32, #tpu.memory_space<vmem_shared>>) offsets(%dma_start3A_1099 : memref<32xi32, #tpu.memory_space<vmem>>) semaphore(%arg20 : memref<!tpu.dma_semaphore, #tpu.memory_space<semaphore_mem>>) {add = true}
      %dma_wait3A_1103 = arith.constant 1 : i32
      %dma_wait3A_1104 = arith.constant 6 : i32
      %dma_wait3A_1105 = arith.constant 0 : i32
      %dma_wait3A_1106 = tpu.memref_slice %arg7[%dma_wait3A_1103, %dma_wait3A_1104, %dma_wait3A_1105] : memref<2x16x32xi32, #tpu.memory_space<vmem>> -> memref<1x1x32xi32, #tpu.memory_space<vmem>>
      %dma_wait3A_1107 = tpu.memref_squeeze %dma_wait3A_1106 : memref<1x1x32xi32, #tpu.memory_space<vmem>> -> memref<32xi32, #tpu.memory_space<vmem>>
      %dma_wait3A_1108 = arith.constant 0 : i32
      %dma_wait3A_1109 = arith.constant 0 : i32
      %dma_wait3A_1110 = tpu.memref_slice %arg22[%dma_wait3A_1108, %dma_wait3A_1109] : memref<30080x64xf32, #tpu.memory_space<vmem_shared>> -> memref<30080x64xf32, #tpu.memory_space<vmem_shared>>
      tpu.wait_indirect_dma semaphore(%arg20 : memref<!tpu.dma_semaphore, #tpu.memory_space<semaphore_mem>>) src(%arg10 : memref<32x64xf32, #tpu.memory_space<vmem>>) dst(%dma_wait3A_1110 : memref<30080x64xf32, #tpu.memory_space<vmem_shared>>)
      %dma_start3A_1111 = arith.constant 1 : i32
      %dma_start3A_1112 = arith.constant 10 : i32
      %dma_start3A_1113 = arith.constant 0 : i32
      %dma_start3A_1114 = tpu.memref_slice %arg6[%dma_start3A_1111, %dma_start3A_1112, %dma_start3A_1113] : memref<2x16x32xi32, #tpu.memory_space<vmem>> -> memref<1x1x32xi32, #tpu.memory_space<vmem>>
      %dma_start3A_1115 = tpu.memref_squeeze %dma_start3A_1114 : memref<1x1x32xi32, #tpu.memory_space<vmem>> -> memref<32xi32, #tpu.memory_space<vmem>>
      %dma_start3A_1116 = arith.constant 0 : i32
      %dma_start3A_1117 = arith.constant 0 : i32
      %dma_start3A_1118 = tpu.memref_slice %arg2[%arg0, %dma_start3A_1116, %dma_start3A_1117] : memref<2x10000x64xf32, #tpu.memory_space<hbm>> -> memref<1x10000x64xf32, #tpu.memory_space<hbm>>
      %dma_start3A_1119 = tpu.memref_squeeze %dma_start3A_1118 : memref<1x10000x64xf32, #tpu.memory_space<hbm>> -> memref<10000x64xf32, #tpu.memory_space<hbm>>
      %dma_start3A_1120 = arith.constant 0 : i32
      %dma_start3A_1121 = arith.constant 0 : i32
      %dma_start3A_1122 = tpu.memref_slice %dma_start3A_1119[%dma_start3A_1120, %dma_start3A_1121] : memref<10000x64xf32, #tpu.memory_space<hbm>> -> memref<10000x64xf32, #tpu.memory_space<hbm>>
      tpu.enqueue_indirect_dma source(%dma_start3A_1122 : memref<10000x64xf32, #tpu.memory_space<hbm>>) target(%arg10 : memref<32x64xf32, #tpu.memory_space<vmem>>) offsets(%dma_start3A_1115 : memref<32xi32, #tpu.memory_space<vmem>>) semaphore(%arg16 : memref<!tpu.dma_semaphore, #tpu.memory_space<semaphore_mem>>)
      %dma_wait3A_1123 = arith.constant 1 : i32
      %dma_wait3A_1124 = arith.constant 7 : i32
      %dma_wait3A_1125 = arith.constant 0 : i32
      %dma_wait3A_1126 = tpu.memref_slice %arg6[%dma_wait3A_1123, %dma_wait3A_1124, %dma_wait3A_1125] : memref<2x16x32xi32, #tpu.memory_space<vmem>> -> memref<1x1x32xi32, #tpu.memory_space<vmem>>
      %dma_wait3A_1127 = tpu.memref_squeeze %dma_wait3A_1126 : memref<1x1x32xi32, #tpu.memory_space<vmem>> -> memref<32xi32, #tpu.memory_space<vmem>>
      %dma_wait3A_1128 = arith.constant 0 : i32
      %dma_wait3A_1129 = arith.constant 0 : i32
      %dma_wait3A_1130 = tpu.memref_slice %arg2[%arg0, %dma_wait3A_1128, %dma_wait3A_1129] : memref<2x10000x64xf32, #tpu.memory_space<hbm>> -> memref<1x10000x64xf32, #tpu.memory_space<hbm>>
      %dma_wait3A_1131 = tpu.memref_squeeze %dma_wait3A_1130 : memref<1x10000x64xf32, #tpu.memory_space<hbm>> -> memref<10000x64xf32, #tpu.memory_space<hbm>>
      %dma_wait3A_1132 = arith.constant 0 : i32
      %dma_wait3A_1133 = arith.constant 0 : i32
      %dma_wait3A_1134 = tpu.memref_slice %dma_wait3A_1131[%dma_wait3A_1132, %dma_wait3A_1133] : memref<10000x64xf32, #tpu.memory_space<hbm>> -> memref<10000x64xf32, #tpu.memory_space<hbm>>
      tpu.wait_indirect_dma semaphore(%arg17 : memref<!tpu.dma_semaphore, #tpu.memory_space<semaphore_mem>>) src(%dma_wait3A_1134 : memref<10000x64xf32, #tpu.memory_space<hbm>>) dst(%arg11 : memref<32x64xf32, #tpu.memory_space<vmem>>)
      %dma_start3A_1135 = arith.constant 1 : i32
      %dma_start3A_1136 = arith.constant 7 : i32
      %dma_start3A_1137 = arith.constant 0 : i32
      %dma_start3A_1138 = tpu.memref_slice %arg7[%dma_start3A_1135, %dma_start3A_1136, %dma_start3A_1137] : memref<2x16x32xi32, #tpu.memory_space<vmem>> -> memref<1x1x32xi32, #tpu.memory_space<vmem>>
      %dma_start3A_1139 = tpu.memref_squeeze %dma_start3A_1138 : memref<1x1x32xi32, #tpu.memory_space<vmem>> -> memref<32xi32, #tpu.memory_space<vmem>>
      %dma_start3A_1140 = arith.constant 0 : i32
      %dma_start3A_1141 = arith.constant 0 : i32
      %dma_start3A_1142 = tpu.memref_slice %arg22[%dma_start3A_1140, %dma_start3A_1141] : memref<30080x64xf32, #tpu.memory_space<vmem_shared>> -> memref<30080x64xf32, #tpu.memory_space<vmem_shared>>
      tpu.enqueue_indirect_dma source(%arg11 : memref<32x64xf32, #tpu.memory_space<vmem>>) target(%dma_start3A_1142 : memref<30080x64xf32, #tpu.memory_space<vmem_shared>>) offsets(%dma_start3A_1139 : memref<32xi32, #tpu.memory_space<vmem>>) semaphore(%arg21 : memref<!tpu.dma_semaphore, #tpu.memory_space<semaphore_mem>>) {add = true}
      %dma_wait3A_1143 = arith.constant 1 : i32
      %dma_wait3A_1144 = arith.constant 7 : i32
      %dma_wait3A_1145 = arith.constant 0 : i32
      %dma_wait3A_1146 = tpu.memref_slice %arg7[%dma_wait3A_1143, %dma_wait3A_1144, %dma_wait3A_1145] : memref<2x16x32xi32, #tpu.memory_space<vmem>> -> memref<1x1x32xi32, #tpu.memory_space<vmem>>
      %dma_wait3A_1147 = tpu.memref_squeeze %dma_wait3A_1146 : memref<1x1x32xi32, #tpu.memory_space<vmem>> -> memref<32xi32, #tpu.memory_space<vmem>>
      %dma_wait3A_1148 = arith.constant 0 : i32
      %dma_wait3A_1149 = arith.constant 0 : i32
      %dma_wait3A_1150 = tpu.memref_slice %arg22[%dma_wait3A_1148, %dma_wait3A_1149] : memref<30080x64xf32, #tpu.memory_space<vmem_shared>> -> memref<30080x64xf32, #tpu.memory_space<vmem_shared>>
      tpu.wait_indirect_dma semaphore(%arg21 : memref<!tpu.dma_semaphore, #tpu.memory_space<semaphore_mem>>) src(%arg11 : memref<32x64xf32, #tpu.memory_space<vmem>>) dst(%dma_wait3A_1150 : memref<30080x64xf32, #tpu.memory_space<vmem_shared>>)
      %dma_start3A_1151 = arith.constant 1 : i32
      %dma_start3A_1152 = arith.constant 11 : i32
      %dma_start3A_1153 = arith.constant 0 : i32
      %dma_start3A_1154 = tpu.memref_slice %arg6[%dma_start3A_1151, %dma_start3A_1152, %dma_start3A_1153] : memref<2x16x32xi32, #tpu.memory_space<vmem>> -> memref<1x1x32xi32, #tpu.memory_space<vmem>>
      %dma_start3A_1155 = tpu.memref_squeeze %dma_start3A_1154 : memref<1x1x32xi32, #tpu.memory_space<vmem>> -> memref<32xi32, #tpu.memory_space<vmem>>
      %dma_start3A_1156 = arith.constant 0 : i32
      %dma_start3A_1157 = arith.constant 0 : i32
      %dma_start3A_1158 = tpu.memref_slice %arg2[%arg0, %dma_start3A_1156, %dma_start3A_1157] : memref<2x10000x64xf32, #tpu.memory_space<hbm>> -> memref<1x10000x64xf32, #tpu.memory_space<hbm>>
      %dma_start3A_1159 = tpu.memref_squeeze %dma_start3A_1158 : memref<1x10000x64xf32, #tpu.memory_space<hbm>> -> memref<10000x64xf32, #tpu.memory_space<hbm>>
      %dma_start3A_1160 = arith.constant 0 : i32
      %dma_start3A_1161 = arith.constant 0 : i32
      %dma_start3A_1162 = tpu.memref_slice %dma_start3A_1159[%dma_start3A_1160, %dma_start3A_1161] : memref<10000x64xf32, #tpu.memory_space<hbm>> -> memref<10000x64xf32, #tpu.memory_space<hbm>>
      tpu.enqueue_indirect_dma source(%dma_start3A_1162 : memref<10000x64xf32, #tpu.memory_space<hbm>>) target(%arg11 : memref<32x64xf32, #tpu.memory_space<vmem>>) offsets(%dma_start3A_1155 : memref<32xi32, #tpu.memory_space<vmem>>) semaphore(%arg17 : memref<!tpu.dma_semaphore, #tpu.memory_space<semaphore_mem>>)
      %dma_wait3A_1163 = arith.constant 1 : i32
      %dma_wait3A_1164 = arith.constant 8 : i32
      %dma_wait3A_1165 = arith.constant 0 : i32
      %dma_wait3A_1166 = tpu.memref_slice %arg6[%dma_wait3A_1163, %dma_wait3A_1164, %dma_wait3A_1165] : memref<2x16x32xi32, #tpu.memory_space<vmem>> -> memref<1x1x32xi32, #tpu.memory_space<vmem>>
      %dma_wait3A_1167 = tpu.memref_squeeze %dma_wait3A_1166 : memref<1x1x32xi32, #tpu.memory_space<vmem>> -> memref<32xi32, #tpu.memory_space<vmem>>
      %dma_wait3A_1168 = arith.constant 0 : i32
      %dma_wait3A_1169 = arith.constant 0 : i32
      %dma_wait3A_1170 = tpu.memref_slice %arg2[%arg0, %dma_wait3A_1168, %dma_wait3A_1169] : memref<2x10000x64xf32, #tpu.memory_space<hbm>> -> memref<1x10000x64xf32, #tpu.memory_space<hbm>>
      %dma_wait3A_1171 = tpu.memref_squeeze %dma_wait3A_1170 : memref<1x10000x64xf32, #tpu.memory_space<hbm>> -> memref<10000x64xf32, #tpu.memory_space<hbm>>
      %dma_wait3A_1172 = arith.constant 0 : i32
      %dma_wait3A_1173 = arith.constant 0 : i32
      %dma_wait3A_1174 = tpu.memref_slice %dma_wait3A_1171[%dma_wait3A_1172, %dma_wait3A_1173] : memref<10000x64xf32, #tpu.memory_space<hbm>> -> memref<10000x64xf32, #tpu.memory_space<hbm>>
      tpu.wait_indirect_dma semaphore(%arg14 : memref<!tpu.dma_semaphore, #tpu.memory_space<semaphore_mem>>) src(%dma_wait3A_1174 : memref<10000x64xf32, #tpu.memory_space<hbm>>) dst(%arg8 : memref<32x64xf32, #tpu.memory_space<vmem>>)
      %dma_start3A_1175 = arith.constant 1 : i32
      %dma_start3A_1176 = arith.constant 8 : i32
      %dma_start3A_1177 = arith.constant 0 : i32
      %dma_start3A_1178 = tpu.memref_slice %arg7[%dma_start3A_1175, %dma_start3A_1176, %dma_start3A_1177] : memref<2x16x32xi32, #tpu.memory_space<vmem>> -> memref<1x1x32xi32, #tpu.memory_space<vmem>>
      %dma_start3A_1179 = tpu.memref_squeeze %dma_start3A_1178 : memref<1x1x32xi32, #tpu.memory_space<vmem>> -> memref<32xi32, #tpu.memory_space<vmem>>
      %dma_start3A_1180 = arith.constant 0 : i32
      %dma_start3A_1181 = arith.constant 0 : i32
      %dma_start3A_1182 = tpu.memref_slice %arg22[%dma_start3A_1180, %dma_start3A_1181] : memref<30080x64xf32, #tpu.memory_space<vmem_shared>> -> memref<30080x64xf32, #tpu.memory_space<vmem_shared>>
      tpu.enqueue_indirect_dma source(%arg8 : memref<32x64xf32, #tpu.memory_space<vmem>>) target(%dma_start3A_1182 : memref<30080x64xf32, #tpu.memory_space<vmem_shared>>) offsets(%dma_start3A_1179 : memref<32xi32, #tpu.memory_space<vmem>>) semaphore(%arg18 : memref<!tpu.dma_semaphore, #tpu.memory_space<semaphore_mem>>) {add = true}
      %dma_wait3A_1183 = arith.constant 1 : i32
      %dma_wait3A_1184 = arith.constant 8 : i32
      %dma_wait3A_1185 = arith.constant 0 : i32
      %dma_wait3A_1186 = tpu.memref_slice %arg7[%dma_wait3A_1183, %dma_wait3A_1184, %dma_wait3A_1185] : memref<2x16x32xi32, #tpu.memory_space<vmem>> -> memref<1x1x32xi32, #tpu.memory_space<vmem>>
      %dma_wait3A_1187 = tpu.memref_squeeze %dma_wait3A_1186 : memref<1x1x32xi32, #tpu.memory_space<vmem>> -> memref<32xi32, #tpu.memory_space<vmem>>
      %dma_wait3A_1188 = arith.constant 0 : i32
      %dma_wait3A_1189 = arith.constant 0 : i32
      %dma_wait3A_1190 = tpu.memref_slice %arg22[%dma_wait3A_1188, %dma_wait3A_1189] : memref<30080x64xf32, #tpu.memory_space<vmem_shared>> -> memref<30080x64xf32, #tpu.memory_space<vmem_shared>>
      tpu.wait_indirect_dma semaphore(%arg18 : memref<!tpu.dma_semaphore, #tpu.memory_space<semaphore_mem>>) src(%arg8 : memref<32x64xf32, #tpu.memory_space<vmem>>) dst(%dma_wait3A_1190 : memref<30080x64xf32, #tpu.memory_space<vmem_shared>>)
      %dma_start3A_1191 = arith.constant 1 : i32
      %dma_start3A_1192 = arith.constant 12 : i32
      %dma_start3A_1193 = arith.constant 0 : i32
      %dma_start3A_1194 = tpu.memref_slice %arg6[%dma_start3A_1191, %dma_start3A_1192, %dma_start3A_1193] : memref<2x16x32xi32, #tpu.memory_space<vmem>> -> memref<1x1x32xi32, #tpu.memory_space<vmem>>
      %dma_start3A_1195 = tpu.memref_squeeze %dma_start3A_1194 : memref<1x1x32xi32, #tpu.memory_space<vmem>> -> memref<32xi32, #tpu.memory_space<vmem>>
      %dma_start3A_1196 = arith.constant 0 : i32
      %dma_start3A_1197 = arith.constant 0 : i32
      %dma_start3A_1198 = tpu.memref_slice %arg2[%arg0, %dma_start3A_1196, %dma_start3A_1197] : memref<2x10000x64xf32, #tpu.memory_space<hbm>> -> memref<1x10000x64xf32, #tpu.memory_space<hbm>>
      %dma_start3A_1199 = tpu.memref_squeeze %dma_start3A_1198 : memref<1x10000x64xf32, #tpu.memory_space<hbm>> -> memref<10000x64xf32, #tpu.memory_space<hbm>>
      %dma_start3A_1200 = arith.constant 0 : i32
      %dma_start3A_1201 = arith.constant 0 : i32
      %dma_start3A_1202 = tpu.memref_slice %dma_start3A_1199[%dma_start3A_1200, %dma_start3A_1201] : memref<10000x64xf32, #tpu.memory_space<hbm>> -> memref<10000x64xf32, #tpu.memory_space<hbm>>
      tpu.enqueue_indirect_dma source(%dma_start3A_1202 : memref<10000x64xf32, #tpu.memory_space<hbm>>) target(%arg8 : memref<32x64xf32, #tpu.memory_space<vmem>>) offsets(%dma_start3A_1195 : memref<32xi32, #tpu.memory_space<vmem>>) semaphore(%arg14 : memref<!tpu.dma_semaphore, #tpu.memory_space<semaphore_mem>>)
      %dma_wait3A_1203 = arith.constant 1 : i32
      %dma_wait3A_1204 = arith.constant 9 : i32
      %dma_wait3A_1205 = arith.constant 0 : i32
      %dma_wait3A_1206 = tpu.memref_slice %arg6[%dma_wait3A_1203, %dma_wait3A_1204, %dma_wait3A_1205] : memref<2x16x32xi32, #tpu.memory_space<vmem>> -> memref<1x1x32xi32, #tpu.memory_space<vmem>>
      %dma_wait3A_1207 = tpu.memref_squeeze %dma_wait3A_1206 : memref<1x1x32xi32, #tpu.memory_space<vmem>> -> memref<32xi32, #tpu.memory_space<vmem>>
      %dma_wait3A_1208 = arith.constant 0 : i32
      %dma_wait3A_1209 = arith.constant 0 : i32
      %dma_wait3A_1210 = tpu.memref_slice %arg2[%arg0, %dma_wait3A_1208, %dma_wait3A_1209] : memref<2x10000x64xf32, #tpu.memory_space<hbm>> -> memref<1x10000x64xf32, #tpu.memory_space<hbm>>
      %dma_wait3A_1211 = tpu.memref_squeeze %dma_wait3A_1210 : memref<1x10000x64xf32, #tpu.memory_space<hbm>> -> memref<10000x64xf32, #tpu.memory_space<hbm>>
      %dma_wait3A_1212 = arith.constant 0 : i32
      %dma_wait3A_1213 = arith.constant 0 : i32
      %dma_wait3A_1214 = tpu.memref_slice %dma_wait3A_1211[%dma_wait3A_1212, %dma_wait3A_1213] : memref<10000x64xf32, #tpu.memory_space<hbm>> -> memref<10000x64xf32, #tpu.memory_space<hbm>>
      tpu.wait_indirect_dma semaphore(%arg15 : memref<!tpu.dma_semaphore, #tpu.memory_space<semaphore_mem>>) src(%dma_wait3A_1214 : memref<10000x64xf32, #tpu.memory_space<hbm>>) dst(%arg9 : memref<32x64xf32, #tpu.memory_space<vmem>>)
      %dma_start3A_1215 = arith.constant 1 : i32
      %dma_start3A_1216 = arith.constant 9 : i32
      %dma_start3A_1217 = arith.constant 0 : i32
      %dma_start3A_1218 = tpu.memref_slice %arg7[%dma_start3A_1215, %dma_start3A_1216, %dma_start3A_1217] : memref<2x16x32xi32, #tpu.memory_space<vmem>> -> memref<1x1x32xi32, #tpu.memory_space<vmem>>
      %dma_start3A_1219 = tpu.memref_squeeze %dma_start3A_1218 : memref<1x1x32xi32, #tpu.memory_space<vmem>> -> memref<32xi32, #tpu.memory_space<vmem>>
      %dma_start3A_1220 = arith.constant 0 : i32
      %dma_start3A_1221 = arith.constant 0 : i32
      %dma_start3A_1222 = tpu.memref_slice %arg22[%dma_start3A_1220, %dma_start3A_1221] : memref<30080x64xf32, #tpu.memory_space<vmem_shared>> -> memref<30080x64xf32, #tpu.memory_space<vmem_shared>>
      tpu.enqueue_indirect_dma source(%arg9 : memref<32x64xf32, #tpu.memory_space<vmem>>) target(%dma_start3A_1222 : memref<30080x64xf32, #tpu.memory_space<vmem_shared>>) offsets(%dma_start3A_1219 : memref<32xi32, #tpu.memory_space<vmem>>) semaphore(%arg19 : memref<!tpu.dma_semaphore, #tpu.memory_space<semaphore_mem>>) {add = true}
      %dma_wait3A_1223 = arith.constant 1 : i32
      %dma_wait3A_1224 = arith.constant 9 : i32
      %dma_wait3A_1225 = arith.constant 0 : i32
      %dma_wait3A_1226 = tpu.memref_slice %arg7[%dma_wait3A_1223, %dma_wait3A_1224, %dma_wait3A_1225] : memref<2x16x32xi32, #tpu.memory_space<vmem>> -> memref<1x1x32xi32, #tpu.memory_space<vmem>>
      %dma_wait3A_1227 = tpu.memref_squeeze %dma_wait3A_1226 : memref<1x1x32xi32, #tpu.memory_space<vmem>> -> memref<32xi32, #tpu.memory_space<vmem>>
      %dma_wait3A_1228 = arith.constant 0 : i32
      %dma_wait3A_1229 = arith.constant 0 : i32
      %dma_wait3A_1230 = tpu.memref_slice %arg22[%dma_wait3A_1228, %dma_wait3A_1229] : memref<30080x64xf32, #tpu.memory_space<vmem_shared>> -> memref<30080x64xf32, #tpu.memory_space<vmem_shared>>
      tpu.wait_indirect_dma semaphore(%arg19 : memref<!tpu.dma_semaphore, #tpu.memory_space<semaphore_mem>>) src(%arg9 : memref<32x64xf32, #tpu.memory_space<vmem>>) dst(%dma_wait3A_1230 : memref<30080x64xf32, #tpu.memory_space<vmem_shared>>)
      %dma_start3A_1231 = arith.constant 1 : i32
      %dma_start3A_1232 = arith.constant 13 : i32
      %dma_start3A_1233 = arith.constant 0 : i32
      %dma_start3A_1234 = tpu.memref_slice %arg6[%dma_start3A_1231, %dma_start3A_1232, %dma_start3A_1233] : memref<2x16x32xi32, #tpu.memory_space<vmem>> -> memref<1x1x32xi32, #tpu.memory_space<vmem>>
      %dma_start3A_1235 = tpu.memref_squeeze %dma_start3A_1234 : memref<1x1x32xi32, #tpu.memory_space<vmem>> -> memref<32xi32, #tpu.memory_space<vmem>>
      %dma_start3A_1236 = arith.constant 0 : i32
      %dma_start3A_1237 = arith.constant 0 : i32
      %dma_start3A_1238 = tpu.memref_slice %arg2[%arg0, %dma_start3A_1236, %dma_start3A_1237] : memref<2x10000x64xf32, #tpu.memory_space<hbm>> -> memref<1x10000x64xf32, #tpu.memory_space<hbm>>
      %dma_start3A_1239 = tpu.memref_squeeze %dma_start3A_1238 : memref<1x10000x64xf32, #tpu.memory_space<hbm>> -> memref<10000x64xf32, #tpu.memory_space<hbm>>
      %dma_start3A_1240 = arith.constant 0 : i32
      %dma_start3A_1241 = arith.constant 0 : i32
      %dma_start3A_1242 = tpu.memref_slice %dma_start3A_1239[%dma_start3A_1240, %dma_start3A_1241] : memref<10000x64xf32, #tpu.memory_space<hbm>> -> memref<10000x64xf32, #tpu.memory_space<hbm>>
      tpu.enqueue_indirect_dma source(%dma_start3A_1242 : memref<10000x64xf32, #tpu.memory_space<hbm>>) target(%arg9 : memref<32x64xf32, #tpu.memory_space<vmem>>) offsets(%dma_start3A_1235 : memref<32xi32, #tpu.memory_space<vmem>>) semaphore(%arg15 : memref<!tpu.dma_semaphore, #tpu.memory_space<semaphore_mem>>)
      %dma_wait3A_1243 = arith.constant 1 : i32
      %dma_wait3A_1244 = arith.constant 10 : i32
      %dma_wait3A_1245 = arith.constant 0 : i32
      %dma_wait3A_1246 = tpu.memref_slice %arg6[%dma_wait3A_1243, %dma_wait3A_1244, %dma_wait3A_1245] : memref<2x16x32xi32, #tpu.memory_space<vmem>> -> memref<1x1x32xi32, #tpu.memory_space<vmem>>
      %dma_wait3A_1247 = tpu.memref_squeeze %dma_wait3A_1246 : memref<1x1x32xi32, #tpu.memory_space<vmem>> -> memref<32xi32, #tpu.memory_space<vmem>>
      %dma_wait3A_1248 = arith.constant 0 : i32
      %dma_wait3A_1249 = arith.constant 0 : i32
      %dma_wait3A_1250 = tpu.memref_slice %arg2[%arg0, %dma_wait3A_1248, %dma_wait3A_1249] : memref<2x10000x64xf32, #tpu.memory_space<hbm>> -> memref<1x10000x64xf32, #tpu.memory_space<hbm>>
      %dma_wait3A_1251 = tpu.memref_squeeze %dma_wait3A_1250 : memref<1x10000x64xf32, #tpu.memory_space<hbm>> -> memref<10000x64xf32, #tpu.memory_space<hbm>>
      %dma_wait3A_1252 = arith.constant 0 : i32
      %dma_wait3A_1253 = arith.constant 0 : i32
      %dma_wait3A_1254 = tpu.memref_slice %dma_wait3A_1251[%dma_wait3A_1252, %dma_wait3A_1253] : memref<10000x64xf32, #tpu.memory_space<hbm>> -> memref<10000x64xf32, #tpu.memory_space<hbm>>
      tpu.wait_indirect_dma semaphore(%arg16 : memref<!tpu.dma_semaphore, #tpu.memory_space<semaphore_mem>>) src(%dma_wait3A_1254 : memref<10000x64xf32, #tpu.memory_space<hbm>>) dst(%arg10 : memref<32x64xf32, #tpu.memory_space<vmem>>)
      %dma_start3A_1255 = arith.constant 1 : i32
      %dma_start3A_1256 = arith.constant 10 : i32
      %dma_start3A_1257 = arith.constant 0 : i32
      %dma_start3A_1258 = tpu.memref_slice %arg7[%dma_start3A_1255, %dma_start3A_1256, %dma_start3A_1257] : memref<2x16x32xi32, #tpu.memory_space<vmem>> -> memref<1x1x32xi32, #tpu.memory_space<vmem>>
      %dma_start3A_1259 = tpu.memref_squeeze %dma_start3A_1258 : memref<1x1x32xi32, #tpu.memory_space<vmem>> -> memref<32xi32, #tpu.memory_space<vmem>>
      %dma_start3A_1260 = arith.constant 0 : i32
      %dma_start3A_1261 = arith.constant 0 : i32
      %dma_start3A_1262 = tpu.memref_slice %arg22[%dma_start3A_1260, %dma_start3A_1261] : memref<30080x64xf32, #tpu.memory_space<vmem_shared>> -> memref<30080x64xf32, #tpu.memory_space<vmem_shared>>
      tpu.enqueue_indirect_dma source(%arg10 : memref<32x64xf32, #tpu.memory_space<vmem>>) target(%dma_start3A_1262 : memref<30080x64xf32, #tpu.memory_space<vmem_shared>>) offsets(%dma_start3A_1259 : memref<32xi32, #tpu.memory_space<vmem>>) semaphore(%arg20 : memref<!tpu.dma_semaphore, #tpu.memory_space<semaphore_mem>>) {add = true}
      %dma_wait3A_1263 = arith.constant 1 : i32
      %dma_wait3A_1264 = arith.constant 10 : i32
      %dma_wait3A_1265 = arith.constant 0 : i32
      %dma_wait3A_1266 = tpu.memref_slice %arg7[%dma_wait3A_1263, %dma_wait3A_1264, %dma_wait3A_1265] : memref<2x16x32xi32, #tpu.memory_space<vmem>> -> memref<1x1x32xi32, #tpu.memory_space<vmem>>
      %dma_wait3A_1267 = tpu.memref_squeeze %dma_wait3A_1266 : memref<1x1x32xi32, #tpu.memory_space<vmem>> -> memref<32xi32, #tpu.memory_space<vmem>>
      %dma_wait3A_1268 = arith.constant 0 : i32
      %dma_wait3A_1269 = arith.constant 0 : i32
      %dma_wait3A_1270 = tpu.memref_slice %arg22[%dma_wait3A_1268, %dma_wait3A_1269] : memref<30080x64xf32, #tpu.memory_space<vmem_shared>> -> memref<30080x64xf32, #tpu.memory_space<vmem_shared>>
      tpu.wait_indirect_dma semaphore(%arg20 : memref<!tpu.dma_semaphore, #tpu.memory_space<semaphore_mem>>) src(%arg10 : memref<32x64xf32, #tpu.memory_space<vmem>>) dst(%dma_wait3A_1270 : memref<30080x64xf32, #tpu.memory_space<vmem_shared>>)
      %dma_start3A_1271 = arith.constant 1 : i32
      %dma_start3A_1272 = arith.constant 14 : i32
      %dma_start3A_1273 = arith.constant 0 : i32
      %dma_start3A_1274 = tpu.memref_slice %arg6[%dma_start3A_1271, %dma_start3A_1272, %dma_start3A_1273] : memref<2x16x32xi32, #tpu.memory_space<vmem>> -> memref<1x1x32xi32, #tpu.memory_space<vmem>>
      %dma_start3A_1275 = tpu.memref_squeeze %dma_start3A_1274 : memref<1x1x32xi32, #tpu.memory_space<vmem>> -> memref<32xi32, #tpu.memory_space<vmem>>
      %dma_start3A_1276 = arith.constant 0 : i32
      %dma_start3A_1277 = arith.constant 0 : i32
      %dma_start3A_1278 = tpu.memref_slice %arg2[%arg0, %dma_start3A_1276, %dma_start3A_1277] : memref<2x10000x64xf32, #tpu.memory_space<hbm>> -> memref<1x10000x64xf32, #tpu.memory_space<hbm>>
      %dma_start3A_1279 = tpu.memref_squeeze %dma_start3A_1278 : memref<1x10000x64xf32, #tpu.memory_space<hbm>> -> memref<10000x64xf32, #tpu.memory_space<hbm>>
      %dma_start3A_1280 = arith.constant 0 : i32
      %dma_start3A_1281 = arith.constant 0 : i32
      %dma_start3A_1282 = tpu.memref_slice %dma_start3A_1279[%dma_start3A_1280, %dma_start3A_1281] : memref<10000x64xf32, #tpu.memory_space<hbm>> -> memref<10000x64xf32, #tpu.memory_space<hbm>>
      tpu.enqueue_indirect_dma source(%dma_start3A_1282 : memref<10000x64xf32, #tpu.memory_space<hbm>>) target(%arg10 : memref<32x64xf32, #tpu.memory_space<vmem>>) offsets(%dma_start3A_1275 : memref<32xi32, #tpu.memory_space<vmem>>) semaphore(%arg16 : memref<!tpu.dma_semaphore, #tpu.memory_space<semaphore_mem>>)
      %dma_wait3A_1283 = arith.constant 1 : i32
      %dma_wait3A_1284 = arith.constant 11 : i32
      %dma_wait3A_1285 = arith.constant 0 : i32
      %dma_wait3A_1286 = tpu.memref_slice %arg6[%dma_wait3A_1283, %dma_wait3A_1284, %dma_wait3A_1285] : memref<2x16x32xi32, #tpu.memory_space<vmem>> -> memref<1x1x32xi32, #tpu.memory_space<vmem>>
      %dma_wait3A_1287 = tpu.memref_squeeze %dma_wait3A_1286 : memref<1x1x32xi32, #tpu.memory_space<vmem>> -> memref<32xi32, #tpu.memory_space<vmem>>
      %dma_wait3A_1288 = arith.constant 0 : i32
      %dma_wait3A_1289 = arith.constant 0 : i32
      %dma_wait3A_1290 = tpu.memref_slice %arg2[%arg0, %dma_wait3A_1288, %dma_wait3A_1289] : memref<2x10000x64xf32, #tpu.memory_space<hbm>> -> memref<1x10000x64xf32, #tpu.memory_space<hbm>>
      %dma_wait3A_1291 = tpu.memref_squeeze %dma_wait3A_1290 : memref<1x10000x64xf32, #tpu.memory_space<hbm>> -> memref<10000x64xf32, #tpu.memory_space<hbm>>
      %dma_wait3A_1292 = arith.constant 0 : i32
      %dma_wait3A_1293 = arith.constant 0 : i32
      %dma_wait3A_1294 = tpu.memref_slice %dma_wait3A_1291[%dma_wait3A_1292, %dma_wait3A_1293] : memref<10000x64xf32, #tpu.memory_space<hbm>> -> memref<10000x64xf32, #tpu.memory_space<hbm>>
      tpu.wait_indirect_dma semaphore(%arg17 : memref<!tpu.dma_semaphore, #tpu.memory_space<semaphore_mem>>) src(%dma_wait3A_1294 : memref<10000x64xf32, #tpu.memory_space<hbm>>) dst(%arg11 : memref<32x64xf32, #tpu.memory_space<vmem>>)
      %dma_start3A_1295 = arith.constant 1 : i32
      %dma_start3A_1296 = arith.constant 11 : i32
      %dma_start3A_1297 = arith.constant 0 : i32
      %dma_start3A_1298 = tpu.memref_slice %arg7[%dma_start3A_1295, %dma_start3A_1296, %dma_start3A_1297] : memref<2x16x32xi32, #tpu.memory_space<vmem>> -> memref<1x1x32xi32, #tpu.memory_space<vmem>>
      %dma_start3A_1299 = tpu.memref_squeeze %dma_start3A_1298 : memref<1x1x32xi32, #tpu.memory_space<vmem>> -> memref<32xi32, #tpu.memory_space<vmem>>
      %dma_start3A_1300 = arith.constant 0 : i32
      %dma_start3A_1301 = arith.constant 0 : i32
      %dma_start3A_1302 = tpu.memref_slice %arg22[%dma_start3A_1300, %dma_start3A_1301] : memref<30080x64xf32, #tpu.memory_space<vmem_shared>> -> memref<30080x64xf32, #tpu.memory_space<vmem_shared>>
      tpu.enqueue_indirect_dma source(%arg11 : memref<32x64xf32, #tpu.memory_space<vmem>>) target(%dma_start3A_1302 : memref<30080x64xf32, #tpu.memory_space<vmem_shared>>) offsets(%dma_start3A_1299 : memref<32xi32, #tpu.memory_space<vmem>>) semaphore(%arg21 : memref<!tpu.dma_semaphore, #tpu.memory_space<semaphore_mem>>) {add = true}
      %dma_wait3A_1303 = arith.constant 1 : i32
      %dma_wait3A_1304 = arith.constant 11 : i32
      %dma_wait3A_1305 = arith.constant 0 : i32
      %dma_wait3A_1306 = tpu.memref_slice %arg7[%dma_wait3A_1303, %dma_wait3A_1304, %dma_wait3A_1305] : memref<2x16x32xi32, #tpu.memory_space<vmem>> -> memref<1x1x32xi32, #tpu.memory_space<vmem>>
      %dma_wait3A_1307 = tpu.memref_squeeze %dma_wait3A_1306 : memref<1x1x32xi32, #tpu.memory_space<vmem>> -> memref<32xi32, #tpu.memory_space<vmem>>
      %dma_wait3A_1308 = arith.constant 0 : i32
      %dma_wait3A_1309 = arith.constant 0 : i32
      %dma_wait3A_1310 = tpu.memref_slice %arg22[%dma_wait3A_1308, %dma_wait3A_1309] : memref<30080x64xf32, #tpu.memory_space<vmem_shared>> -> memref<30080x64xf32, #tpu.memory_space<vmem_shared>>
      tpu.wait_indirect_dma semaphore(%arg21 : memref<!tpu.dma_semaphore, #tpu.memory_space<semaphore_mem>>) src(%arg11 : memref<32x64xf32, #tpu.memory_space<vmem>>) dst(%dma_wait3A_1310 : memref<30080x64xf32, #tpu.memory_space<vmem_shared>>)
      %dma_start3A_1311 = arith.constant 1 : i32
      %dma_start3A_1312 = arith.constant 15 : i32
      %dma_start3A_1313 = arith.constant 0 : i32
      %dma_start3A_1314 = tpu.memref_slice %arg6[%dma_start3A_1311, %dma_start3A_1312, %dma_start3A_1313] : memref<2x16x32xi32, #tpu.memory_space<vmem>> -> memref<1x1x32xi32, #tpu.memory_space<vmem>>
      %dma_start3A_1315 = tpu.memref_squeeze %dma_start3A_1314 : memref<1x1x32xi32, #tpu.memory_space<vmem>> -> memref<32xi32, #tpu.memory_space<vmem>>
      %dma_start3A_1316 = arith.constant 0 : i32
      %dma_start3A_1317 = arith.constant 0 : i32
      %dma_start3A_1318 = tpu.memref_slice %arg2[%arg0, %dma_start3A_1316, %dma_start3A_1317] : memref<2x10000x64xf32, #tpu.memory_space<hbm>> -> memref<1x10000x64xf32, #tpu.memory_space<hbm>>
      %dma_start3A_1319 = tpu.memref_squeeze %dma_start3A_1318 : memref<1x10000x64xf32, #tpu.memory_space<hbm>> -> memref<10000x64xf32, #tpu.memory_space<hbm>>
      %dma_start3A_1320 = arith.constant 0 : i32
      %dma_start3A_1321 = arith.constant 0 : i32
      %dma_start3A_1322 = tpu.memref_slice %dma_start3A_1319[%dma_start3A_1320, %dma_start3A_1321] : memref<10000x64xf32, #tpu.memory_space<hbm>> -> memref<10000x64xf32, #tpu.memory_space<hbm>>
      tpu.enqueue_indirect_dma source(%dma_start3A_1322 : memref<10000x64xf32, #tpu.memory_space<hbm>>) target(%arg11 : memref<32x64xf32, #tpu.memory_space<vmem>>) offsets(%dma_start3A_1315 : memref<32xi32, #tpu.memory_space<vmem>>) semaphore(%arg17 : memref<!tpu.dma_semaphore, #tpu.memory_space<semaphore_mem>>)
      %dma_wait3A_1323 = arith.constant 1 : i32
      %dma_wait3A_1324 = arith.constant 12 : i32
      %dma_wait3A_1325 = arith.constant 0 : i32
      %dma_wait3A_1326 = tpu.memref_slice %arg6[%dma_wait3A_1323, %dma_wait3A_1324, %dma_wait3A_1325] : memref<2x16x32xi32, #tpu.memory_space<vmem>> -> memref<1x1x32xi32, #tpu.memory_space<vmem>>
      %dma_wait3A_1327 = tpu.memref_squeeze %dma_wait3A_1326 : memref<1x1x32xi32, #tpu.memory_space<vmem>> -> memref<32xi32, #tpu.memory_space<vmem>>
      %dma_wait3A_1328 = arith.constant 0 : i32
      %dma_wait3A_1329 = arith.constant 0 : i32
      %dma_wait3A_1330 = tpu.memref_slice %arg2[%arg0, %dma_wait3A_1328, %dma_wait3A_1329] : memref<2x10000x64xf32, #tpu.memory_space<hbm>> -> memref<1x10000x64xf32, #tpu.memory_space<hbm>>
      %dma_wait3A_1331 = tpu.memref_squeeze %dma_wait3A_1330 : memref<1x10000x64xf32, #tpu.memory_space<hbm>> -> memref<10000x64xf32, #tpu.memory_space<hbm>>
      %dma_wait3A_1332 = arith.constant 0 : i32
      %dma_wait3A_1333 = arith.constant 0 : i32
      %dma_wait3A_1334 = tpu.memref_slice %dma_wait3A_1331[%dma_wait3A_1332, %dma_wait3A_1333] : memref<10000x64xf32, #tpu.memory_space<hbm>> -> memref<10000x64xf32, #tpu.memory_space<hbm>>
      tpu.wait_indirect_dma semaphore(%arg14 : memref<!tpu.dma_semaphore, #tpu.memory_space<semaphore_mem>>) src(%dma_wait3A_1334 : memref<10000x64xf32, #tpu.memory_space<hbm>>) dst(%arg8 : memref<32x64xf32, #tpu.memory_space<vmem>>)
      %dma_start3A_1335 = arith.constant 1 : i32
      %dma_start3A_1336 = arith.constant 12 : i32
      %dma_start3A_1337 = arith.constant 0 : i32
      %dma_start3A_1338 = tpu.memref_slice %arg7[%dma_start3A_1335, %dma_start3A_1336, %dma_start3A_1337] : memref<2x16x32xi32, #tpu.memory_space<vmem>> -> memref<1x1x32xi32, #tpu.memory_space<vmem>>
      %dma_start3A_1339 = tpu.memref_squeeze %dma_start3A_1338 : memref<1x1x32xi32, #tpu.memory_space<vmem>> -> memref<32xi32, #tpu.memory_space<vmem>>
      %dma_start3A_1340 = arith.constant 0 : i32
      %dma_start3A_1341 = arith.constant 0 : i32
      %dma_start3A_1342 = tpu.memref_slice %arg22[%dma_start3A_1340, %dma_start3A_1341] : memref<30080x64xf32, #tpu.memory_space<vmem_shared>> -> memref<30080x64xf32, #tpu.memory_space<vmem_shared>>
      tpu.enqueue_indirect_dma source(%arg8 : memref<32x64xf32, #tpu.memory_space<vmem>>) target(%dma_start3A_1342 : memref<30080x64xf32, #tpu.memory_space<vmem_shared>>) offsets(%dma_start3A_1339 : memref<32xi32, #tpu.memory_space<vmem>>) semaphore(%arg18 : memref<!tpu.dma_semaphore, #tpu.memory_space<semaphore_mem>>) {add = true}
      %dma_wait3A_1343 = arith.constant 1 : i32
      %dma_wait3A_1344 = arith.constant 13 : i32
      %dma_wait3A_1345 = arith.constant 0 : i32
      %dma_wait3A_1346 = tpu.memref_slice %arg6[%dma_wait3A_1343, %dma_wait3A_1344, %dma_wait3A_1345] : memref<2x16x32xi32, #tpu.memory_space<vmem>> -> memref<1x1x32xi32, #tpu.memory_space<vmem>>
      %dma_wait3A_1347 = tpu.memref_squeeze %dma_wait3A_1346 : memref<1x1x32xi32, #tpu.memory_space<vmem>> -> memref<32xi32, #tpu.memory_space<vmem>>
      %dma_wait3A_1348 = arith.constant 0 : i32
      %dma_wait3A_1349 = arith.constant 0 : i32
      %dma_wait3A_1350 = tpu.memref_slice %arg2[%arg0, %dma_wait3A_1348, %dma_wait3A_1349] : memref<2x10000x64xf32, #tpu.memory_space<hbm>> -> memref<1x10000x64xf32, #tpu.memory_space<hbm>>
      %dma_wait3A_1351 = tpu.memref_squeeze %dma_wait3A_1350 : memref<1x10000x64xf32, #tpu.memory_space<hbm>> -> memref<10000x64xf32, #tpu.memory_space<hbm>>
      %dma_wait3A_1352 = arith.constant 0 : i32
      %dma_wait3A_1353 = arith.constant 0 : i32
      %dma_wait3A_1354 = tpu.memref_slice %dma_wait3A_1351[%dma_wait3A_1352, %dma_wait3A_1353] : memref<10000x64xf32, #tpu.memory_space<hbm>> -> memref<10000x64xf32, #tpu.memory_space<hbm>>
      tpu.wait_indirect_dma semaphore(%arg15 : memref<!tpu.dma_semaphore, #tpu.memory_space<semaphore_mem>>) src(%dma_wait3A_1354 : memref<10000x64xf32, #tpu.memory_space<hbm>>) dst(%arg9 : memref<32x64xf32, #tpu.memory_space<vmem>>)
      %dma_start3A_1355 = arith.constant 1 : i32
      %dma_start3A_1356 = arith.constant 13 : i32
      %dma_start3A_1357 = arith.constant 0 : i32
      %dma_start3A_1358 = tpu.memref_slice %arg7[%dma_start3A_1355, %dma_start3A_1356, %dma_start3A_1357] : memref<2x16x32xi32, #tpu.memory_space<vmem>> -> memref<1x1x32xi32, #tpu.memory_space<vmem>>
      %dma_start3A_1359 = tpu.memref_squeeze %dma_start3A_1358 : memref<1x1x32xi32, #tpu.memory_space<vmem>> -> memref<32xi32, #tpu.memory_space<vmem>>
      %dma_start3A_1360 = arith.constant 0 : i32
      %dma_start3A_1361 = arith.constant 0 : i32
      %dma_start3A_1362 = tpu.memref_slice %arg22[%dma_start3A_1360, %dma_start3A_1361] : memref<30080x64xf32, #tpu.memory_space<vmem_shared>> -> memref<30080x64xf32, #tpu.memory_space<vmem_shared>>
      tpu.enqueue_indirect_dma source(%arg9 : memref<32x64xf32, #tpu.memory_space<vmem>>) target(%dma_start3A_1362 : memref<30080x64xf32, #tpu.memory_space<vmem_shared>>) offsets(%dma_start3A_1359 : memref<32xi32, #tpu.memory_space<vmem>>) semaphore(%arg19 : memref<!tpu.dma_semaphore, #tpu.memory_space<semaphore_mem>>) {add = true}
      %dma_wait3A_1363 = arith.constant 1 : i32
      %dma_wait3A_1364 = arith.constant 14 : i32
      %dma_wait3A_1365 = arith.constant 0 : i32
      %dma_wait3A_1366 = tpu.memref_slice %arg6[%dma_wait3A_1363, %dma_wait3A_1364, %dma_wait3A_1365] : memref<2x16x32xi32, #tpu.memory_space<vmem>> -> memref<1x1x32xi32, #tpu.memory_space<vmem>>
      %dma_wait3A_1367 = tpu.memref_squeeze %dma_wait3A_1366 : memref<1x1x32xi32, #tpu.memory_space<vmem>> -> memref<32xi32, #tpu.memory_space<vmem>>
      %dma_wait3A_1368 = arith.constant 0 : i32
      %dma_wait3A_1369 = arith.constant 0 : i32
      %dma_wait3A_1370 = tpu.memref_slice %arg2[%arg0, %dma_wait3A_1368, %dma_wait3A_1369] : memref<2x10000x64xf32, #tpu.memory_space<hbm>> -> memref<1x10000x64xf32, #tpu.memory_space<hbm>>
      %dma_wait3A_1371 = tpu.memref_squeeze %dma_wait3A_1370 : memref<1x10000x64xf32, #tpu.memory_space<hbm>> -> memref<10000x64xf32, #tpu.memory_space<hbm>>
      %dma_wait3A_1372 = arith.constant 0 : i32
      %dma_wait3A_1373 = arith.constant 0 : i32
      %dma_wait3A_1374 = tpu.memref_slice %dma_wait3A_1371[%dma_wait3A_1372, %dma_wait3A_1373] : memref<10000x64xf32, #tpu.memory_space<hbm>> -> memref<10000x64xf32, #tpu.memory_space<hbm>>
      tpu.wait_indirect_dma semaphore(%arg16 : memref<!tpu.dma_semaphore, #tpu.memory_space<semaphore_mem>>) src(%dma_wait3A_1374 : memref<10000x64xf32, #tpu.memory_space<hbm>>) dst(%arg10 : memref<32x64xf32, #tpu.memory_space<vmem>>)
      %dma_start3A_1375 = arith.constant 1 : i32
      %dma_start3A_1376 = arith.constant 14 : i32
      %dma_start3A_1377 = arith.constant 0 : i32
      %dma_start3A_1378 = tpu.memref_slice %arg7[%dma_start3A_1375, %dma_start3A_1376, %dma_start3A_1377] : memref<2x16x32xi32, #tpu.memory_space<vmem>> -> memref<1x1x32xi32, #tpu.memory_space<vmem>>
      %dma_start3A_1379 = tpu.memref_squeeze %dma_start3A_1378 : memref<1x1x32xi32, #tpu.memory_space<vmem>> -> memref<32xi32, #tpu.memory_space<vmem>>
      %dma_start3A_1380 = arith.constant 0 : i32
      %dma_start3A_1381 = arith.constant 0 : i32
      %dma_start3A_1382 = tpu.memref_slice %arg22[%dma_start3A_1380, %dma_start3A_1381] : memref<30080x64xf32, #tpu.memory_space<vmem_shared>> -> memref<30080x64xf32, #tpu.memory_space<vmem_shared>>
      tpu.enqueue_indirect_dma source(%arg10 : memref<32x64xf32, #tpu.memory_space<vmem>>) target(%dma_start3A_1382 : memref<30080x64xf32, #tpu.memory_space<vmem_shared>>) offsets(%dma_start3A_1379 : memref<32xi32, #tpu.memory_space<vmem>>) semaphore(%arg20 : memref<!tpu.dma_semaphore, #tpu.memory_space<semaphore_mem>>) {add = true}
      %dma_wait3A_1383 = arith.constant 1 : i32
      %dma_wait3A_1384 = arith.constant 15 : i32
      %dma_wait3A_1385 = arith.constant 0 : i32
      %dma_wait3A_1386 = tpu.memref_slice %arg6[%dma_wait3A_1383, %dma_wait3A_1384, %dma_wait3A_1385] : memref<2x16x32xi32, #tpu.memory_space<vmem>> -> memref<1x1x32xi32, #tpu.memory_space<vmem>>
      %dma_wait3A_1387 = tpu.memref_squeeze %dma_wait3A_1386 : memref<1x1x32xi32, #tpu.memory_space<vmem>> -> memref<32xi32, #tpu.memory_space<vmem>>
      %dma_wait3A_1388 = arith.constant 0 : i32
      %dma_wait3A_1389 = arith.constant 0 : i32
      %dma_wait3A_1390 = tpu.memref_slice %arg2[%arg0, %dma_wait3A_1388, %dma_wait3A_1389] : memref<2x10000x64xf32, #tpu.memory_space<hbm>> -> memref<1x10000x64xf32, #tpu.memory_space<hbm>>
      %dma_wait3A_1391 = tpu.memref_squeeze %dma_wait3A_1390 : memref<1x10000x64xf32, #tpu.memory_space<hbm>> -> memref<10000x64xf32, #tpu.memory_space<hbm>>
      %dma_wait3A_1392 = arith.constant 0 : i32
      %dma_wait3A_1393 = arith.constant 0 : i32
      %dma_wait3A_1394 = tpu.memref_slice %dma_wait3A_1391[%dma_wait3A_1392, %dma_wait3A_1393] : memref<10000x64xf32, #tpu.memory_space<hbm>> -> memref<10000x64xf32, #tpu.memory_space<hbm>>
      tpu.wait_indirect_dma semaphore(%arg17 : memref<!tpu.dma_semaphore, #tpu.memory_space<semaphore_mem>>) src(%dma_wait3A_1394 : memref<10000x64xf32, #tpu.memory_space<hbm>>) dst(%arg11 : memref<32x64xf32, #tpu.memory_space<vmem>>)
      %dma_start3A_1395 = arith.constant 1 : i32
      %dma_start3A_1396 = arith.constant 15 : i32
      %dma_start3A_1397 = arith.constant 0 : i32
      %dma_start3A_1398 = tpu.memref_slice %arg7[%dma_start3A_1395, %dma_start3A_1396, %dma_start3A_1397] : memref<2x16x32xi32, #tpu.memory_space<vmem>> -> memref<1x1x32xi32, #tpu.memory_space<vmem>>
      %dma_start3A_1399 = tpu.memref_squeeze %dma_start3A_1398 : memref<1x1x32xi32, #tpu.memory_space<vmem>> -> memref<32xi32, #tpu.memory_space<vmem>>
      %dma_start3A_1400 = arith.constant 0 : i32
      %dma_start3A_1401 = arith.constant 0 : i32
      %dma_start3A_1402 = tpu.memref_slice %arg22[%dma_start3A_1400, %dma_start3A_1401] : memref<30080x64xf32, #tpu.memory_space<vmem_shared>> -> memref<30080x64xf32, #tpu.memory_space<vmem_shared>>
      tpu.enqueue_indirect_dma source(%arg11 : memref<32x64xf32, #tpu.memory_space<vmem>>) target(%dma_start3A_1402 : memref<30080x64xf32, #tpu.memory_space<vmem_shared>>) offsets(%dma_start3A_1399 : memref<32xi32, #tpu.memory_space<vmem>>) semaphore(%arg21 : memref<!tpu.dma_semaphore, #tpu.memory_space<semaphore_mem>>) {add = true}
      %dma_wait3A_1403 = arith.constant 1 : i32
      %dma_wait3A_1404 = arith.constant 12 : i32
      %dma_wait3A_1405 = arith.constant 0 : i32
      %dma_wait3A_1406 = tpu.memref_slice %arg7[%dma_wait3A_1403, %dma_wait3A_1404, %dma_wait3A_1405] : memref<2x16x32xi32, #tpu.memory_space<vmem>> -> memref<1x1x32xi32, #tpu.memory_space<vmem>>
      %dma_wait3A_1407 = tpu.memref_squeeze %dma_wait3A_1406 : memref<1x1x32xi32, #tpu.memory_space<vmem>> -> memref<32xi32, #tpu.memory_space<vmem>>
      %dma_wait3A_1408 = arith.constant 0 : i32
      %dma_wait3A_1409 = arith.constant 0 : i32
      %dma_wait3A_1410 = tpu.memref_slice %arg22[%dma_wait3A_1408, %dma_wait3A_1409] : memref<30080x64xf32, #tpu.memory_space<vmem_shared>> -> memref<30080x64xf32, #tpu.memory_space<vmem_shared>>
      tpu.wait_indirect_dma semaphore(%arg18 : memref<!tpu.dma_semaphore, #tpu.memory_space<semaphore_mem>>) src(%arg8 : memref<32x64xf32, #tpu.memory_space<vmem>>) dst(%dma_wait3A_1410 : memref<30080x64xf32, #tpu.memory_space<vmem_shared>>)
      %dma_wait3A_1411 = arith.constant 1 : i32
      %dma_wait3A_1412 = arith.constant 13 : i32
      %dma_wait3A_1413 = arith.constant 0 : i32
      %dma_wait3A_1414 = tpu.memref_slice %arg7[%dma_wait3A_1411, %dma_wait3A_1412, %dma_wait3A_1413] : memref<2x16x32xi32, #tpu.memory_space<vmem>> -> memref<1x1x32xi32, #tpu.memory_space<vmem>>
      %dma_wait3A_1415 = tpu.memref_squeeze %dma_wait3A_1414 : memref<1x1x32xi32, #tpu.memory_space<vmem>> -> memref<32xi32, #tpu.memory_space<vmem>>
      %dma_wait3A_1416 = arith.constant 0 : i32
      %dma_wait3A_1417 = arith.constant 0 : i32
      %dma_wait3A_1418 = tpu.memref_slice %arg22[%dma_wait3A_1416, %dma_wait3A_1417] : memref<30080x64xf32, #tpu.memory_space<vmem_shared>> -> memref<30080x64xf32, #tpu.memory_space<vmem_shared>>
      tpu.wait_indirect_dma semaphore(%arg19 : memref<!tpu.dma_semaphore, #tpu.memory_space<semaphore_mem>>) src(%arg9 : memref<32x64xf32, #tpu.memory_space<vmem>>) dst(%dma_wait3A_1418 : memref<30080x64xf32, #tpu.memory_space<vmem_shared>>)
      %dma_wait3A_1419 = arith.constant 1 : i32
      %dma_wait3A_1420 = arith.constant 14 : i32
      %dma_wait3A_1421 = arith.constant 0 : i32
      %dma_wait3A_1422 = tpu.memref_slice %arg7[%dma_wait3A_1419, %dma_wait3A_1420, %dma_wait3A_1421] : memref<2x16x32xi32, #tpu.memory_space<vmem>> -> memref<1x1x32xi32, #tpu.memory_space<vmem>>
      %dma_wait3A_1423 = tpu.memref_squeeze %dma_wait3A_1422 : memref<1x1x32xi32, #tpu.memory_space<vmem>> -> memref<32xi32, #tpu.memory_space<vmem>>
      %dma_wait3A_1424 = arith.constant 0 : i32
      %dma_wait3A_1425 = arith.constant 0 : i32
      %dma_wait3A_1426 = tpu.memref_slice %arg22[%dma_wait3A_1424, %dma_wait3A_1425] : memref<30080x64xf32, #tpu.memory_space<vmem_shared>> -> memref<30080x64xf32, #tpu.memory_space<vmem_shared>>
      tpu.wait_indirect_dma semaphore(%arg20 : memref<!tpu.dma_semaphore, #tpu.memory_space<semaphore_mem>>) src(%arg10 : memref<32x64xf32, #tpu.memory_space<vmem>>) dst(%dma_wait3A_1426 : memref<30080x64xf32, #tpu.memory_space<vmem_shared>>)
      %dma_wait3A_1427 = arith.constant 1 : i32
      %dma_wait3A_1428 = arith.constant 15 : i32
      %dma_wait3A_1429 = arith.constant 0 : i32
      %dma_wait3A_1430 = tpu.memref_slice %arg7[%dma_wait3A_1427, %dma_wait3A_1428, %dma_wait3A_1429] : memref<2x16x32xi32, #tpu.memory_space<vmem>> -> memref<1x1x32xi32, #tpu.memory_space<vmem>>
      %dma_wait3A_1431 = tpu.memref_squeeze %dma_wait3A_1430 : memref<1x1x32xi32, #tpu.memory_space<vmem>> -> memref<32xi32, #tpu.memory_space<vmem>>
      %dma_wait3A_1432 = arith.constant 0 : i32
      %dma_wait3A_1433 = arith.constant 0 : i32
      %dma_wait3A_1434 = tpu.memref_slice %arg22[%dma_wait3A_1432, %dma_wait3A_1433] : memref<30080x64xf32, #tpu.memory_space<vmem_shared>> -> memref<30080x64xf32, #tpu.memory_space<vmem_shared>>
      tpu.wait_indirect_dma semaphore(%arg21 : memref<!tpu.dma_semaphore, #tpu.memory_space<semaphore_mem>>) src(%arg11 : memref<32x64xf32, #tpu.memory_space<vmem>>) dst(%dma_wait3A_1434 : memref<30080x64xf32, #tpu.memory_space<vmem_shared>>)
    }
    %scan3A_45 = arith.constant 20 : i32
    %barrier3A_46 = arith.constant 0 : index
    tpu.barrier barrier_id(%barrier3A_46)
    "tpu.region"() ({
      %run_scoped3A = tpu.sem_alloc : memref<!tpu.dma_semaphore, #tpu.memory_space<semaphore_mem>>
      %dma_start3A_47 = arith.constant 0 : i32
      %dma_start3A_48 = tpu.memref_slice %arg5[%arg0, %mul3A_4, %dma_start3A_47] : memref<2x30080x64xf32, #tpu.memory_space<hbm>> -> memref<1x1880x64xf32, #tpu.memory_space<hbm>>
      %dma_start3A_49 = tpu.memref_squeeze %dma_start3A_48 : memref<1x1880x64xf32, #tpu.memory_space<hbm>> -> memref<1880x64xf32, #tpu.memory_space<hbm>>
      %dma_start3A_50 = arith.constant 0 : i32
      %dma_start3A_51 = tpu.memref_slice %arg22[%mul3A_4, %dma_start3A_50] : memref<30080x64xf32, #tpu.memory_space<vmem_shared>> -> memref<1880x64xf32, #tpu.memory_space<vmem_shared>>
      tpu.enqueue_dma source(%dma_start3A_51 : memref<1880x64xf32, #tpu.memory_space<vmem_shared>>) target(%dma_start3A_49 : memref<1880x64xf32, #tpu.memory_space<hbm>>) target_semaphore(%run_scoped3A : memref<!tpu.dma_semaphore, #tpu.memory_space<semaphore_mem>>)
      %dma_wait3A = arith.constant 0 : i32
      %dma_wait3A_52 = tpu.memref_slice %arg5[%arg0, %mul3A_4, %dma_wait3A] : memref<2x30080x64xf32, #tpu.memory_space<hbm>> -> memref<1x1880x64xf32, #tpu.memory_space<hbm>>
      %dma_wait3A_53 = tpu.memref_squeeze %dma_wait3A_52 : memref<1x1880x64xf32, #tpu.memory_space<hbm>> -> memref<1880x64xf32, #tpu.memory_space<hbm>>
      %dma_wait3A_54 = arith.constant 0 : i32
      %dma_wait3A_55 = tpu.memref_slice %arg22[%mul3A_4, %dma_wait3A_54] : memref<30080x64xf32, #tpu.memory_space<vmem_shared>> -> memref<1880x64xf32, #tpu.memory_space<vmem_shared>>
      tpu.wait_dma2 semaphore(%run_scoped3A : memref<!tpu.dma_semaphore, #tpu.memory_space<semaphore_mem>>) src(%dma_wait3A_55 : memref<1880x64xf32, #tpu.memory_space<vmem_shared>>) dst(%dma_wait3A_53 : memref<1880x64xf32, #tpu.memory_space<hbm>>)
      tpu.yield
    }) : () -> ()
    return
  }
}

</mosaic_0001>

<sc_bundles>
// kernel: _sc_scatter.3.cloned.1.call-start
scs
__scs_entry_jumppad:
0x0: {  	(pc) =	sbr.rel $0x88, $3  }
0x1: {  	(tag) =	ssettag $0x0;
	lr =	simm.s32 $0x1  }
0x2: {  	[smem:$0x3F9E] =	sst lr;
	_ =	strace $0xD0000000  }
0x3: {  	_ = 	snop  }
0x4: {  	_ = 	snop  }
0x5: {  	_ = 	snop  }
0x6: {  	_ = 	snop  }
0x7: {  	_ = 	snop  }
__scs_overlays_trampoline_lowered:
0x8: {  	[smem:$0x3FAD] =	sst s0  }
0x9: {  	[smem:$0x3FAE] =	sst s1  }
0xa: {  	[smem:$0x3FAF] =	sst s2  }
0xb: {  	[smem:$0x3FB0] =	sst s3  }
0xc: {  	[smem:$0x3FB1] =	sst s4  }
0xd: {  	[smem:$0x3FB2] =	sst s5  }
0xe: {  	[smem:$0x3FB3] =	sst s6  }
0xf: {  	[smem:$0x3FB4] =	sst s7  }
0x10: {  	[smem:$0x3FB5] =	sst s8  }
0x11: {  	[smem:$0x3FB6] =	sst s9;
	s0 =	simm.s32 @!p0 $0x0  }
0x12: {  	s1 =	sld [smem:$0x3F9C];
	s0 =	simm.s32 @p0 $0x1  }
0x13: {  	[smem:$0x3FB7] =	sst s0;
	s0 =	simm.s32 @!p1 $0x0  }
0x14: {  	s2 =	sld [smem:$0x3F9B];
	s0 =	simm.s32 @p1 $0x1  }
0x15: {  	[smem:$0x3FB8] =	sst s0;
	s0 =	simm.s32 @!p2 $0x0  }
0x16: {  	s3 =	sld [smem:$0x3FDB];
	s0 =	simm.s32 @p2 $0x1  }
0x17: {  	s4 =	simm.s32 $0x1BF5;
	[smem:$0x3FBA] =	sst s0  }
0x18: {  	s0 =	sld [smem:$0x3F9D];
	_ =	swait.ge [sflag:s4], $0x0  }
0x19: {  	s7 =	sld [smem:$0x3F9E]  }
0x1a: {  	s8 =	sadd.s32 $0xFFFFE003, lr  }
0x1b: {  	s9 =	sadd.s32 $0xFFFFFEF7, lr;
	s5 =	simm.s32 $0xFFFFFFFF;
	p2 =	slt.u32 s8, $0xFFFFF086  }
0x1c: {  	p1 =	slt.u32 s9, $0xF7A;
	s5 =	simm.s32 @!p2 $0x0  }
0x1d: {  	s5 =	simm.s32 @p1 $0x1;
	p0 =	seq.s32 s7, s2  }
0x1e: {  	s7 =	smul.u32 @!p0 $0xF7A, s2;
	p2 =	seq.s32 @!p0 s5, $0x0  }
0x1f: {  	s9 =	smul.u32 $0xF7A, s1;
	s8 =	simm.s32 @!p0 $0x1BF5;
	p2 =	por !p2, p0  }
0x20: {  	[sflag:s8] =	ssyncset.s32 @!p0 $0xFFFFF086;
	s6 =	sadd.s32 @!p0 s3, s7;
	s7 =	simm.s32 @!p0 $0x108  }
0x21: {  	s3 =	sadd.s32 s3, s9;
	s6 =	sadd.s32 @!p0 $0x88, s6;
	s7 =	simm.s32 @p2 $0x1082  }
0x22: {  	[simem:s7], [sflag:s8] =	dma.local @!p0 [hbm:s6], $0xF7A  }
0x23: {  	s9 =	sor.u32 $0xD0000000, s2;
	s6 =	simm.s32 $0x108;
	_ =	swait.ge @!p0 [sflag:s8], $0x0  }
0x24: {  	s3 =	sadd.s32 $0x88, s3;
	s6 =	simm.s32 @!p1 $0x1082;
	[sflag:s4] =	ssyncset.s32 $0xFFFFF086  }
0x25: {  	[simem:s6], [sflag:s4] =	dma.local [hbm:s3], $0xF7A  }
0x26: {  	[smem:$0x3F9E] =	sst s1;
	(tag) =	ssettag s2;
	_ =	strace s9  }
0x27: {  	s1 =	sld [smem:$0x3FAE]  }
0x28: {  	s2 =	sld [smem:$0x3FAF]  }
0x29: {  	s4 =	sld [smem:$0x3FB1]  }
0x2a: {  	p0 =	seq.s32 s5, $0x0;
	s5 =	sld [smem:$0x3FB2]  }
0x2b: {  	s6 =	sld [smem:$0x3FB3]  }
0x2c: {  	s7 =	sld [smem:$0x3FB4]  }
0x2d: {  	s3 =	simm.s32 $0x108;
	s8 =	sld [smem:$0x3FB5]  }
0x2e: {  	s3 =	simm.s32 @!p0 $0x1082;
	s9 =	sld [smem:$0x3FB6]  }
0x2f: {  	lr =	sadd.s32 s0, s3;
	s0 =	sld [smem:$0x3FAD]  }
0x30: {  	s3 =	sld [smem:$0x3FB0]  }
0x31: {  	[smem:$0x3FB9] =	sst s10  }
0x32: {  	s10 =	sld [smem:$0x3FB7];
	_ =	sdelay $0x3  }
0x33: {  	p0 =	seq.s32 s10, $0x1;
	s10 =	sld [smem:$0x3FB9];
	_ =	sdelay $0x3  }
0x34: {  	[smem:$0x3FB9] =	sst s10  }
0x35: {  	s10 =	sld [smem:$0x3FB8];
	_ =	sdelay $0x3  }
0x36: {  	p1 =	seq.s32 s10, $0x1;
	s10 =	sld [smem:$0x3FB9];
	_ =	sdelay $0x3  }
0x37: {  	[smem:$0x3FB9] =	sst s10  }
0x38: {  	s10 =	sld [smem:$0x3FBA]  }
0x39: {  	_ = 	snop;
	(pc) =	sbr.ind lr, $3  }
0x3a: {  	_ = 	snop  }
0x3b: {  	_ = 	snop  }
0x3c: {  	p2 =	seq.s32 s10, $0x1;
	s10 =	sld [smem:$0x3FB9]  }
0x3d: {  	_ =	shalt  }
0x3e: {  	_ =	shalt  }
0x3f: {  	_ =	shalt  }
0x40: {  	_ =	shalt  }
0x41: {  	_ =	shalt  }
0x42: {  	_ =	shalt  }
0x43: {  	_ =	shalt  }
0x44: {  	_ =	shalt  }
0x45: {  	_ =	shalt  }
0x46: {  	_ =	shalt  }
0x47: {  	_ =	shalt  }
0x48: {  	_ =	shalt  }
0x49: {  	_ =	shalt  }
0x4a: {  	_ =	shalt  }
0x4b: {  	_ =	shalt  }
0x4c: {  	_ =	shalt  }
0x4d: {  	_ =	shalt  }
0x4e: {  	_ =	shalt  }
0x4f: {  	_ =	shalt  }
0x50: {  	_ =	shalt  }
0x51: {  	_ =	shalt  }
0x52: {  	_ =	shalt  }
0x53: {  	_ =	shalt  }
0x54: {  	_ =	shalt  }
0x55: {  	_ =	shalt  }
0x56: {  	_ =	shalt  }
0x57: {  	_ =	shalt  }
0x58: {  	_ =	shalt  }
0x59: {  	_ =	shalt  }
0x5a: {  	_ =	shalt  }
0x5b: {  	_ =	shalt  }
0x5c: {  	_ =	shalt  }
0x5d: {  	_ =	shalt  }
0x5e: {  	_ =	shalt  }
0x5f: {  	_ =	shalt  }
0x60: {  	_ =	shalt  }
0x61: {  	_ =	shalt  }
0x62: {  	_ =	shalt  }
0x63: {  	_ =	shalt  }
0x64: {  	_ =	shalt  }
0x65: {  	_ =	shalt  }
0x66: {  	_ =	shalt  }
0x67: {  	_ =	shalt  }
0x68: {  	_ =	shalt  }
0x69: {  	_ =	shalt  }
0x6a: {  	_ =	shalt  }
0x6b: {  	_ =	shalt  }
0x6c: {  	_ =	shalt  }
0x6d: {  	_ =	shalt  }
0x6e: {  	_ =	shalt  }
0x6f: {  	_ =	shalt  }
0x70: {  	_ =	shalt  }
0x71: {  	_ =	shalt  }
0x72: {  	_ =	shalt  }
0x73: {  	_ =	shalt  }
0x74: {  	_ =	shalt  }
0x75: {  	_ =	shalt  }
0x76: {  	_ =	shalt  }
0x77: {  	_ =	shalt  }
0x78: {  	_ =	shalt  }
0x79: {  	_ =	shalt  }
0x7a: {  	_ =	shalt  }
0x7b: {  	_ =	shalt  }
0x7c: {  	_ =	shalt  }
0x7d: {  	_ =	shalt  }
0x7e: {  	_ =	shalt  }
0x7f: {  	_ =	shalt  }
0x80: {  	_ =	shalt  }
0x81: {  	_ =	shalt  }
0x82: {  	_ =	shalt  }
0x83: {  	_ =	shalt  }
0x84: {  	_ =	shalt  }
0x85: {  	_ =	shalt  }
0x86: {  	_ =	shalt  }
0x87: {  	_ =	shalt  }
.Lfunc_end0:
.L_simem_size_0:
called_computation_lowered:
.L_overlay_start_0:
0x88: {  	s2 =	sld [smem:$0x3FD9]  }
0x89: {  	s3 =	sld [smem:$0x3FFE];
	_ =	sdelay $0x1  }
0x8a: {  	s1 =	srdreg.scid  }
0x8b: {  	s0 =	sand.u32 $0x1, s1  }
0x8c: {  	s17 =	sshll.u32 s0, $0xA;
	s2 =	sadd.s32 s3, s2  }
0x8d: {  	s2 =	sadd.s32 s2, s17  }
0x8e: {  	[smem:$0x3FC5] =	sst s2  }
0x8f: {  	_ = 	snop  }
0x90: {  	s2 =	sld [smem:$0x3FC8]  }
0x91: {  	s18 =	sld [smem:$0x3FC7]  }
0x92: {  	s4 =	sld [smem:$0x3FD0];
	(tm) =	ssettm $0x1  }
0x93: {  	s5 =	sld [smem:$0x3FFB];
	_ =	sdelay $0x3  }
0x94: {  	_ =	strace s5  }
0x95: {  	s5 =	sld [smem:$0x3FFC];
	_ =	sdelay $0x3  }
0x96: {  	_ =	strace s5  }
0x97: {  	s5 =	sld [smem:$0x3FFD];
	_ =	sdelay $0x3  }
0x98: {  	_ =	strace s5  }
0x99: {  	_ =	strace $0x8FFFFFFF  }
0x9a: {  	s19 =	sld [smem:$0x3FDB];
	_ =	sdelay $0x1  }
0x9b: {  	s6 =	simm.s32 $_scs_section_size  }
0x9c: {  	s7 =	simm.s32 $_size__tile_overlayer_lowered;
	s8 =	simm.s32 $_tile_overlayer_lowered  }
0x9d: {  	s22 =	simm.s32 $0x1BFF;
	s21 =	sshll.u32 s8, $0x1;
	s5 =	sadd.s32 s6, s19  }
0x9e: {  	s9 =	simm.s32 $0x0;
	s20 =	sshll.u32 s7, $0x1;
	s7 =	sadd.s32 s21, s5  }
0x9f: {  	[timem:s9], [sflag:s22] =	dma.local [hbm:s7], s20  }
0xa0: {  	_ =	swait.ge [sflag:s22], s20  }
0xa1: {  	s6 =	ssub.s32 $0x0, s20;
	[sflag:s22] =	ssyncset.done $0x0  }
0xa2: {  	[sflag:s22] =	ssyncadd.s32 s6;
	_ =	sdelay $0x1  }
0xa3: {  	s23 =	simm.s32 $0x1B8B  }
0xa4: {  	_ =	swait.ge [sflag:s23], $0x1  }
0xa5: {  	[sflag:s23] =	ssyncset.done $0x0  }
0xa6: {  	s25 =	simm.s32 $0x1B8E;
	s24 =	sld [smem:$0x3FFE];
	[sflag:s23] =	ssyncadd.s32 $0xFFFFFFFF  }
0xa7: {  	s26 =	simm.s32 $execute0_lowered;
	[smem:$0x3FD2] =	sst s25  }
0xa8: {  	s7 =	sshll.u32 s26, $0x1;
	_ =	strace $0x80000046;
	[dreg:$0x1] =	wrdreg $0xFFFFFFFF  }
0xa9: {  	s28 =	simm.s32 $_size_execute0_lowered;
	s5 =	sadd.s32 s5, s7;
	[dreg:$0x0] =	wrdreg $0x0  }
0xaa: {  	s7 =	sshll.u32 s28, $0x1;
	[dreg:$0x2] =	wrdreg s5  }
0xab: {  	[dreg:$0x3] =	wrdreg s7  }
0xac: {  	[dreg:$0x4] =	wrdreg $0xC0  }
0xad: {  	_ =	task [dreg:s9], $0x5FFFF  }
0xae: {  	[dreg:$0x1] =	wrdreg $0xFFFFFFFF  }
0xaf: {  	[dreg:$0x0] =	wrdreg $0x60  }
0xb0: {  	[dreg:$0x2] =	wrdreg s24  }
0xb1: {  	[dreg:$0x3] =	wrdreg s2  }
0xb2: {  	[dreg:$0x4] =	wrdreg s18  }
0xb3: {  	[dreg:$0x5] =	wrdreg s4  }
0xb4: {  	[dreg:$0x6] =	wrdreg $0x28000  }
0xb5: {  	[dreg:$0x7] =	wrdreg $0x9  }
0xb6: {  	_ =	task.clear_ibuf [dreg:s9], $0x8FFFF;
	_ =	strace $0x90000046  }
0xb7: {  	s29 =	simm.s32 $0x9;
	_ =	strace $0x80000048  }
0xb8: {  	_ =	swait.ge [sflag:s29], $0x1  }
0xb9: {  	[sflag:s29] =	ssyncadd.s32 $0xFFFFFFFF  }
0xba: {  	_ =	strace $0x90000048  }
0xbb: {  	_ =	sfence  }
0xbc: {  	s30 =	sld [smem:$0x0];
	_ =	sdelay $0x2  }
0xbd: {  	s31 =	sshll.u32 s1, $0xD;
	s1 =	sshrl.u32 s1, $0x2  }
0xbe: {  	s3 =	sand.u32 $0x4000, s31;
	s1 =	sadd.s32 s1, s30  }
0xbf: {  	s0 =	sor.u32 s3, s0;
	s1 =	sshll.u32 s1, $0x11  }
0xc0: {  	s0 =	sor.u32 s1, s0  }
0xc1: {  	s0 =	sadd.s32 $0x8F2B, s0  }
0xc2: {  	[sflag:s0] =	ssyncadd.remote.s32 $0x1  }
0xc3: {  	_ =	sfence.sel $0xFFFF  }
0xc4: {  	[dreg:$0x0] =	wrdreg $0xFFFFFFFF;
	(pc) =	sbr.abs _section_cstart, $3  }
0xc5: {  	[dreg:$0x1] =	wrdreg $0xFFFFFFFF  }
0xc6: {  	_ =	task.clear_ibuf [dreg:s9], $0x2FFFF;
	_ =	strace $0x9FFFFFFF  }
0xc7: {  	(tm) =	ssettm $0x7FFFFFFF  }
tec
execute0_lowered:
.L_overlay_start_1:
0x0: {  	(tag) =	ssettag $0x1  }
0x1: {  	s0 =	rddreg [dreg:$0x0]  }
0x2: {  	s1 =	rddreg [dreg:$0x1]  }
0x3: {  	s2 =	rddreg [dreg:$0x2]  }
0x4: {  	s4 =	rddreg [dreg:$0x3]  }
0x5: {  	s3 =	rddreg [dreg:$0x4];
	s5 =	srdreg.scid  }
0x6: {  	s7 =	simm.s32 $0x0;
	s10 =	stileid.u32;
	s16 =	simm.s32 $0x800  }
0x7: {  	s17 =	simm.s32 $0xB;
	s29 =	simm.s32 $0x2000;
	s30 =	simm.s32 $0x3  }
0x8: {  	s31 =	simm.s32 $0x7;
	s14 =	simm.s32 $0x5;
	s28 =	simm.s32 $0xA  }
0x9: {  	s5 =	sand.u32 $0x1, s5;
	[smem:$0x7FF] =	sst s7;
	s19 =	smul.u32 $0x75800, s10  }
0xa: {  	s9 =	smul.u32 $0x1D600, s10;
	s23 =	sshll.u32 s10, $0x6;
	s12 =	sor.u32 $0x20, s10  }
0xb: {  	s6 =	smul.u32 $0x13880, s5;
	_ =	strace $0x80000047;
	s8 =	ssub.s32 $0x2, s5  }
0xc: {  	s5 =	smul.u32 $0x1D6000, s5;
	s11 =	sadd.s32 s1, s23;
	[dreg:$0x7] =	wrdreg s23  }
0xd: {  	s20 =	sshrl.u32 s19, $0x2;
	s21 =	sshrl.u32 s8, $0x1;
	[dreg:$0x8] =	wrdreg s11  }
0xe: {  	s11 =	sor.u32 $0x10, s10;
	s25 =	sadd.s32 s9, s3;
	s19 =	simm.s32 $0x1  }
0xf: {  	s0 =	sadd.s32 s6, s0;
	s6 =	sadd.s32 s20, s3;
	s7 =	ssub.s32 s8, s21  }
0x10: {  	s8 =	sadd.s32 s2, s23;
	s5 =	sadd.s32 s9, s5;
	s20 =	simm.s32 $0x200  }
0x11: {  	s21 =	simm.s32 $0x600;
	s23 =	simm.s32 $0x1000;
	s9 =	simm.s32 $0x8  }
0x12: {  	s22 =	sadd.s32 $0x1D000, s6;
	[dreg:$0x9] =	wrdreg s8;
	s5 =	sshrl.u32 s5, $0x3  }
0x13: {  	s13 =	sadd.s32 $0x400, s0;
	s26 =	smax.u32 s7, $0x1;
	s0 =	sshrl.u32 s25, $0x3  }
0x14: {  	s25 =	simm.s32 $0x9;
	s8 =	simm.s32 $0x0;
	[dreg:$0x6] =	wrdreg s22  }
0x15: {  	s24 =	sadd.s32 s4, s5;
	[dreg:$0xb] =	wrdreg s26;
	s22 =	simm.s32 $0x20  }
0x16: {  	[dreg:$0xc] =	wrdreg s0;
	s26 =	simm.s32 $0x1800;
	s4 =	simm.s32 $0x4  }
0x17: {  	v0 =	vimm.f32 $0.0e+00;
	s5 =	simm.s32 $0x6;
	s0 =	simm.s32 $0x2;
	[dreg:$0xa] =	wrdreg s24  }
.LBB2_1:
0x18: {  	[dreg:$0xd] =	wrdreg s8;
	s7 =	simm.s32 $0x0  }
.LBB2_2:
0x19: {  	p0 =	sne.s32 s7, $0x1F00  }
.Ltmp0:
0x1a: {  	s8 =	sshra.s32 s7, $0x2;
	(pc) =	sbr.rel @p0 .LBB2_2-.Ltmp0, $4  }
0x1b: {  	[tilespmem:s8+$0x800] =	vst v0  }
0x1c: {  	[tilespmem:s8+$0x810] =	vst v0  }
0x1d: {  	[tilespmem:s8+$0x820] =	vst v0  }
0x1e: {  	s7 =	sadd.s32 $0x100, s7;
	[tilespmem:s8+$0x830] =	vst v0  }
0x1f: {  	s7 =	sadd.s32 $0x0, s6  }
0x20: {  	[spmem:s7] =	stream.linear.scatter [tilespmem:s16], [sflag:$0xB], $0x800, $0x38;
	[tilespmem:$0x1FE00] =	vst v63  }
0x21: {  	s7 =	simm.s32 $0x2000;
	_ =	swait.ge [sflag:s17], $0x800  }
.LBB2_4:
0x22: {  	s8 =	sshra.s32 s7, $0x2;
	[sflag:s17] =	ssyncset.done $0x0;
	p0 =	sne.s32 s7, $0x72000  }
.Ltmp1:
0x23: {  	s8 =	sadd.s32 s8, s6;
	[sflag:s17] =	ssyncadd.s32 $0xFFFFF800;
	(pc) =	sbr.rel @p0 .LBB2_4-.Ltmp1, $3  }
0x24: {  	[spmem:s8] =	stream.linear.scatter [tilespmem:s16], [sflag:$0xB], $0x800, $0x38;
	[tilespmem:$0x1FE00] =	vst v63  }
0x25: {  	s7 =	sadd.s32 $0x2000, s7;
	_ =	sdelay $0x1  }
0x26: {  	_ =	swait.ge [sflag:s17], $0x800  }
0x27: {  	[sflag:s17] =	ssyncset.done $0x0  }
0x28: {  	s7 =	rddreg [dreg:$0x6];
	[sflag:s17] =	ssyncadd.s32 $0xFFFFF800  }
0x29: {  	[spmem:s7] =	stream.linear.scatter [tilespmem:s16], [sflag:$0xB], $0x600, $0x38;
	[tilespmem:$0x1FE00] =	vst v63  }
0x2a: {  	_ =	swait.ge [sflag:s17], $0x600  }
0x2b: {  	[sflag:s17] =	ssyncset.done $0x0  }
0x2c: {  	[sflag:s17] =	ssyncadd.s32 $0xFFFFFA00  }
0x2d: {  	[bflag:$0x0] =	sbarrier.arrive $0xFFFF  }
0x2e: {  	s7 =	simm.s32 $0x0;
	s8 =	rddreg [dreg:$0x8]  }
0x2f: {  	[tilespmem:s7], [sflag:$0x1] =	stream.linear.gather [hbm4b:s8+s7], $0x200, $0x38;
	[tilespmem:$0x1FE00] =	vst v63  }
0x30: {  	s10 =	simm.s32 $0x400;
	s24 =	rddreg [dreg:$0x9]  }
0x31: {  	[tilespmem:s10], [sflag:$0x1] =	stream.linear.gather [hbm4b:s24+s7], $0x200, $0x38;
	[tilespmem:$0x1FE00] =	vst v63  }
0x32: {  	s10 =	simm.s32 $0x0  }
.LBB2_6:
0x33: {  	_ =	swait.ge [sflag:s19], $0x200  }
0x34: {  	s18 =	sshll.u32 s10, $0x5;
	[sflag:s19] =	ssyncset.done $0x0  }
0x35: {  	s8 =	sor.u32 s11, s18;
	[sflag:s19] =	ssyncadd.s32 $0xFFFFFE00  }
0x36: {  	p0 =	slt.u32 s8, $0x271;
	s8 =	sshll.u32 s8, $0x6;
	_ =	swait.ge [sflag:s19], $0x200  }
0x37: {  	s8 =	simm.s32 @!p0 $0x0;
	[sflag:s19] =	ssyncset.done $0x0  }
0x38: {  	s15 =	sadd.s32 s1, s8;
	[sflag:s19] =	ssyncadd.s32 $0xFFFFFE00  }
0x39: {  	[tilespmem:s20], [sflag:$0x2] =	stream.linear.gather [hbm4b:s15+s7], $0x200, $0x38;
	[tilespmem:$0x1FE00] =	vst v63  }
0x3a: {  	s8 =	sadd.s32 s2, s8;
	s15 =	simm.s32 $0x0  }
0x3b: {  	[tilespmem:s21], [sflag:$0x2] =	stream.linear.gather [hbm4b:s8+s7], $0x200, $0x38;
	[tilespmem:$0x1FE00] =	vst v63  }
0x3c: {  	s8 =	simm.s32 $0x80;
	v1 =	vld [tilespmem:s15+$0x0]  }
.LBB2_7:
0x3d: {  	p1 =	sne.s32 s8, $0x780;
	v2 =	vld [tilespmem:s15+$0x10];
	_ =	sdelay $0x3  }
0x3e: {  	vm0 =	vgt.s32 v1, $0x270F;
	v3 =	vadd.s32 $0xFFFFD8F0, v1  }
.Ltmp2:
0x3f: {  	v1 =	vsel vm0, v3, v1;
	vm0 =	vgt.s32 v2, $0x270F;
	v3 =	vadd.s32 $0xFFFFD8F0, v2;
	(pc) =	sbr.rel @p1 .LBB2_7-.Ltmp2, $4  }
0x40: {  	vm1 =	vgt.s32 v1, $0x270F;
	v4 =	vadd.s32 $0xFFFFD8F0, v1;
	v2 =	vsel vm0, v3, v2  }
0x41: {  	v1 =	vsel vm1, v4, v1;
	vm0 =	vgt.s32 v2, $0x270F;
	v3 =	vadd.s32 $0xFFFFD8F0, v2  }
0x42: {  	s24 =	sshra.s32 s8, $0x2;
	[tilespmem:s15+$0x0] =	vst v1;
	v2 =	vsel vm0, v3, v2  }
0x43: {  	s8 =	sadd.s32 $0x80, s8;
	v1 =	vld [tilespmem:s24+$0x0];
	[tilespmem:s15+$0x10] =	vst v2;
	s15 =	smov.u32 s24  }
0x44: {  	v2 =	vld [tilespmem:s15+$0x10];
	_ =	sdelay $0x3  }
0x45: {  	vm0 =	vgt.s32 v1, $0x270F;
	v3 =	vadd.s32 $0xFFFFD8F0, v1  }
0x46: {  	v1 =	vsel vm0, v3, v1;
	vm15 =	vgt.s32 v2, $0x270F;
	v3 =	vadd.s32 $0xFFFFD8F0, v2  }
0x47: {  	vm1 =	vgt.s32 v1, $0x270F;
	v4 =	vadd.s32 $0xFFFFD8F0, v1;
	v2 =	vsel vm15, v3, v2  }
0x48: {  	v1 =	vsel vm1, v4, v1;
	vm0 =	vgt.s32 v2, $0x270F;
	v3 =	vadd.s32 $0xFFFFD8F0, v2  }
0x49: {  	[tilespmem:s15+$0x0] =	vst v1;
	v1 =	vsel vm0, v3, v2  }
0x4a: {  	s8 =	simm.s32 $0x0;
	[tilespmem:s15+$0x10] =	vst v1  }
0x4b: {  	[tilespmem:s16], [sflag:$0x3] =	stream.indirect.gather [hbm4b:s13+s22], $0x40, s8, s22, $0xb8;
	[tilespmem:$0x1FE00] =	vst v63  }
0x4c: {  	_ = 	snop  }
0x4d: {  	[tilespmem:s23], [sflag:$0x4] =	stream.indirect.gather [hbm4b:s13+s22], $0x40, s22, s22, $0xb8;
	[tilespmem:$0x1FE00] =	vst v63  }
0x4e: {  	s15 =	simm.s32 $0x40  }
0x4f: {  	[tilespmem:s26], [sflag:$0x5] =	stream.indirect.gather [hbm4b:s13+s22], $0x40, s15, s22, $0xb8;
	[tilespmem:$0x1FE00] =	vst v63  }
0x50: {  	s24 =	simm.s32 $0x60  }
0x51: {  	[tilespmem:s29], [sflag:$0x6] =	stream.indirect.gather [hbm4b:s13+s22], $0x40, s24, s22, $0xb8;
	[tilespmem:$0x1FE00] =	vst v63  }
0x52: {  	_ =	swait.ge [sflag:s30], $0x800  }
0x53: {  	[sflag:s30] =	ssyncset.done $0x0  }
0x54: {  	s15 =	simm.s32 $0x400;
	[sflag:s30] =	ssyncadd.s32 $0xFFFFF800  }
0x55: {  	[spmem:s3] =	stream.indirect.scatter.add.f32 [tilespmem:s16], [sflag:$0x7], $0x40, s15, s22, $0xb8;
	[tilespmem:$0x1FE00] =	vst v63  }
0x56: {  	_ =	swait.ge [sflag:s31], $0x800  }
0x57: {  	[sflag:s31] =	ssyncset.done $0x0  }
0x58: {  	s24 =	simm.s32 $0x80;
	[sflag:s31] =	ssyncadd.s32 $0xFFFFF800  }
0x59: {  	[tilespmem:s16], [sflag:$0x3] =	stream.indirect.gather [hbm4b:s13+s22], $0x40, s24, s22, $0xb8;
	[tilespmem:$0x1FE00] =	vst v63  }
0x5a: {  	_ =	swait.ge [sflag:s4], $0x800  }
0x5b: {  	[sflag:s4] =	ssyncset.done $0x0  }
0x5c: {  	s15 =	simm.s32 $0x420;
	[sflag:s4] =	ssyncadd.s32 $0xFFFFF800  }
0x5d: {  	[spmem:s3] =	stream.indirect.scatter.add.f32 [tilespmem:s23], [sflag:$0x8], $0x40, s15, s22, $0xb8;
	[tilespmem:$0x1FE00] =	vst v63  }
0x5e: {  	_ =	swait.ge [sflag:s9], $0x800  }
0x5f: {  	[sflag:s9] =	ssyncset.done $0x0  }
0x60: {  	s24 =	simm.s32 $0xA0;
	[sflag:s9] =	ssyncadd.s32 $0xFFFFF800  }
0x61: {  	[tilespmem:s23], [sflag:$0x4] =	stream.indirect.gather [hbm4b:s13+s22], $0x40, s24, s22, $0xb8;
	[tilespmem:$0x1FE00] =	vst v63  }
0x62: {  	_ =	swait.ge [sflag:s14], $0x800  }
0x63: {  	[sflag:s14] =	ssyncset.done $0x0  }
0x64: {  	s15 =	simm.s32 $0x440;
	[sflag:s14] =	ssyncadd.s32 $0xFFFFF800  }
0x65: {  	[spmem:s3] =	stream.indirect.scatter.add.f32 [tilespmem:s26], [sflag:$0x9], $0x40, s15, s22, $0xb8;
	[tilespmem:$0x1FE00] =	vst v63  }
0x66: {  	_ =	swait.ge [sflag:s25], $0x800  }
0x67: {  	[sflag:s25] =	ssyncset.done $0x0  }
0x68: {  	s24 =	simm.s32 $0xC0;
	[sflag:s25] =	ssyncadd.s32 $0xFFFFF800  }
0x69: {  	[tilespmem:s26], [sflag:$0x5] =	stream.indirect.gather [hbm4b:s13+s22], $0x40, s24, s22, $0xb8;
	[tilespmem:$0x1FE00] =	vst v63  }
0x6a: {  	_ =	swait.ge [sflag:s5], $0x800  }
0x6b: {  	[sflag:s5] =	ssyncset.done $0x0  }
0x6c: {  	s15 =	simm.s32 $0x460;
	[sflag:s5] =	ssyncadd.s32 $0xFFFFF800  }
0x6d: {  	[spmem:s3] =	stream.indirect.scatter.add.f32 [tilespmem:s29], [sflag:$0xA], $0x40, s15, s22, $0xb8;
	[tilespmem:$0x1FE00] =	vst v63  }
0x6e: {  	_ =	swait.ge [sflag:s28], $0x800  }
0x6f: {  	[sflag:s28] =	ssyncset.done $0x0  }
0x70: {  	s24 =	simm.s32 $0xE0;
	[sflag:s28] =	ssyncadd.s32 $0xFFFFF800  }
0x71: {  	[tilespmem:s29], [sflag:$0x6] =	stream.indirect.gather [hbm4b:s13+s22], $0x40, s24, s22, $0xb8;
	[tilespmem:$0x1FE00] =	vst v63  }
0x72: {  	_ =	swait.ge [sflag:s30], $0x800  }
0x73: {  	[sflag:s30] =	ssyncset.done $0x0  }
0x74: {  	s15 =	simm.s32 $0x480;
	[sflag:s30] =	ssyncadd.s32 $0xFFFFF800  }
0x75: {  	[spmem:s3] =	stream.indirect.scatter.add.f32 [tilespmem:s16], [sflag:$0x7], $0x40, s15, s22, $0xb8;
	[tilespmem:$0x1FE00] =	vst v63  }
0x76: {  	_ =	swait.ge [sflag:s31], $0x800  }
0x77: {  	[sflag:s31] =	ssyncset.done $0x0  }
0x78: {  	s24 =	simm.s32 $0x100;
	[sflag:s31] =	ssyncadd.s32 $0xFFFFF800  }
0x79: {  	[tilespmem:s16], [sflag:$0x3] =	stream.indirect.gather [hbm4b:s13+s22], $0x40, s24, s22, $0xb8;
	[tilespmem:$0x1FE00] =	vst v63  }
0x7a: {  	_ =	swait.ge [sflag:s4], $0x800  }
0x7b: {  	[sflag:s4] =	ssyncset.done $0x0  }
0x7c: {  	s15 =	simm.s32 $0x4A0;
	[sflag:s4] =	ssyncadd.s32 $0xFFFFF800  }
0x7d: {  	[spmem:s3] =	stream.indirect.scatter.add.f32 [tilespmem:s23], [sflag:$0x8], $0x40, s15, s22, $0xb8;
	[tilespmem:$0x1FE00] =	vst v63  }
0x7e: {  	_ =	swait.ge [sflag:s9], $0x800  }
0x7f: {  	[sflag:s9] =	ssyncset.done $0x0  }
0x80: {  	s24 =	simm.s32 $0x120;
	[sflag:s9] =	ssyncadd.s32 $0xFFFFF800  }
0x81: {  	[tilespmem:s23], [sflag:$0x4] =	stream.indirect.gather [hbm4b:s13+s22], $0x40, s24, s22, $0xb8;
	[tilespmem:$0x1FE00] =	vst v63  }
0x82: {  	_ =	swait.ge [sflag:s14], $0x800  }
0x83: {  	[sflag:s14] =	ssyncset.done $0x0  }
0x84: {  	s15 =	simm.s32 $0x4C0;
	[sflag:s14] =	ssyncadd.s32 $0xFFFFF800  }
0x85: {  	[spmem:s3] =	stream.indirect.scatter.add.f32 [tilespmem:s26], [sflag:$0x9], $0x40, s15, s22, $0xb8;
	[tilespmem:$0x1FE00] =	vst v63  }
0x86: {  	_ =	swait.ge [sflag:s25], $0x800  }
0x87: {  	[sflag:s25] =	ssyncset.done $0x0  }
0x88: {  	s24 =	simm.s32 $0x140;
	[sflag:s25] =	ssyncadd.s32 $0xFFFFF800  }
0x89: {  	[tilespmem:s26], [sflag:$0x5] =	stream.indirect.gather [hbm4b:s13+s22], $0x40, s24, s22, $0xb8;
	[tilespmem:$0x1FE00] =	vst v63  }
0x8a: {  	_ =	swait.ge [sflag:s5], $0x800  }
0x8b: {  	[sflag:s5] =	ssyncset.done $0x0  }
0x8c: {  	s15 =	simm.s32 $0x4E0;
	[sflag:s5] =	ssyncadd.s32 $0xFFFFF800  }
0x8d: {  	[spmem:s3] =	stream.indirect.scatter.add.f32 [tilespmem:s29], [sflag:$0xA], $0x40, s15, s22, $0xb8;
	[tilespmem:$0x1FE00] =	vst v63  }
0x8e: {  	_ =	swait.ge [sflag:s28], $0x800  }
0x8f: {  	[sflag:s28] =	ssyncset.done $0x0  }
0x90: {  	s24 =	simm.s32 $0x160;
	[sflag:s28] =	ssyncadd.s32 $0xFFFFF800  }
0x91: {  	[tilespmem:s29], [sflag:$0x6] =	stream.indirect.gather [hbm4b:s13+s22], $0x40, s24, s22, $0xb8;
	[tilespmem:$0x1FE00] =	vst v63  }
0x92: {  	_ =	swait.ge [sflag:s30], $0x800  }
0x93: {  	[sflag:s30] =	ssyncset.done $0x0  }
0x94: {  	s15 =	simm.s32 $0x500;
	[sflag:s30] =	ssyncadd.s32 $0xFFFFF800  }
0x95: {  	[spmem:s3] =	stream.indirect.scatter.add.f32 [tilespmem:s16], [sflag:$0x7], $0x40, s15, s22, $0xb8;
	[tilespmem:$0x1FE00] =	vst v63  }
0x96: {  	_ =	swait.ge [sflag:s31], $0x800  }
0x97: {  	[sflag:s31] =	ssyncset.done $0x0  }
0x98: {  	s24 =	simm.s32 $0x180;
	[sflag:s31] =	ssyncadd.s32 $0xFFFFF800  }
0x99: {  	[tilespmem:s16], [sflag:$0x3] =	stream.indirect.gather [hbm4b:s13+s22], $0x40, s24, s22, $0xb8;
	[tilespmem:$0x1FE00] =	vst v63  }
0x9a: {  	_ =	swait.ge [sflag:s4], $0x800  }
0x9b: {  	[sflag:s4] =	ssyncset.done $0x0  }
0x9c: {  	s15 =	simm.s32 $0x520;
	[sflag:s4] =	ssyncadd.s32 $0xFFFFF800  }
0x9d: {  	[spmem:s3] =	stream.indirect.scatter.add.f32 [tilespmem:s23], [sflag:$0x8], $0x40, s15, s22, $0xb8;
	[tilespmem:$0x1FE00] =	vst v63  }
0x9e: {  	_ =	swait.ge [sflag:s9], $0x800  }
0x9f: {  	[sflag:s9] =	ssyncset.done $0x0  }
0xa0: {  	s24 =	simm.s32 $0x1A0;
	[sflag:s9] =	ssyncadd.s32 $0xFFFFF800  }
0xa1: {  	[tilespmem:s23], [sflag:$0x4] =	stream.indirect.gather [hbm4b:s13+s22], $0x40, s24, s22, $0xb8;
	[tilespmem:$0x1FE00] =	vst v63  }
0xa2: {  	_ =	swait.ge [sflag:s14], $0x800  }
0xa3: {  	[sflag:s14] =	ssyncset.done $0x0  }
0xa4: {  	s15 =	simm.s32 $0x540;
	[sflag:s14] =	ssyncadd.s32 $0xFFFFF800  }
0xa5: {  	[spmem:s3] =	stream.indirect.scatter.add.f32 [tilespmem:s26], [sflag:$0x9], $0x40, s15, s22, $0xb8;
	[tilespmem:$0x1FE00] =	vst v63  }
0xa6: {  	_ =	swait.ge [sflag:s25], $0x800  }
0xa7: {  	[sflag:s25] =	ssyncset.done $0x0  }
0xa8: {  	s24 =	simm.s32 $0x1C0;
	[sflag:s25] =	ssyncadd.s32 $0xFFFFF800  }
0xa9: {  	[tilespmem:s26], [sflag:$0x5] =	stream.indirect.gather [hbm4b:s13+s22], $0x40, s24, s22, $0xb8;
	[tilespmem:$0x1FE00] =	vst v63  }
0xaa: {  	_ =	swait.ge [sflag:s5], $0x800  }
0xab: {  	[sflag:s5] =	ssyncset.done $0x0  }
0xac: {  	s15 =	simm.s32 $0x560;
	[sflag:s5] =	ssyncadd.s32 $0xFFFFF800  }
0xad: {  	[spmem:s3] =	stream.indirect.scatter.add.f32 [tilespmem:s29], [sflag:$0xA], $0x40, s15, s22, $0xb8;
	[tilespmem:$0x1FE00] =	vst v63  }
0xae: {  	_ =	swait.ge [sflag:s28], $0x800  }
0xaf: {  	[sflag:s28] =	ssyncset.done $0x0  }
0xb0: {  	s24 =	simm.s32 $0x1E0;
	[sflag:s28] =	ssyncadd.s32 $0xFFFFF800  }
0xb1: {  	[tilespmem:s29], [sflag:$0x6] =	stream.indirect.gather [hbm4b:s13+s22], $0x40, s24, s22, $0xb8;
	[tilespmem:$0x1FE00] =	vst v63  }
0xb2: {  	_ =	swait.ge [sflag:s30], $0x800  }
0xb3: {  	[sflag:s30] =	ssyncset.done $0x0  }
0xb4: {  	s15 =	simm.s32 $0x580;
	[sflag:s30] =	ssyncadd.s32 $0xFFFFF800  }
0xb5: {  	[spmem:s3] =	stream.indirect.scatter.add.f32 [tilespmem:s16], [sflag:$0x7], $0x40, s15, s22, $0xb8;
	[tilespmem:$0x1FE00] =	vst v63  }
0xb6: {  	_ =	swait.ge [sflag:s4], $0x800  }
0xb7: {  	[sflag:s4] =	ssyncset.done $0x0  }
0xb8: {  	s24 =	simm.s32 $0x5A0;
	[sflag:s4] =	ssyncadd.s32 $0xFFFFF800  }
0xb9: {  	[spmem:s3] =	stream.indirect.scatter.add.f32 [tilespmem:s23], [sflag:$0x8], $0x40, s24, s22, $0xb8;
	[tilespmem:$0x1FE00] =	vst v63  }
0xba: {  	_ =	swait.ge [sflag:s14], $0x800  }
0xbb: {  	[sflag:s14] =	ssyncset.done $0x0  }
0xbc: {  	s15 =	simm.s32 $0x5C0;
	[sflag:s14] =	ssyncadd.s32 $0xFFFFF800  }
0xbd: {  	[spmem:s3] =	stream.indirect.scatter.add.f32 [tilespmem:s26], [sflag:$0x9], $0x40, s15, s22, $0xb8;
	[tilespmem:$0x1FE00] =	vst v63  }
0xbe: {  	_ =	swait.ge [sflag:s5], $0x800  }
0xbf: {  	[sflag:s5] =	ssyncset.done $0x0  }
0xc0: {  	s24 =	simm.s32 $0x5E0;
	[sflag:s5] =	ssyncadd.s32 $0xFFFFF800  }
0xc1: {  	[spmem:s3] =	stream.indirect.scatter.add.f32 [tilespmem:s29], [sflag:$0xA], $0x40, s24, s22, $0xb8;
	[tilespmem:$0x1FE00] =	vst v63  }
0xc2: {  	_ =	swait.ge [sflag:s31], $0x800  }
0xc3: {  	[sflag:s31] =	ssyncset.done $0x0  }
0xc4: {  	[sflag:s31] =	ssyncadd.s32 $0xFFFFF800  }
0xc5: {  	_ =	swait.ge [sflag:s9], $0x800  }
0xc6: {  	[sflag:s9] =	ssyncset.done $0x0  }
0xc7: {  	[sflag:s9] =	ssyncadd.s32 $0xFFFFF800  }
0xc8: {  	_ =	swait.ge [sflag:s25], $0x800  }
0xc9: {  	[sflag:s25] =	ssyncset.done $0x0  }
0xca: {  	[sflag:s25] =	ssyncadd.s32 $0xFFFFF800  }
0xcb: {  	_ =	swait.ge [sflag:s28], $0x800  }
0xcc: {  	[sflag:s28] =	ssyncset.done $0x0  }
0xcd: {  	[sflag:s28] =	ssyncadd.s32 $0xFFFFF800  }
0xce: {  	p1 =	seq.s32 s10, $0x13;
	_ =	swait.ge [sflag:s0], $0x200  }
0xcf: {  	s8 =	sadd.s32 @!p1 s12, s18;
	[sflag:s0] =	ssyncset.done $0x0  }
0xd0: {  	p2 =	slt.u32 @!p1 s8, $0x271;
	[sflag:s0] =	ssyncadd.s32 $0xFFFFFE00  }
0xd1: {  	s8 =	sshll.u32 @!p1 s8, $0x6;
	p2 =	por !p2, p1;
	_ =	swait.ge [sflag:s0], $0x200  }
0xd2: {  	s8 =	simm.s32 @p2 $0x0;
	[sflag:s0] =	ssyncset.done $0x0  }
0xd3: {  	s18 =	simm.s32 @!p1 $0x0;
	s15 =	sadd.s32 @!p1 s1, s8;
	[sflag:s0] =	ssyncadd.s32 $0xFFFFFE00  }
0xd4: {  	[tilespmem:s18], [sflag:$0x1] =	stream.linear.gather @!p1 [hbm4b:s15+s18], $0x200, $0x38;
	[tilespmem:$0x1FE00] =	vst v63  }
0xd5: {  	s8 =	sadd.s32 @!p1 s2, s8;
	s15 =	simm.s32 @!p1 $0x400  }
0xd6: {  	[tilespmem:s15], [sflag:$0x1] =	stream.linear.gather @!p1 [hbm4b:s8+s18], $0x200, $0x38;
	[tilespmem:$0x1FE00] =	vst v63  }
0xd7: {  	s18 =	simm.s32 $0x0  }
0xd8: {  	v1 =	vld [tilespmem:s18+$0x600]  }
0xd9: {  	v2 =	vld [tilespmem:s18+$0x610]  }
0xda: {  	s15 =	simm.s32 $0x80;
	v3 =	vld [tilespmem:s18+$0x200]  }
.LBB2_9:
0xdb: {  	p1 =	sne.s32 s15, $0x780;
	v4 =	vld [tilespmem:s18+$0x210];
	_ =	sdelay $0x2  }
0xdc: {  	v1 =	vpsel !p0, $0x7530, v1  }
0xdd: {  	v2 =	vpsel !p0, $0x7530, v2;
	vm0 =	vgt.s32 v3, $0x270F;
	v5 =	vadd.s32 $0xFFFFD8F0, v3  }
.Ltmp3:
0xde: {  	v3 =	vsel vm0, v5, v3;
	vm0 =	vgt.s32 v4, $0x270F;
	v5 =	vadd.s32 $0xFFFFD8F0, v4;
	(pc) =	sbr.rel @p1 .LBB2_9-.Ltmp3, $4  }
0xdf: {  	s8 =	sshra.s32 s15, $0x2;
	vm1 =	vgt.s32 v3, $0x270F;
	v6 =	vadd.s32 $0xFFFFD8F0, v3;
	[tilespmem:s18+$0x600] =	vst v1;
	v4 =	vsel vm0, v5, v4  }
0xe0: {  	v1 =	vld [tilespmem:s8+$0x600];
	v3 =	vsel vm1, v6, v3;
	vm0 =	vgt.s32 v4, $0x270F;
	v5 =	vadd.s32 $0xFFFFD8F0, v4;
	[tilespmem:s18+$0x610] =	vst v2  }
0xe1: {  	v2 =	vld [tilespmem:s8+$0x610];
	[tilespmem:s18+$0x200] =	vst v3;
	v4 =	vsel vm0, v5, v4  }
0xe2: {  	s15 =	sadd.s32 $0x80, s15;
	v3 =	vld [tilespmem:s8+$0x200];
	[tilespmem:s18+$0x210] =	vst v4;
	s18 =	smov.u32 s8  }
0xe3: {  	v4 =	vld [tilespmem:s18+$0x210];
	_ =	sdelay $0x2  }
0xe4: {  	v1 =	vpsel !p0, $0x7530, v1  }
0xe5: {  	v2 =	vpsel !p0, $0x7530, v2;
	vm0 =	vgt.s32 v3, $0x270F;
	v5 =	vadd.s32 $0xFFFFD8F0, v3  }
0xe6: {  	v3 =	vsel vm0, v5, v3;
	vm15 =	vgt.s32 v4, $0x270F;
	v63 =	vadd.s32 $0xFFFFD8F0, v4  }
0xe7: {  	[tilespmem:s18+$0x600] =	vst v1;
	vm1 =	vgt.s32 v3, $0x270F;
	v6 =	vadd.s32 $0xFFFFD8F0, v3;
	v1 =	vsel vm15, v63, v4  }
0xe8: {  	[tilespmem:s18+$0x610] =	vst v2;
	v3 =	vsel vm1, v6, v3;
	vm0 =	vgt.s32 v1, $0x270F;
	v4 =	vadd.s32 $0xFFFFD8F0, v1  }
0xe9: {  	[tilespmem:s18+$0x200] =	vst v3;
	v1 =	vsel vm0, v4, v1  }
0xea: {  	[tilespmem:s18+$0x210] =	vst v1  }
0xeb: {  	[tilespmem:s16], [sflag:$0x3] =	stream.indirect.gather [hbm4b:s13+s22], $0x40, s20, s22, $0xb8;
	[tilespmem:$0x1FE00] =	vst v63  }
0xec: {  	s8 =	simm.s32 $0x220  }
0xed: {  	[tilespmem:s23], [sflag:$0x4] =	stream.indirect.gather [hbm4b:s13+s22], $0x40, s8, s22, $0xb8;
	[tilespmem:$0x1FE00] =	vst v63  }
0xee: {  	s18 =	simm.s32 $0x240  }
0xef: {  	[tilespmem:s26], [sflag:$0x5] =	stream.indirect.gather [hbm4b:s13+s22], $0x40, s18, s22, $0xb8;
	[tilespmem:$0x1FE00] =	vst v63  }
0xf0: {  	s24 =	simm.s32 $0x260  }
0xf1: {  	[tilespmem:s29], [sflag:$0x6] =	stream.indirect.gather [hbm4b:s13+s22], $0x40, s24, s22, $0xb8;
	[tilespmem:$0x1FE00] =	vst v63  }
0xf2: {  	_ =	swait.ge [sflag:s30], $0x800  }
0xf3: {  	[sflag:s30] =	ssyncset.done $0x0  }
0xf4: {  	[sflag:s30] =	ssyncadd.s32 $0xFFFFF800  }
0xf5: {  	[spmem:s3] =	stream.indirect.scatter.add.f32 [tilespmem:s16], [sflag:$0x7], $0x40, s21, s22, $0xb8;
	[tilespmem:$0x1FE00] =	vst v63  }
0xf6: {  	_ =	swait.ge [sflag:s31], $0x800  }
0xf7: {  	[sflag:s31] =	ssyncset.done $0x0  }
0xf8: {  	s15 =	simm.s32 $0x280;
	[sflag:s31] =	ssyncadd.s32 $0xFFFFF800  }
0xf9: {  	[tilespmem:s16], [sflag:$0x3] =	stream.indirect.gather [hbm4b:s13+s22], $0x40, s15, s22, $0xb8;
	[tilespmem:$0x1FE00] =	vst v63  }
0xfa: {  	_ =	swait.ge [sflag:s4], $0x800  }
0xfb: {  	[sflag:s4] =	ssyncset.done $0x0  }
0xfc: {  	s18 =	simm.s32 $0x620;
	[sflag:s4] =	ssyncadd.s32 $0xFFFFF800  }
0xfd: {  	[spmem:s3] =	stream.indirect.scatter.add.f32 [tilespmem:s23], [sflag:$0x8], $0x40, s18, s22, $0xb8;
	[tilespmem:$0x1FE00] =	vst v63  }
0xfe: {  	_ =	swait.ge [sflag:s9], $0x800  }
0xff: {  	[sflag:s9] =	ssyncset.done $0x0  }
0x100: {  	s24 =	simm.s32 $0x2A0;
	[sflag:s9] =	ssyncadd.s32 $0xFFFFF800  }
0x101: {  	[tilespmem:s23], [sflag:$0x4] =	stream.indirect.gather [hbm4b:s13+s22], $0x40, s24, s22, $0xb8;
	[tilespmem:$0x1FE00] =	vst v63  }
0x102: {  	_ =	swait.ge [sflag:s14], $0x800  }
0x103: {  	[sflag:s14] =	ssyncset.done $0x0  }
0x104: {  	s15 =	simm.s32 $0x640;
	[sflag:s14] =	ssyncadd.s32 $0xFFFFF800  }
0x105: {  	[spmem:s3] =	stream.indirect.scatter.add.f32 [tilespmem:s26], [sflag:$0x9], $0x40, s15, s22, $0xb8;
	[tilespmem:$0x1FE00] =	vst v63  }
0x106: {  	_ =	swait.ge [sflag:s25], $0x800  }
0x107: {  	[sflag:s25] =	ssyncset.done $0x0  }
0x108: {  	s18 =	simm.s32 $0x2C0;
	[sflag:s25] =	ssyncadd.s32 $0xFFFFF800  }
0x109: {  	[tilespmem:s26], [sflag:$0x5] =	stream.indirect.gather [hbm4b:s13+s22], $0x40, s18, s22, $0xb8;
	[tilespmem:$0x1FE00] =	vst v63  }
0x10a: {  	_ =	swait.ge [sflag:s5], $0x800  }
0x10b: {  	[sflag:s5] =	ssyncset.done $0x0  }
0x10c: {  	s24 =	simm.s32 $0x660;
	[sflag:s5] =	ssyncadd.s32 $0xFFFFF800  }
0x10d: {  	[spmem:s3] =	stream.indirect.scatter.add.f32 [tilespmem:s29], [sflag:$0xA], $0x40, s24, s22, $0xb8;
	[tilespmem:$0x1FE00] =	vst v63  }
0x10e: {  	_ =	swait.ge [sflag:s28], $0x800  }
0x10f: {  	[sflag:s28] =	ssyncset.done $0x0  }
0x110: {  	s15 =	simm.s32 $0x2E0;
	[sflag:s28] =	ssyncadd.s32 $0xFFFFF800  }
0x111: {  	[tilespmem:s29], [sflag:$0x6] =	stream.indirect.gather [hbm4b:s13+s22], $0x40, s15, s22, $0xb8;
	[tilespmem:$0x1FE00] =	vst v63  }
0x112: {  	_ =	swait.ge [sflag:s30], $0x800  }
0x113: {  	[sflag:s30] =	ssyncset.done $0x0  }
0x114: {  	s18 =	simm.s32 $0x680;
	[sflag:s30] =	ssyncadd.s32 $0xFFFFF800  }
0x115: {  	[spmem:s3] =	stream.indirect.scatter.add.f32 [tilespmem:s16], [sflag:$0x7], $0x40, s18, s22, $0xb8;
	[tilespmem:$0x1FE00] =	vst v63  }
0x116: {  	_ =	swait.ge [sflag:s31], $0x800  }
0x117: {  	[sflag:s31] =	ssyncset.done $0x0  }
0x118: {  	s24 =	simm.s32 $0x300;
	[sflag:s31] =	ssyncadd.s32 $0xFFFFF800  }
0x119: {  	[tilespmem:s16], [sflag:$0x3] =	stream.indirect.gather [hbm4b:s13+s22], $0x40, s24, s22, $0xb8;
	[tilespmem:$0x1FE00] =	vst v63  }
0x11a: {  	_ =	swait.ge [sflag:s4], $0x800  }
0x11b: {  	[sflag:s4] =	ssyncset.done $0x0  }
0x11c: {  	s15 =	simm.s32 $0x6A0;
	[sflag:s4] =	ssyncadd.s32 $0xFFFFF800  }
0x11d: {  	[spmem:s3] =	stream.indirect.scatter.add.f32 [tilespmem:s23], [sflag:$0x8], $0x40, s15, s22, $0xb8;
	[tilespmem:$0x1FE00] =	vst v63  }
0x11e: {  	_ =	swait.ge [sflag:s9], $0x800  }
0x11f: {  	[sflag:s9] =	ssyncset.done $0x0  }
0x120: {  	s18 =	simm.s32 $0x320;
	[sflag:s9] =	ssyncadd.s32 $0xFFFFF800  }
0x121: {  	[tilespmem:s23], [sflag:$0x4] =	stream.indirect.gather [hbm4b:s13+s22], $0x40, s18, s22, $0xb8;
	[tilespmem:$0x1FE00] =	vst v63  }
0x122: {  	_ =	swait.ge [sflag:s14], $0x800  }
0x123: {  	[sflag:s14] =	ssyncset.done $0x0  }
0x124: {  	s24 =	simm.s32 $0x6C0;
	[sflag:s14] =	ssyncadd.s32 $0xFFFFF800  }
0x125: {  	[spmem:s3] =	stream.indirect.scatter.add.f32 [tilespmem:s26], [sflag:$0x9], $0x40, s24, s22, $0xb8;
	[tilespmem:$0x1FE00] =	vst v63  }
0x126: {  	_ =	swait.ge [sflag:s25], $0x800  }
0x127: {  	[sflag:s25] =	ssyncset.done $0x0  }
0x128: {  	s15 =	simm.s32 $0x340;
	[sflag:s25] =	ssyncadd.s32 $0xFFFFF800  }
0x129: {  	[tilespmem:s26], [sflag:$0x5] =	stream.indirect.gather [hbm4b:s13+s22], $0x40, s15, s22, $0xb8;
	[tilespmem:$0x1FE00] =	vst v63  }
0x12a: {  	_ =	swait.ge [sflag:s5], $0x800  }
0x12b: {  	[sflag:s5] =	ssyncset.done $0x0  }
0x12c: {  	s18 =	simm.s32 $0x6E0;
	[sflag:s5] =	ssyncadd.s32 $0xFFFFF800  }
0x12d: {  	[spmem:s3] =	stream.indirect.scatter.add.f32 [tilespmem:s29], [sflag:$0xA], $0x40, s18, s22, $0xb8;
	[tilespmem:$0x1FE00] =	vst v63  }
0x12e: {  	_ =	swait.ge [sflag:s28], $0x800  }
0x12f: {  	[sflag:s28] =	ssyncset.done $0x0  }
0x130: {  	s24 =	simm.s32 $0x360;
	[sflag:s28] =	ssyncadd.s32 $0xFFFFF800  }
0x131: {  	[tilespmem:s29], [sflag:$0x6] =	stream.indirect.gather [hbm4b:s13+s22], $0x40, s24, s22, $0xb8;
	[tilespmem:$0x1FE00] =	vst v63  }
0x132: {  	_ =	swait.ge [sflag:s30], $0x800  }
0x133: {  	[sflag:s30] =	ssyncset.done $0x0  }
0x134: {  	s15 =	simm.s32 $0x700;
	[sflag:s30] =	ssyncadd.s32 $0xFFFFF800  }
0x135: {  	[spmem:s3] =	stream.indirect.scatter.add.f32 [tilespmem:s16], [sflag:$0x7], $0x40, s15, s22, $0xb8;
	[tilespmem:$0x1FE00] =	vst v63  }
0x136: {  	_ =	swait.ge [sflag:s31], $0x800  }
0x137: {  	[sflag:s31] =	ssyncset.done $0x0  }
0x138: {  	s18 =	simm.s32 $0x380;
	[sflag:s31] =	ssyncadd.s32 $0xFFFFF800  }
0x139: {  	[tilespmem:s16], [sflag:$0x3] =	stream.indirect.gather [hbm4b:s13+s22], $0x40, s18, s22, $0xb8;
	[tilespmem:$0x1FE00] =	vst v63  }
0x13a: {  	_ =	swait.ge [sflag:s4], $0x800  }
0x13b: {  	[sflag:s4] =	ssyncset.done $0x0  }
0x13c: {  	s24 =	simm.s32 $0x720;
	[sflag:s4] =	ssyncadd.s32 $0xFFFFF800  }
0x13d: {  	[spmem:s3] =	stream.indirect.scatter.add.f32 [tilespmem:s23], [sflag:$0x8], $0x40, s24, s22, $0xb8;
	[tilespmem:$0x1FE00] =	vst v63  }
0x13e: {  	_ =	swait.ge [sflag:s9], $0x800  }
0x13f: {  	[sflag:s9] =	ssyncset.done $0x0  }
0x140: {  	s15 =	simm.s32 $0x3A0;
	[sflag:s9] =	ssyncadd.s32 $0xFFFFF800  }
0x141: {  	[tilespmem:s23], [sflag:$0x4] =	stream.indirect.gather [hbm4b:s13+s22], $0x40, s15, s22, $0xb8;
	[tilespmem:$0x1FE00] =	vst v63  }
0x142: {  	_ =	swait.ge [sflag:s14], $0x800  }
0x143: {  	[sflag:s14] =	ssyncset.done $0x0  }
0x144: {  	s18 =	simm.s32 $0x740;
	[sflag:s14] =	ssyncadd.s32 $0xFFFFF800  }
0x145: {  	[spmem:s3] =	stream.indirect.scatter.add.f32 [tilespmem:s26], [sflag:$0x9], $0x40, s18, s22, $0xb8;
	[tilespmem:$0x1FE00] =	vst v63  }
0x146: {  	_ =	swait.ge [sflag:s25], $0x800  }
0x147: {  	[sflag:s25] =	ssyncset.done $0x0  }
0x148: {  	s24 =	simm.s32 $0x3C0;
	[sflag:s25] =	ssyncadd.s32 $0xFFFFF800  }
0x149: {  	[tilespmem:s26], [sflag:$0x5] =	stream.indirect.gather [hbm4b:s13+s22], $0x40, s24, s22, $0xb8;
	[tilespmem:$0x1FE00] =	vst v63  }
0x14a: {  	_ =	swait.ge [sflag:s5], $0x800  }
0x14b: {  	[sflag:s5] =	ssyncset.done $0x0  }
0x14c: {  	s15 =	simm.s32 $0x760;
	[sflag:s5] =	ssyncadd.s32 $0xFFFFF800  }
0x14d: {  	[spmem:s3] =	stream.indirect.scatter.add.f32 [tilespmem:s29], [sflag:$0xA], $0x40, s15, s22, $0xb8;
	[tilespmem:$0x1FE00] =	vst v63  }
0x14e: {  	_ =	swait.ge [sflag:s28], $0x800  }
0x14f: {  	[sflag:s28] =	ssyncset.done $0x0  }
0x150: {  	s18 =	simm.s32 $0x3E0;
	[sflag:s28] =	ssyncadd.s32 $0xFFFFF800  }
0x151: {  	[tilespmem:s29], [sflag:$0x6] =	stream.indirect.gather [hbm4b:s13+s22], $0x40, s18, s22, $0xb8;
	[tilespmem:$0x1FE00] =	vst v63  }
0x152: {  	_ =	swait.ge [sflag:s30], $0x800  }
0x153: {  	[sflag:s30] =	ssyncset.done $0x0  }
0x154: {  	s24 =	simm.s32 $0x780;
	[sflag:s30] =	ssyncadd.s32 $0xFFFFF800  }
0x155: {  	[spmem:s3] =	stream.indirect.scatter.add.f32 [tilespmem:s16], [sflag:$0x7], $0x40, s24, s22, $0xb8;
	[tilespmem:$0x1FE00] =	vst v63  }
0x156: {  	_ =	swait.ge [sflag:s4], $0x800  }
0x157: {  	[sflag:s4] =	ssyncset.done $0x0  }
0x158: {  	s15 =	simm.s32 $0x7A0;
	[sflag:s4] =	ssyncadd.s32 $0xFFFFF800  }
0x159: {  	[spmem:s3] =	stream.indirect.scatter.add.f32 [tilespmem:s23], [sflag:$0x8], $0x40, s15, s22, $0xb8;
	[tilespmem:$0x1FE00] =	vst v63  }
0x15a: {  	_ =	swait.ge [sflag:s14], $0x800  }
0x15b: {  	[sflag:s14] =	ssyncset.done $0x0  }
0x15c: {  	s18 =	simm.s32 $0x7C0;
	[sflag:s14] =	ssyncadd.s32 $0xFFFFF800  }
0x15d: {  	[spmem:s3] =	stream.indirect.scatter.add.f32 [tilespmem:s26], [sflag:$0x9], $0x40, s18, s22, $0xb8;
	[tilespmem:$0x1FE00] =	vst v63  }
0x15e: {  	_ =	swait.ge [sflag:s5], $0x800  }
0x15f: {  	[sflag:s5] =	ssyncset.done $0x0  }
0x160: {  	s24 =	simm.s32 $0x7E0;
	[sflag:s5] =	ssyncadd.s32 $0xFFFFF800  }
0x161: {  	[spmem:s3] =	stream.indirect.scatter.add.f32 [tilespmem:s29], [sflag:$0xA], $0x40, s24, s22, $0xb8;
	[tilespmem:$0x1FE00] =	vst v63  }
0x162: {  	_ =	swait.ge [sflag:s31], $0x800  }
0x163: {  	[sflag:s31] =	ssyncset.done $0x0  }
0x164: {  	[sflag:s31] =	ssyncadd.s32 $0xFFFFF800  }
0x165: {  	_ =	swait.ge [sflag:s9], $0x800  }
0x166: {  	[sflag:s9] =	ssyncset.done $0x0  }
0x167: {  	s10 =	sadd.s32 $0x1, s10;
	[sflag:s9] =	ssyncadd.s32 $0xFFFFF800  }
0x168: {  	p0 =	sne.s32 s10, $0x14;
	_ =	swait.ge [sflag:s25], $0x800  }
.Ltmp4:
0x169: {  	[sflag:s25] =	ssyncset.done $0x0;
	(pc) =	sbr.rel @p0 .LBB2_6-.Ltmp4, $4  }
0x16a: {  	[sflag:s25] =	ssyncadd.s32 $0xFFFFF800  }
0x16b: {  	_ =	swait.ge [sflag:s28], $0x800  }
0x16c: {  	[sflag:s28] =	ssyncset.done $0x0  }
0x16d: {  	[sflag:s28] =	ssyncadd.s32 $0xFFFFF800  }
0x16e: {  	[bflag:$0x0] =	sbarrier.arrive $0xFFFF  }
0x16f: {  	s7 =	rddreg [dreg:$0x7]  }
0x170: {  	s8 =	rddreg [dreg:$0xa]  }
0x171: {  	s10 =	rddreg [dreg:$0xc];
	s7 =	sor.u32 $0x1C0B, s7  }
0x172: {  	[hbm:s8], [sflag:s7] =	dma.local [spmem:s10], $0x3AC0  }
0x173: {  	_ =	swait.ge [sflag:s17], $0x3AC0  }
0x174: {  	s18 =	rddreg [dreg:$0xd]  }
0x175: {  	s24 =	rddreg [dreg:$0xb];
	s8 =	sadd.s32 $0x1, s18  }
0x176: {  	p0 =	sne.s32 s8, s24  }
.Ltmp5:
0x177: {  	_ = 	snop;
	(pc) =	sbr.rel @p0 .LBB2_1-.Ltmp5, $3  }
0x178: {  	_ =	sdelay $0x1  }
0x179: {  	[sflag:s17] =	ssyncset.done $0x0  }
0x17a: {  	[sflag:s17] =	ssyncadd.s32 $0xFFFFC540  }
0x17b: {  	_ =	sfence.sel $0x180000  }
0x17c: {  	[bflag:$0x0] =	sbarrier.arrive $0xFFFF  }
0x17d: {  	_ =	strace $0x90000047  }
0x17e: {  	s0 =	stileid.u32;
	[bflag:$0x2] =	sbarrier.arrive $0xFFFF  }
0x17f: {  	p0 =	sne.s32 s0, $0x0;
	s0 =	rddreg [dreg:$0x5]  }
0x180: {  	s0 =	sadd.s32 @!p0 $0x100000, s0  }
0x181: {  	[sflag:s0] =	ssyncadd.tile.s32 @!p0 $0x1;
	_ =	shalt  }
.Lfunc_end2:
_tile_overlayer_lowered:
.L_overlay_start_2:
0x182: {  	(tag) =	ssettag $0x2  }
0x183: {  	s0 =	rddreg [dreg:$0x0];
	s2 =	stileid.u32  }
0x184: {  	s1 =	rddreg [dreg:$0x1];
	p0 =	sne.s32 s2, $0x0  }
0x185: {  	s3 =	rddreg [dreg:$0x2];
	[bflag:$0x3] =	sbarrier.arrive $0xFFFF;
	s2 =	simm.s32 @!p0 $0x1C0B  }
0x186: {  	[timem:s3], [sflag:s2] =	dma.local @!p0 [hbm:s0], s1  }
0x187: {  	s0 =	simm.s32 @!p0 $0xB  }
0x188: {  	_ =	swait.ge @!p0 [sflag:s0], s1  }
0x189: {  	s1 =	ssub.s32 @!p0 $0x0, s1;
	[sflag:s0] =	ssyncset.done @!p0 $0x0  }
0x18a: {  	[sflag:s0] =	ssyncadd.s32 @!p0 s1  }
0x18b: {  	[bflag:$0x3] =	sbarrier.arrive $0xFFFF  }
0x18c: {  	_ =	shalt  }

</sc_bundles>
